<compile_context>
chip_gen: v7x
topology: tpu7x:2x2x1
jax: 0.10.2.dev20260603
libtpu: 0.0.44.dev20260713+nightly
codegen_flags: <defaults>
</compile_context>

<pallas_src>
import math

import jax
import jax.numpy as jnp
from jax import lax
from jax.experimental import pallas as pl
from jax.experimental.pallas import tpu as pltpu
from jax.experimental.pallas import tpu_sc as plsc

VOCAB = 100000
EMB = 64
SCALE = math.sqrt(EMB)

NC = 2
NS = 16
NW = NC * NS
L = 16

NB = 4096
NT = 200
BU = 128
NU = NT * (NB // BU)
U_PER_W = NU // NW
EG = EMB // 8
NRB = 4


def _gather_body(
    table_hbm, idx_hbm, out_hbm, idx_v, rows_v, r65_v, tbuf_v, gsem, wsem
):
    wid = lax.axis_index("s") * NC + lax.axis_index("c")
    u0 = wid * U_PER_W

    pltpu.sync_copy(idx_hbm.at[pl.ds(u0, U_PER_W)], idx_v)

    viota = lax.iota(jnp.int32, L)

    def fire_gather(j, buf):
        pltpu.async_copy(
            table_hbm.at[idx_v.at[j]], rows_v.at[buf], gsem.at[buf]
        )

    def wait_gather(buf):
        pltpu.make_async_copy(
            table_hbm.at[idx_v.at[0]], rows_v.at[buf], gsem.at[buf]
        ).wait()

    def transpose_unit(rb, tb):
        @plsc.parallel_loop(0, BU, unroll=2)
        def _r(r):
            for c0 in range(EMB // L):
                v = rows_v[rb, r, pl.ds(c0 * L, L)]
                r65_v[r, pl.ds(c0 * L, L)] = v

        @plsc.parallel_loop(0, 64, unroll=2)
        def _i(i):
            l0 = i >> 3
            eg = i & 7
            row_ids = viota + l0 * 16
            dst0 = l0 * 16
            for es in range(8):
                col_ids = lax.broadcast(eg * 8 + es, (L,))
                vals = plsc.load_gather(r65_v, [row_ids, col_ids])
                tbuf_v[tb, eg, es, pl.ds(dst0, L)] = vals * SCALE

    def dst_slice(j):
        u = u0 + j
        t = u >> 5
        bg = u & 31
        return out_hbm.at[t, :, bg]

    for rb in range(NRB):
        fire_gather(rb, rb)

    @pl.loop(0, U_PER_W, step=NRB)
    def _main(g):
        for rb in range(NRB):
            j = g + rb
            tb = rb & 1
            wait_gather(rb)

            @pl.when(j >= 2)
            def _():
                pltpu.make_async_copy(
                    tbuf_v.at[tb], dst_slice(j - 2), wsem.at[tb]
                ).wait()

            transpose_unit(rb, tb)

            @pl.when(j + NRB < U_PER_W)
            def _():
                fire_gather(j + NRB, rb)

            pltpu.async_copy(tbuf_v.at[tb], dst_slice(j), wsem.at[tb])

    for tb in range(2):
        j = U_PER_W - 2 + tb
        pltpu.make_async_copy(tbuf_v.at[tb], dst_slice(j), wsem.at[tb]).wait()


def _impl(tokens, table):
    mesh = plsc.VectorSubcoreMesh(core_axis_name="c", subcore_axis_name="s")
    idx = tokens.T.reshape(NU, 128)
    out5 = pl.kernel(
        _gather_body,
        out_type=jax.ShapeDtypeStruct((NT, EG, NB // 128, 8, 128), jnp.float32),
        mesh=mesh,
        scratch_types=[
            pltpu.VMEM((U_PER_W, 128), jnp.int32),
            pltpu.VMEM((NRB, BU, EMB), jnp.float32),
            pltpu.VMEM((BU, EMB + 1), jnp.float32),
            pltpu.VMEM((2, EG, 8, 128), jnp.float32),
            pltpu.SemaphoreType.DMA((NRB,)),
            pltpu.SemaphoreType.DMA((2,)),
        ],
        compiler_params=pltpu.CompilerParams(
            use_tc_tiling_on_sc=False, needs_layout_passes=False
        ),
    )(table, idx)
    return out5.transpose(2, 4, 0, 1, 3).reshape(NB, NT, EMB)


def kernel(tokens, table):
    return _impl(tokens, table)

# --- scband reference (transcript-rebuilt; emitter-appended) ---
"""Pipeline reference for scband-token-embedding-7791070675028 (READ-ONLY COPY).

The authoritative reference and input builder live on the scoring server;
editing this copy changes nothing except your own understanding.
"""

import jax, jax.numpy as jnp
import numpy as np
import math

VOCAB = 100000
EMB = 64
PAD_IDX = 0


def setup_inputs(seed: int = 0) -> dict:
    key = jax.random.key(seed)
    k1, k2 = jax.random.split(key)
    tokens = jax.random.randint(k1, (4096, 200), 0, VOCAB, dtype=jnp.int32)
    # nn.Embedding weight ~ N(0, 1); padding_idx row is zeroed at init
    table = jax.random.normal(k2, (VOCAB, EMB), dtype=jnp.float32)
    table = table.at[PAD_IDX].set(0.0)
    return {"tokens": tokens, "table": table}


def reference(tokens, table):
    # TokenEmbedding.forward: embedding(tokens.long()) * sqrt(emb_size)
    emb = jnp.take(table, tokens, axis=0)
    return emb * math.sqrt(EMB)

if __name__ == "__main__":
    import jax
    _d = setup_inputs()
    print(jax.jit(kernel)(*tuple(_d.values())))

</pallas_src>

<mosaic_0001>
#map = affine_map<(d0, d1) -> (0, 0)>
#map1 = affine_map<(d0, d1) -> (0, 0, 0, 0, 0)>
module attributes {stable_mosaic.version = 14 : i64} {
  func.func @_gather_body(%arg0: i32, %arg1: i32, %arg2: memref<100000x64xf32, #tpu.memory_space<hbm>>, %arg3: memref<6400x128xi32, #tpu.memory_space<hbm>>, %arg4: memref<200x8x32x8x128xf32, #tpu.memory_space<hbm>>, %arg5: memref<200x128xi32, #tpu.memory_space<vmem>>, %arg6: memref<4x128x64xf32, #tpu.memory_space<vmem>>, %arg7: memref<128x65xf32, #tpu.memory_space<vmem>>, %arg8: memref<2x8x8x128xf32, #tpu.memory_space<vmem>>, %arg9: memref<4x!tpu.dma_semaphore, #tpu.memory_space<semaphore_mem>>, %arg10: memref<2x!tpu.dma_semaphore, #tpu.memory_space<semaphore_mem>>) attributes {dimension_semantics = [#tpu.dimension_semantics<core_parallel>, #tpu.dimension_semantics<subcore_parallel>], iteration_bounds = array<i64: 2, 16>, scalar_prefetch = 0 : i64, scratch_operands = 6 : i64, tpu.core_type = #tpu.core_type<sc_vector_subcore>, window_params = [{transform_indices = #map}, {transform_indices = #map}, {transform_indices = #map1}]} {
    %mul3A = arith.constant 2 : i32
    %mul3A_0 = arith.muli %arg1, %mul3A : i32
    %add3A = arith.addi %mul3A_0, %arg0 : i32
    %mul3A_1 = arith.constant 200 : i32
    %mul3A_2 = arith.muli %add3A, %mul3A_1 : i32
    "tpu.region"() ({
      %run_scoped3A = tpu.sem_alloc : memref<!tpu.dma_semaphore, #tpu.memory_space<semaphore_mem>>
      %dma_start3A_123 = arith.constant 0 : i32
      %dma_start3A_124 = tpu.memref_slice %arg3[%mul3A_2, %dma_start3A_123] : memref<6400x128xi32, #tpu.memory_space<hbm>> -> memref<200x128xi32, #tpu.memory_space<hbm>>
      %dma_start3A_125 = arith.constant 0 : i32
      %dma_start3A_126 = tpu.memref_slice %arg3[%mul3A_2, %dma_start3A_125] : memref<6400x128xi32, #tpu.memory_space<hbm>> -> memref<200x128xi32, #tpu.memory_space<hbm>>
      tpu.enqueue_dma source(%dma_start3A_126 : memref<200x128xi32, #tpu.memory_space<hbm>>) target(%arg5 : memref<200x128xi32, #tpu.memory_space<vmem>>) target_semaphore(%run_scoped3A : memref<!tpu.dma_semaphore, #tpu.memory_space<semaphore_mem>>)
      %dma_wait3A_127 = arith.constant 0 : i32
      %dma_wait3A_128 = tpu.memref_slice %arg3[%mul3A_2, %dma_wait3A_127] : memref<6400x128xi32, #tpu.memory_space<hbm>> -> memref<200x128xi32, #tpu.memory_space<hbm>>
      %dma_wait3A_129 = arith.constant 0 : i32
      %dma_wait3A_130 = tpu.memref_slice %arg3[%mul3A_2, %dma_wait3A_129] : memref<6400x128xi32, #tpu.memory_space<hbm>> -> memref<200x128xi32, #tpu.memory_space<hbm>>
      tpu.wait_dma2 semaphore(%run_scoped3A : memref<!tpu.dma_semaphore, #tpu.memory_space<semaphore_mem>>) src(%dma_wait3A_130 : memref<200x128xi32, #tpu.memory_space<hbm>>) dst(%arg5 : memref<200x128xi32, #tpu.memory_space<vmem>>)
      tpu.yield
    }) : () -> ()
    %iota3A = tpu.iota {dimensions = array<i32: 0>} : vector<16xi32>
    %dma_start3A = arith.constant 0 : i32
    %dma_start3A_3 = arith.constant 0 : i32
    %dma_start3A_4 = arith.constant 0 : i32
    %dma_start3A_5 = arith.constant 0 : i32
    %dma_start3A_6 = arith.constant 0 : i32
    %dma_start3A_7 = tpu.memref_slice %arg6[%dma_start3A_3, %dma_start3A_5, %dma_start3A_6] : memref<4x128x64xf32, #tpu.memory_space<vmem>> -> memref<1x128x64xf32, #tpu.memory_space<vmem>>
    %dma_start3A_8 = tpu.memref_squeeze %dma_start3A_7 : memref<1x128x64xf32, #tpu.memory_space<vmem>> -> memref<128x64xf32, #tpu.memory_space<vmem>>
    %dma_start3A_9 = arith.constant 0 : i32
    %dma_start3A_10 = tpu.memref_slice %arg5[%dma_start3A, %dma_start3A_9] : memref<200x128xi32, #tpu.memory_space<vmem>> -> memref<1x128xi32, #tpu.memory_space<vmem>>
    %dma_start3A_11 = tpu.memref_squeeze %dma_start3A_10 : memref<1x128xi32, #tpu.memory_space<vmem>> -> memref<128xi32, #tpu.memory_space<vmem>>
    %dma_start3A_12 = arith.constant 0 : i32
    %dma_start3A_13 = arith.constant 0 : i32
    %dma_start3A_14 = tpu.memref_slice %arg2[%dma_start3A_12, %dma_start3A_13] : memref<100000x64xf32, #tpu.memory_space<hbm>> -> memref<100000x64xf32, #tpu.memory_space<hbm>>
    %dma_start3A_15 = tpu.memref_slice %arg9[%dma_start3A_4] : memref<4x!tpu.dma_semaphore, #tpu.memory_space<semaphore_mem>> -> memref<1x!tpu.dma_semaphore, #tpu.memory_space<semaphore_mem>>
    %dma_start3A_16 = tpu.memref_squeeze %dma_start3A_15 : memref<1x!tpu.dma_semaphore, #tpu.memory_space<semaphore_mem>> -> memref<!tpu.dma_semaphore, #tpu.memory_space<semaphore_mem>>
    tpu.enqueue_indirect_dma source(%dma_start3A_14 : memref<100000x64xf32, #tpu.memory_space<hbm>>) target(%dma_start3A_8 : memref<128x64xf32, #tpu.memory_space<vmem>>) offsets(%dma_start3A_11 : memref<128xi32, #tpu.memory_space<vmem>>) semaphore(%dma_start3A_16 : memref<!tpu.dma_semaphore, #tpu.memory_space<semaphore_mem>>)
    %dma_start3A_17 = arith.constant 1 : i32
    %dma_start3A_18 = arith.constant 1 : i32
    %dma_start3A_19 = arith.constant 1 : i32
    %dma_start3A_20 = arith.constant 0 : i32
    %dma_start3A_21 = arith.constant 0 : i32
    %dma_start3A_22 = tpu.memref_slice %arg6[%dma_start3A_18, %dma_start3A_20, %dma_start3A_21] : memref<4x128x64xf32, #tpu.memory_space<vmem>> -> memref<1x128x64xf32, #tpu.memory_space<vmem>>
    %dma_start3A_23 = tpu.memref_squeeze %dma_start3A_22 : memref<1x128x64xf32, #tpu.memory_space<vmem>> -> memref<128x64xf32, #tpu.memory_space<vmem>>
    %dma_start3A_24 = arith.constant 0 : i32
    %dma_start3A_25 = tpu.memref_slice %arg5[%dma_start3A_17, %dma_start3A_24] : memref<200x128xi32, #tpu.memory_space<vmem>> -> memref<1x128xi32, #tpu.memory_space<vmem>>
    %dma_start3A_26 = tpu.memref_squeeze %dma_start3A_25 : memref<1x128xi32, #tpu.memory_space<vmem>> -> memref<128xi32, #tpu.memory_space<vmem>>
    %dma_start3A_27 = arith.constant 0 : i32
    %dma_start3A_28 = arith.constant 0 : i32
    %dma_start3A_29 = tpu.memref_slice %arg2[%dma_start3A_27, %dma_start3A_28] : memref<100000x64xf32, #tpu.memory_space<hbm>> -> memref<100000x64xf32, #tpu.memory_space<hbm>>
    %dma_start3A_30 = tpu.memref_slice %arg9[%dma_start3A_19] : memref<4x!tpu.dma_semaphore, #tpu.memory_space<semaphore_mem>> -> memref<1x!tpu.dma_semaphore, #tpu.memory_space<semaphore_mem>>
    %dma_start3A_31 = tpu.memref_squeeze %dma_start3A_30 : memref<1x!tpu.dma_semaphore, #tpu.memory_space<semaphore_mem>> -> memref<!tpu.dma_semaphore, #tpu.memory_space<semaphore_mem>>
    tpu.enqueue_indirect_dma source(%dma_start3A_29 : memref<100000x64xf32, #tpu.memory_space<hbm>>) target(%dma_start3A_23 : memref<128x64xf32, #tpu.memory_space<vmem>>) offsets(%dma_start3A_26 : memref<128xi32, #tpu.memory_space<vmem>>) semaphore(%dma_start3A_31 : memref<!tpu.dma_semaphore, #tpu.memory_space<semaphore_mem>>)
    %dma_start3A_32 = arith.constant 2 : i32
    %dma_start3A_33 = arith.constant 2 : i32
    %dma_start3A_34 = arith.constant 2 : i32
    %dma_start3A_35 = arith.constant 0 : i32
    %dma_start3A_36 = arith.constant 0 : i32
    %dma_start3A_37 = tpu.memref_slice %arg6[%dma_start3A_33, %dma_start3A_35, %dma_start3A_36] : memref<4x128x64xf32, #tpu.memory_space<vmem>> -> memref<1x128x64xf32, #tpu.memory_space<vmem>>
    %dma_start3A_38 = tpu.memref_squeeze %dma_start3A_37 : memref<1x128x64xf32, #tpu.memory_space<vmem>> -> memref<128x64xf32, #tpu.memory_space<vmem>>
    %dma_start3A_39 = arith.constant 0 : i32
    %dma_start3A_40 = tpu.memref_slice %arg5[%dma_start3A_32, %dma_start3A_39] : memref<200x128xi32, #tpu.memory_space<vmem>> -> memref<1x128xi32, #tpu.memory_space<vmem>>
    %dma_start3A_41 = tpu.memref_squeeze %dma_start3A_40 : memref<1x128xi32, #tpu.memory_space<vmem>> -> memref<128xi32, #tpu.memory_space<vmem>>
    %dma_start3A_42 = arith.constant 0 : i32
    %dma_start3A_43 = arith.constant 0 : i32
    %dma_start3A_44 = tpu.memref_slice %arg2[%dma_start3A_42, %dma_start3A_43] : memref<100000x64xf32, #tpu.memory_space<hbm>> -> memref<100000x64xf32, #tpu.memory_space<hbm>>
    %dma_start3A_45 = tpu.memref_slice %arg9[%dma_start3A_34] : memref<4x!tpu.dma_semaphore, #tpu.memory_space<semaphore_mem>> -> memref<1x!tpu.dma_semaphore, #tpu.memory_space<semaphore_mem>>
    %dma_start3A_46 = tpu.memref_squeeze %dma_start3A_45 : memref<1x!tpu.dma_semaphore, #tpu.memory_space<semaphore_mem>> -> memref<!tpu.dma_semaphore, #tpu.memory_space<semaphore_mem>>
    tpu.enqueue_indirect_dma source(%dma_start3A_44 : memref<100000x64xf32, #tpu.memory_space<hbm>>) target(%dma_start3A_38 : memref<128x64xf32, #tpu.memory_space<vmem>>) offsets(%dma_start3A_41 : memref<128xi32, #tpu.memory_space<vmem>>) semaphore(%dma_start3A_46 : memref<!tpu.dma_semaphore, #tpu.memory_space<semaphore_mem>>)
    %dma_start3A_47 = arith.constant 3 : i32
    %dma_start3A_48 = arith.constant 3 : i32
    %dma_start3A_49 = arith.constant 3 : i32
    %dma_start3A_50 = arith.constant 0 : i32
    %dma_start3A_51 = arith.constant 0 : i32
    %dma_start3A_52 = tpu.memref_slice %arg6[%dma_start3A_48, %dma_start3A_50, %dma_start3A_51] : memref<4x128x64xf32, #tpu.memory_space<vmem>> -> memref<1x128x64xf32, #tpu.memory_space<vmem>>
    %dma_start3A_53 = tpu.memref_squeeze %dma_start3A_52 : memref<1x128x64xf32, #tpu.memory_space<vmem>> -> memref<128x64xf32, #tpu.memory_space<vmem>>
    %dma_start3A_54 = arith.constant 0 : i32
    %dma_start3A_55 = tpu.memref_slice %arg5[%dma_start3A_47, %dma_start3A_54] : memref<200x128xi32, #tpu.memory_space<vmem>> -> memref<1x128xi32, #tpu.memory_space<vmem>>
    %dma_start3A_56 = tpu.memref_squeeze %dma_start3A_55 : memref<1x128xi32, #tpu.memory_space<vmem>> -> memref<128xi32, #tpu.memory_space<vmem>>
    %dma_start3A_57 = arith.constant 0 : i32
    %dma_start3A_58 = arith.constant 0 : i32
    %dma_start3A_59 = tpu.memref_slice %arg2[%dma_start3A_57, %dma_start3A_58] : memref<100000x64xf32, #tpu.memory_space<hbm>> -> memref<100000x64xf32, #tpu.memory_space<hbm>>
    %dma_start3A_60 = tpu.memref_slice %arg9[%dma_start3A_49] : memref<4x!tpu.dma_semaphore, #tpu.memory_space<semaphore_mem>> -> memref<1x!tpu.dma_semaphore, #tpu.memory_space<semaphore_mem>>
    %dma_start3A_61 = tpu.memref_squeeze %dma_start3A_60 : memref<1x!tpu.dma_semaphore, #tpu.memory_space<semaphore_mem>> -> memref<!tpu.dma_semaphore, #tpu.memory_space<semaphore_mem>>
    tpu.enqueue_indirect_dma source(%dma_start3A_59 : memref<100000x64xf32, #tpu.memory_space<hbm>>) target(%dma_start3A_53 : memref<128x64xf32, #tpu.memory_space<vmem>>) offsets(%dma_start3A_56 : memref<128xi32, #tpu.memory_space<vmem>>) semaphore(%dma_start3A_61 : memref<!tpu.dma_semaphore, #tpu.memory_space<semaphore_mem>>)
    %scan3A = arith.constant 0 : i32
    %scan3A_62 = arith.constant 50 : i32
    %scan3A_63 = arith.addi %scan3A, %scan3A_62 : i32
    %scan3A_64 = arith.constant 1 : i32
    scf.for %scan3A_123 = %scan3A to %scan3A_63 step %scan3A_64  : i32 {
      %mul3A_124 = arith.constant 4 : i32
      %mul3A_125 = arith.muli %scan3A_123, %mul3A_124 : i32
      %add3A_126 = arith.constant 0 : i32
      %add3A_127 = arith.addi %add3A_126, %mul3A_125 : i32
      %add3A_128 = arith.constant 0 : i32
      %add3A_129 = arith.addi %add3A_127, %add3A_128 : i32
      %dma_wait3A_130 = arith.constant 0 : i32
      %dma_wait3A_131 = arith.constant 0 : i32
      %dma_wait3A_132 = arith.constant 0 : i32
      %dma_wait3A_133 = arith.constant 0 : i32
      %dma_wait3A_134 = arith.constant 0 : i32
      %dma_wait3A_135 = tpu.memref_slice %arg6[%dma_wait3A_131, %dma_wait3A_133, %dma_wait3A_134] : memref<4x128x64xf32, #tpu.memory_space<vmem>> -> memref<1x128x64xf32, #tpu.memory_space<vmem>>
      %dma_wait3A_136 = tpu.memref_squeeze %dma_wait3A_135 : memref<1x128x64xf32, #tpu.memory_space<vmem>> -> memref<128x64xf32, #tpu.memory_space<vmem>>
      %dma_wait3A_137 = arith.constant 0 : i32
      %dma_wait3A_138 = tpu.memref_slice %arg5[%dma_wait3A_130, %dma_wait3A_137] : memref<200x128xi32, #tpu.memory_space<vmem>> -> memref<1x128xi32, #tpu.memory_space<vmem>>
      %dma_wait3A_139 = tpu.memref_squeeze %dma_wait3A_138 : memref<1x128xi32, #tpu.memory_space<vmem>> -> memref<128xi32, #tpu.memory_space<vmem>>
      %dma_wait3A_140 = arith.constant 0 : i32
      %dma_wait3A_141 = arith.constant 0 : i32
      %dma_wait3A_142 = tpu.memref_slice %arg2[%dma_wait3A_140, %dma_wait3A_141] : memref<100000x64xf32, #tpu.memory_space<hbm>> -> memref<100000x64xf32, #tpu.memory_space<hbm>>
      %dma_wait3A_143 = tpu.memref_slice %arg9[%dma_wait3A_132] : memref<4x!tpu.dma_semaphore, #tpu.memory_space<semaphore_mem>> -> memref<1x!tpu.dma_semaphore, #tpu.memory_space<semaphore_mem>>
      %dma_wait3A_144 = tpu.memref_squeeze %dma_wait3A_143 : memref<1x!tpu.dma_semaphore, #tpu.memory_space<semaphore_mem>> -> memref<!tpu.dma_semaphore, #tpu.memory_space<semaphore_mem>>
      tpu.wait_indirect_dma semaphore(%dma_wait3A_144 : memref<!tpu.dma_semaphore, #tpu.memory_space<semaphore_mem>>) src(%dma_wait3A_142 : memref<100000x64xf32, #tpu.memory_space<hbm>>) dst(%dma_wait3A_136 : memref<128x64xf32, #tpu.memory_space<vmem>>)
      %ge3A = arith.constant 2 : i32
      %ge3A_145 = arith.cmpi sge, %add3A_129, %ge3A : i32
      %convert_element_type3A = arith.extui %ge3A_145 : i1 to i32
      %cond3A = arith.constant 0 : i32
      %cond3A_146 = arith.cmpi ne, %convert_element_type3A, %cond3A : i32
      scf.if %cond3A_146 {
        %sub3A = arith.constant 2 : i32
        %sub3A_379 = arith.subi %add3A_129, %sub3A : i32
        %add3A_380 = arith.addi %mul3A_2, %sub3A_379 : i32
        %shift_right_arithmetic3A_381 = arith.constant 5 : i32
        %shift_right_arithmetic3A_382 = arith.shrsi %add3A_380, %shift_right_arithmetic3A_381 : i32
        %and3A_383 = arith.constant 31 : i32
        %and3A_384 = arith.andi %add3A_380, %and3A_383 : i32
        %dma_wait3A_385 = arith.constant 0 : i32
        %dma_wait3A_386 = arith.constant 0 : i32
        %dma_wait3A_387 = arith.constant 0 : i32
        %dma_wait3A_388 = arith.constant 0 : i32
        %dma_wait3A_389 = arith.constant 0 : i32
        %dma_wait3A_390 = tpu.memref_slice %arg8[%dma_wait3A_385, %dma_wait3A_387, %dma_wait3A_388, %dma_wait3A_389] : memref<2x8x8x128xf32, #tpu.memory_space<vmem>> -> memref<1x8x8x128xf32, #tpu.memory_space<vmem>>
        %dma_wait3A_391 = tpu.memref_squeeze %dma_wait3A_390 : memref<1x8x8x128xf32, #tpu.memory_space<vmem>> -> memref<8x8x128xf32, #tpu.memory_space<vmem>>
        %dma_wait3A_392 = arith.constant 0 : i32
        %dma_wait3A_393 = arith.constant 0 : i32
        %dma_wait3A_394 = arith.constant 0 : i32
        %dma_wait3A_395 = tpu.memref_slice %arg4[%shift_right_arithmetic3A_382, %dma_wait3A_392, %and3A_384, %dma_wait3A_393, %dma_wait3A_394] : memref<200x8x32x8x128xf32, #tpu.memory_space<hbm>> -> memref<1x8x1x8x128xf32, #tpu.memory_space<hbm>>
        %dma_wait3A_396 = tpu.memref_squeeze %dma_wait3A_395 : memref<1x8x1x8x128xf32, #tpu.memory_space<hbm>> -> memref<8x8x128xf32, #tpu.memory_space<hbm>>
        %dma_wait3A_397 = tpu.memref_slice %arg10[%dma_wait3A_386] : memref<2x!tpu.dma_semaphore, #tpu.memory_space<semaphore_mem>> -> memref<1x!tpu.dma_semaphore, #tpu.memory_space<semaphore_mem>>
        %dma_wait3A_398 = tpu.memref_squeeze %dma_wait3A_397 : memref<1x!tpu.dma_semaphore, #tpu.memory_space<semaphore_mem>> -> memref<!tpu.dma_semaphore, #tpu.memory_space<semaphore_mem>>
        %dma_wait3A_399 = arith.constant 0 : i32
        %dma_wait3A_400 = arith.constant 0 : i32
        %dma_wait3A_401 = arith.constant 0 : i32
        %dma_wait3A_402 = tpu.memref_slice %arg4[%shift_right_arithmetic3A_382, %dma_wait3A_399, %and3A_384, %dma_wait3A_400, %dma_wait3A_401] : memref<200x8x32x8x128xf32, #tpu.memory_space<hbm>> -> memref<1x8x1x8x128xf32, #tpu.memory_space<hbm>>
        %dma_wait3A_403 = tpu.memref_squeeze %dma_wait3A_402 : memref<1x8x1x8x128xf32, #tpu.memory_space<hbm>> -> memref<8x8x128xf32, #tpu.memory_space<hbm>>
        %dma_wait3A_404 = arith.constant 0 : i32
        %dma_wait3A_405 = arith.constant 0 : i32
        %dma_wait3A_406 = arith.constant 0 : i32
        %dma_wait3A_407 = tpu.memref_slice %arg8[%dma_wait3A_385, %dma_wait3A_404, %dma_wait3A_405, %dma_wait3A_406] : memref<2x8x8x128xf32, #tpu.memory_space<vmem>> -> memref<1x8x8x128xf32, #tpu.memory_space<vmem>>
        %dma_wait3A_408 = tpu.memref_squeeze %dma_wait3A_407 : memref<1x8x8x128xf32, #tpu.memory_space<vmem>> -> memref<8x8x128xf32, #tpu.memory_space<vmem>>
        tpu.wait_dma2 semaphore(%dma_wait3A_398 : memref<!tpu.dma_semaphore, #tpu.memory_space<semaphore_mem>>) src(%dma_wait3A_408 : memref<8x8x128xf32, #tpu.memory_space<vmem>>) dst(%dma_wait3A_403 : memref<8x8x128xf32, #tpu.memory_space<hbm>>)
      } else {
      }
      %parallel_loop3A = arith.constant 0 : i32
      %parallel_loop3A_147 = arith.constant 128 : i32
      %parallel_loop3A_148 = arith.constant 1 : i32
      scf.for %parallel_loop3A_379 = %parallel_loop3A to %parallel_loop3A_147 step %parallel_loop3A_148  : i32 {
        %parallel_loop3A_380 = arith.constant 0 : i32
        %parallel_loop3A_381 = arith.index_cast %parallel_loop3A_380 : i32 to index
        %parallel_loop3A_382 = arith.index_cast %parallel_loop3A_379 : i32 to index
        %parallel_loop3A_383 = arith.constant 0 : index
        %parallel_loop3A_384 = tpu.vector_load %arg6[%parallel_loop3A_381, %parallel_loop3A_382, %parallel_loop3A_383] {strides = array<i32>} : memref<4x128x64xf32, #tpu.memory_space<vmem>>, vector<16xf32>,
        %parallel_loop3A_385 = arith.index_cast %parallel_loop3A_379 : i32 to index
        %parallel_loop3A_386 = arith.constant 0 : index
        %parallel_loop3A_387 = tpu.vector_load %arg7[%parallel_loop3A_385, %parallel_loop3A_386] {strides = array<i32>} : memref<128x65xf32, #tpu.memory_space<vmem>>, vector<16xf32>,
        tpu.vector_store %arg7[%parallel_loop3A_385, %parallel_loop3A_386], %parallel_loop3A_384 {strides = array<i32>} : memref<128x65xf32, #tpu.memory_space<vmem>>, vector<16xf32>,
        %parallel_loop3A_388 = arith.constant 0 : i32
        %parallel_loop3A_389 = arith.index_cast %parallel_loop3A_388 : i32 to index
        %parallel_loop3A_390 = arith.index_cast %parallel_loop3A_379 : i32 to index
        %parallel_loop3A_391 = arith.constant 16 : index
        %parallel_loop3A_392 = tpu.vector_load %arg6[%parallel_loop3A_389, %parallel_loop3A_390, %parallel_loop3A_391] {strides = array<i32>} : memref<4x128x64xf32, #tpu.memory_space<vmem>>, vector<16xf32>,
        %parallel_loop3A_393 = arith.index_cast %parallel_loop3A_379 : i32 to index
        %parallel_loop3A_394 = arith.constant 16 : index
        %parallel_loop3A_395 = tpu.vector_load %arg7[%parallel_loop3A_393, %parallel_loop3A_394] {strides = array<i32>} : memref<128x65xf32, #tpu.memory_space<vmem>>, vector<16xf32>,
        tpu.vector_store %arg7[%parallel_loop3A_393, %parallel_loop3A_394], %parallel_loop3A_392 {strides = array<i32>} : memref<128x65xf32, #tpu.memory_space<vmem>>, vector<16xf32>,
        %parallel_loop3A_396 = arith.constant 0 : i32
        %parallel_loop3A_397 = arith.index_cast %parallel_loop3A_396 : i32 to index
        %parallel_loop3A_398 = arith.index_cast %parallel_loop3A_379 : i32 to index
        %parallel_loop3A_399 = arith.constant 32 : index
        %parallel_loop3A_400 = tpu.vector_load %arg6[%parallel_loop3A_397, %parallel_loop3A_398, %parallel_loop3A_399] {strides = array<i32>} : memref<4x128x64xf32, #tpu.memory_space<vmem>>, vector<16xf32>,
        %parallel_loop3A_401 = arith.index_cast %parallel_loop3A_379 : i32 to index
        %parallel_loop3A_402 = arith.constant 32 : index
        %parallel_loop3A_403 = tpu.vector_load %arg7[%parallel_loop3A_401, %parallel_loop3A_402] {strides = array<i32>} : memref<128x65xf32, #tpu.memory_space<vmem>>, vector<16xf32>,
        tpu.vector_store %arg7[%parallel_loop3A_401, %parallel_loop3A_402], %parallel_loop3A_400 {strides = array<i32>} : memref<128x65xf32, #tpu.memory_space<vmem>>, vector<16xf32>,
        %parallel_loop3A_404 = arith.constant 0 : i32
        %parallel_loop3A_405 = arith.index_cast %parallel_loop3A_404 : i32 to index
        %parallel_loop3A_406 = arith.index_cast %parallel_loop3A_379 : i32 to index
        %parallel_loop3A_407 = arith.constant 48 : index
        %parallel_loop3A_408 = tpu.vector_load %arg6[%parallel_loop3A_405, %parallel_loop3A_406, %parallel_loop3A_407] {strides = array<i32>} : memref<4x128x64xf32, #tpu.memory_space<vmem>>, vector<16xf32>,
        %parallel_loop3A_409 = arith.index_cast %parallel_loop3A_379 : i32 to index
        %parallel_loop3A_410 = arith.constant 48 : index
        %parallel_loop3A_411 = tpu.vector_load %arg7[%parallel_loop3A_409, %parallel_loop3A_410] {strides = array<i32>} : memref<128x65xf32, #tpu.memory_space<vmem>>, vector<16xf32>,
        tpu.vector_store %arg7[%parallel_loop3A_409, %parallel_loop3A_410], %parallel_loop3A_408 {strides = array<i32>} : memref<128x65xf32, #tpu.memory_space<vmem>>, vector<16xf32>,
      } {sc.loop_unroll_factor = 2 : i64, sc.parallel_access}
      %parallel_loop3A_149 = arith.constant 0 : i32
      %parallel_loop3A_150 = arith.constant 64 : i32
      %parallel_loop3A_151 = arith.constant 1 : i32
      scf.for %parallel_loop3A_379 = %parallel_loop3A_149 to %parallel_loop3A_150 step %parallel_loop3A_151  : i32 {
        %parallel_loop3A_380 = arith.constant 3 : i32
        %parallel_loop3A_381 = arith.shrsi %parallel_loop3A_379, %parallel_loop3A_380 : i32
        %parallel_loop3A_382 = arith.constant 7 : i32
        %parallel_loop3A_383 = arith.andi %parallel_loop3A_379, %parallel_loop3A_382 : i32
        %parallel_loop3A_384 = arith.constant 16 : i32
        %parallel_loop3A_385 = arith.muli %parallel_loop3A_381, %parallel_loop3A_384 : i32
        %parallel_loop3A_386 = vector.broadcast %parallel_loop3A_385 : i32 to vector<16xi32>
        %parallel_loop3A_387 = arith.addi %iota3A, %parallel_loop3A_386 : vector<16xi32>
        %parallel_loop3A_388 = arith.constant 16 : i32
        %parallel_loop3A_389 = arith.muli %parallel_loop3A_381, %parallel_loop3A_388 : i32
        %parallel_loop3A_390 = arith.constant 8 : i32
        %parallel_loop3A_391 = arith.muli %parallel_loop3A_383, %parallel_loop3A_390 : i32
        %parallel_loop3A_392 = arith.constant 0 : i32
        %parallel_loop3A_393 = arith.addi %parallel_loop3A_391, %parallel_loop3A_392 : i32
        %parallel_loop3A_394 = vector.broadcast %parallel_loop3A_393 : i32 to vector<16xi32>
        %parallel_loop3A_395 = tpu.vector_load_idx %arg7[%parallel_loop3A_387, %parallel_loop3A_394] : memref<128x65xf32, #tpu.memory_space<vmem>>[vector<16xi32>, vector<16xi32>], vector<16xf32>,
        %parallel_loop3A_396 = arith.constant 8.000000e+00 : f32
        %parallel_loop3A_397 = vector.broadcast %parallel_loop3A_396 : f32 to vector<16xf32>
        %parallel_loop3A_398 = arith.mulf %parallel_loop3A_395, %parallel_loop3A_397 : vector<16xf32>
        %parallel_loop3A_399 = arith.constant 0 : i32
        %parallel_loop3A_400 = arith.constant 0 : i32
        %parallel_loop3A_401 = arith.index_cast %parallel_loop3A_399 : i32 to index
        %parallel_loop3A_402 = arith.index_cast %parallel_loop3A_383 : i32 to index
        %parallel_loop3A_403 = arith.index_cast %parallel_loop3A_400 : i32 to index
        %parallel_loop3A_404 = arith.index_cast %parallel_loop3A_389 : i32 to index
        %parallel_loop3A_405 = tpu.vector_load %arg8[%parallel_loop3A_401, %parallel_loop3A_402, %parallel_loop3A_403, %parallel_loop3A_404] {strides = array<i32>} : memref<2x8x8x128xf32, #tpu.memory_space<vmem>>, vector<16xf32>,
        tpu.vector_store %arg8[%parallel_loop3A_401, %parallel_loop3A_402, %parallel_loop3A_403, %parallel_loop3A_404], %parallel_loop3A_398 {strides = array<i32>} : memref<2x8x8x128xf32, #tpu.memory_space<vmem>>, vector<16xf32>,
        %parallel_loop3A_406 = arith.constant 8 : i32
        %parallel_loop3A_407 = arith.muli %parallel_loop3A_383, %parallel_loop3A_406 : i32
        %parallel_loop3A_408 = arith.constant 1 : i32
        %parallel_loop3A_409 = arith.addi %parallel_loop3A_407, %parallel_loop3A_408 : i32
        %parallel_loop3A_410 = vector.broadcast %parallel_loop3A_409 : i32 to vector<16xi32>
        %parallel_loop3A_411 = tpu.vector_load_idx %arg7[%parallel_loop3A_387, %parallel_loop3A_410] : memref<128x65xf32, #tpu.memory_space<vmem>>[vector<16xi32>, vector<16xi32>], vector<16xf32>,
        %parallel_loop3A_412 = arith.constant 8.000000e+00 : f32
        %parallel_loop3A_413 = vector.broadcast %parallel_loop3A_412 : f32 to vector<16xf32>
        %parallel_loop3A_414 = arith.mulf %parallel_loop3A_411, %parallel_loop3A_413 : vector<16xf32>
        %parallel_loop3A_415 = arith.constant 0 : i32
        %parallel_loop3A_416 = arith.constant 1 : i32
        %parallel_loop3A_417 = arith.index_cast %parallel_loop3A_415 : i32 to index
        %parallel_loop3A_418 = arith.index_cast %parallel_loop3A_383 : i32 to index
        %parallel_loop3A_419 = arith.index_cast %parallel_loop3A_416 : i32 to index
        %parallel_loop3A_420 = arith.index_cast %parallel_loop3A_389 : i32 to index
        %parallel_loop3A_421 = tpu.vector_load %arg8[%parallel_loop3A_417, %parallel_loop3A_418, %parallel_loop3A_419, %parallel_loop3A_420] {strides = array<i32>} : memref<2x8x8x128xf32, #tpu.memory_space<vmem>>, vector<16xf32>,
        tpu.vector_store %arg8[%parallel_loop3A_417, %parallel_loop3A_418, %parallel_loop3A_419, %parallel_loop3A_420], %parallel_loop3A_414 {strides = array<i32>} : memref<2x8x8x128xf32, #tpu.memory_space<vmem>>, vector<16xf32>,
        %parallel_loop3A_422 = arith.constant 8 : i32
        %parallel_loop3A_423 = arith.muli %parallel_loop3A_383, %parallel_loop3A_422 : i32
        %parallel_loop3A_424 = arith.constant 2 : i32
        %parallel_loop3A_425 = arith.addi %parallel_loop3A_423, %parallel_loop3A_424 : i32
        %parallel_loop3A_426 = vector.broadcast %parallel_loop3A_425 : i32 to vector<16xi32>
        %parallel_loop3A_427 = tpu.vector_load_idx %arg7[%parallel_loop3A_387, %parallel_loop3A_426] : memref<128x65xf32, #tpu.memory_space<vmem>>[vector<16xi32>, vector<16xi32>], vector<16xf32>,
        %parallel_loop3A_428 = arith.constant 8.000000e+00 : f32
        %parallel_loop3A_429 = vector.broadcast %parallel_loop3A_428 : f32 to vector<16xf32>
        %parallel_loop3A_430 = arith.mulf %parallel_loop3A_427, %parallel_loop3A_429 : vector<16xf32>
        %parallel_loop3A_431 = arith.constant 0 : i32
        %parallel_loop3A_432 = arith.constant 2 : i32
        %parallel_loop3A_433 = arith.index_cast %parallel_loop3A_431 : i32 to index
        %parallel_loop3A_434 = arith.index_cast %parallel_loop3A_383 : i32 to index
        %parallel_loop3A_435 = arith.index_cast %parallel_loop3A_432 : i32 to index
        %parallel_loop3A_436 = arith.index_cast %parallel_loop3A_389 : i32 to index
        %parallel_loop3A_437 = tpu.vector_load %arg8[%parallel_loop3A_433, %parallel_loop3A_434, %parallel_loop3A_435, %parallel_loop3A_436] {strides = array<i32>} : memref<2x8x8x128xf32, #tpu.memory_space<vmem>>, vector<16xf32>,
        tpu.vector_store %arg8[%parallel_loop3A_433, %parallel_loop3A_434, %parallel_loop3A_435, %parallel_loop3A_436], %parallel_loop3A_430 {strides = array<i32>} : memref<2x8x8x128xf32, #tpu.memory_space<vmem>>, vector<16xf32>,
        %parallel_loop3A_438 = arith.constant 8 : i32
        %parallel_loop3A_439 = arith.muli %parallel_loop3A_383, %parallel_loop3A_438 : i32
        %parallel_loop3A_440 = arith.constant 3 : i32
        %parallel_loop3A_441 = arith.addi %parallel_loop3A_439, %parallel_loop3A_440 : i32
        %parallel_loop3A_442 = vector.broadcast %parallel_loop3A_441 : i32 to vector<16xi32>
        %parallel_loop3A_443 = tpu.vector_load_idx %arg7[%parallel_loop3A_387, %parallel_loop3A_442] : memref<128x65xf32, #tpu.memory_space<vmem>>[vector<16xi32>, vector<16xi32>], vector<16xf32>,
        %parallel_loop3A_444 = arith.constant 8.000000e+00 : f32
        %parallel_loop3A_445 = vector.broadcast %parallel_loop3A_444 : f32 to vector<16xf32>
        %parallel_loop3A_446 = arith.mulf %parallel_loop3A_443, %parallel_loop3A_445 : vector<16xf32>
        %parallel_loop3A_447 = arith.constant 0 : i32
        %parallel_loop3A_448 = arith.constant 3 : i32
        %parallel_loop3A_449 = arith.index_cast %parallel_loop3A_447 : i32 to index
        %parallel_loop3A_450 = arith.index_cast %parallel_loop3A_383 : i32 to index
        %parallel_loop3A_451 = arith.index_cast %parallel_loop3A_448 : i32 to index
        %parallel_loop3A_452 = arith.index_cast %parallel_loop3A_389 : i32 to index
        %parallel_loop3A_453 = tpu.vector_load %arg8[%parallel_loop3A_449, %parallel_loop3A_450, %parallel_loop3A_451, %parallel_loop3A_452] {strides = array<i32>} : memref<2x8x8x128xf32, #tpu.memory_space<vmem>>, vector<16xf32>,
        tpu.vector_store %arg8[%parallel_loop3A_449, %parallel_loop3A_450, %parallel_loop3A_451, %parallel_loop3A_452], %parallel_loop3A_446 {strides = array<i32>} : memref<2x8x8x128xf32, #tpu.memory_space<vmem>>, vector<16xf32>,
        %parallel_loop3A_454 = arith.constant 8 : i32
        %parallel_loop3A_455 = arith.muli %parallel_loop3A_383, %parallel_loop3A_454 : i32
        %parallel_loop3A_456 = arith.constant 4 : i32
        %parallel_loop3A_457 = arith.addi %parallel_loop3A_455, %parallel_loop3A_456 : i32
        %parallel_loop3A_458 = vector.broadcast %parallel_loop3A_457 : i32 to vector<16xi32>
        %parallel_loop3A_459 = tpu.vector_load_idx %arg7[%parallel_loop3A_387, %parallel_loop3A_458] : memref<128x65xf32, #tpu.memory_space<vmem>>[vector<16xi32>, vector<16xi32>], vector<16xf32>,
        %parallel_loop3A_460 = arith.constant 8.000000e+00 : f32
        %parallel_loop3A_461 = vector.broadcast %parallel_loop3A_460 : f32 to vector<16xf32>
        %parallel_loop3A_462 = arith.mulf %parallel_loop3A_459, %parallel_loop3A_461 : vector<16xf32>
        %parallel_loop3A_463 = arith.constant 0 : i32
        %parallel_loop3A_464 = arith.constant 4 : i32
        %parallel_loop3A_465 = arith.index_cast %parallel_loop3A_463 : i32 to index
        %parallel_loop3A_466 = arith.index_cast %parallel_loop3A_383 : i32 to index
        %parallel_loop3A_467 = arith.index_cast %parallel_loop3A_464 : i32 to index
        %parallel_loop3A_468 = arith.index_cast %parallel_loop3A_389 : i32 to index
        %parallel_loop3A_469 = tpu.vector_load %arg8[%parallel_loop3A_465, %parallel_loop3A_466, %parallel_loop3A_467, %parallel_loop3A_468] {strides = array<i32>} : memref<2x8x8x128xf32, #tpu.memory_space<vmem>>, vector<16xf32>,
        tpu.vector_store %arg8[%parallel_loop3A_465, %parallel_loop3A_466, %parallel_loop3A_467, %parallel_loop3A_468], %parallel_loop3A_462 {strides = array<i32>} : memref<2x8x8x128xf32, #tpu.memory_space<vmem>>, vector<16xf32>,
        %parallel_loop3A_470 = arith.constant 8 : i32
        %parallel_loop3A_471 = arith.muli %parallel_loop3A_383, %parallel_loop3A_470 : i32
        %parallel_loop3A_472 = arith.constant 5 : i32
        %parallel_loop3A_473 = arith.addi %parallel_loop3A_471, %parallel_loop3A_472 : i32
        %parallel_loop3A_474 = vector.broadcast %parallel_loop3A_473 : i32 to vector<16xi32>
        %parallel_loop3A_475 = tpu.vector_load_idx %arg7[%parallel_loop3A_387, %parallel_loop3A_474] : memref<128x65xf32, #tpu.memory_space<vmem>>[vector<16xi32>, vector<16xi32>], vector<16xf32>,
        %parallel_loop3A_476 = arith.constant 8.000000e+00 : f32
        %parallel_loop3A_477 = vector.broadcast %parallel_loop3A_476 : f32 to vector<16xf32>
        %parallel_loop3A_478 = arith.mulf %parallel_loop3A_475, %parallel_loop3A_477 : vector<16xf32>
        %parallel_loop3A_479 = arith.constant 0 : i32
        %parallel_loop3A_480 = arith.constant 5 : i32
        %parallel_loop3A_481 = arith.index_cast %parallel_loop3A_479 : i32 to index
        %parallel_loop3A_482 = arith.index_cast %parallel_loop3A_383 : i32 to index
        %parallel_loop3A_483 = arith.index_cast %parallel_loop3A_480 : i32 to index
        %parallel_loop3A_484 = arith.index_cast %parallel_loop3A_389 : i32 to index
        %parallel_loop3A_485 = tpu.vector_load %arg8[%parallel_loop3A_481, %parallel_loop3A_482, %parallel_loop3A_483, %parallel_loop3A_484] {strides = array<i32>} : memref<2x8x8x128xf32, #tpu.memory_space<vmem>>, vector<16xf32>,
        tpu.vector_store %arg8[%parallel_loop3A_481, %parallel_loop3A_482, %parallel_loop3A_483, %parallel_loop3A_484], %parallel_loop3A_478 {strides = array<i32>} : memref<2x8x8x128xf32, #tpu.memory_space<vmem>>, vector<16xf32>,
        %parallel_loop3A_486 = arith.constant 8 : i32
        %parallel_loop3A_487 = arith.muli %parallel_loop3A_383, %parallel_loop3A_486 : i32
        %parallel_loop3A_488 = arith.constant 6 : i32
        %parallel_loop3A_489 = arith.addi %parallel_loop3A_487, %parallel_loop3A_488 : i32
        %parallel_loop3A_490 = vector.broadcast %parallel_loop3A_489 : i32 to vector<16xi32>
        %parallel_loop3A_491 = tpu.vector_load_idx %arg7[%parallel_loop3A_387, %parallel_loop3A_490] : memref<128x65xf32, #tpu.memory_space<vmem>>[vector<16xi32>, vector<16xi32>], vector<16xf32>,
        %parallel_loop3A_492 = arith.constant 8.000000e+00 : f32
        %parallel_loop3A_493 = vector.broadcast %parallel_loop3A_492 : f32 to vector<16xf32>
        %parallel_loop3A_494 = arith.mulf %parallel_loop3A_491, %parallel_loop3A_493 : vector<16xf32>
        %parallel_loop3A_495 = arith.constant 0 : i32
        %parallel_loop3A_496 = arith.constant 6 : i32
        %parallel_loop3A_497 = arith.index_cast %parallel_loop3A_495 : i32 to index
        %parallel_loop3A_498 = arith.index_cast %parallel_loop3A_383 : i32 to index
        %parallel_loop3A_499 = arith.index_cast %parallel_loop3A_496 : i32 to index
        %parallel_loop3A_500 = arith.index_cast %parallel_loop3A_389 : i32 to index
        %parallel_loop3A_501 = tpu.vector_load %arg8[%parallel_loop3A_497, %parallel_loop3A_498, %parallel_loop3A_499, %parallel_loop3A_500] {strides = array<i32>} : memref<2x8x8x128xf32, #tpu.memory_space<vmem>>, vector<16xf32>,
        tpu.vector_store %arg8[%parallel_loop3A_497, %parallel_loop3A_498, %parallel_loop3A_499, %parallel_loop3A_500], %parallel_loop3A_494 {strides = array<i32>} : memref<2x8x8x128xf32, #tpu.memory_space<vmem>>, vector<16xf32>,
        %parallel_loop3A_502 = arith.constant 8 : i32
        %parallel_loop3A_503 = arith.muli %parallel_loop3A_383, %parallel_loop3A_502 : i32
        %parallel_loop3A_504 = arith.constant 7 : i32
        %parallel_loop3A_505 = arith.addi %parallel_loop3A_503, %parallel_loop3A_504 : i32
        %parallel_loop3A_506 = vector.broadcast %parallel_loop3A_505 : i32 to vector<16xi32>
        %parallel_loop3A_507 = tpu.vector_load_idx %arg7[%parallel_loop3A_387, %parallel_loop3A_506] : memref<128x65xf32, #tpu.memory_space<vmem>>[vector<16xi32>, vector<16xi32>], vector<16xf32>,
        %parallel_loop3A_508 = arith.constant 8.000000e+00 : f32
        %parallel_loop3A_509 = vector.broadcast %parallel_loop3A_508 : f32 to vector<16xf32>
        %parallel_loop3A_510 = arith.mulf %parallel_loop3A_507, %parallel_loop3A_509 : vector<16xf32>
        %parallel_loop3A_511 = arith.constant 0 : i32
        %parallel_loop3A_512 = arith.constant 7 : i32
        %parallel_loop3A_513 = arith.index_cast %parallel_loop3A_511 : i32 to index
        %parallel_loop3A_514 = arith.index_cast %parallel_loop3A_383 : i32 to index
        %parallel_loop3A_515 = arith.index_cast %parallel_loop3A_512 : i32 to index
        %parallel_loop3A_516 = arith.index_cast %parallel_loop3A_389 : i32 to index
        %parallel_loop3A_517 = tpu.vector_load %arg8[%parallel_loop3A_513, %parallel_loop3A_514, %parallel_loop3A_515, %parallel_loop3A_516] {strides = array<i32>} : memref<2x8x8x128xf32, #tpu.memory_space<vmem>>, vector<16xf32>,
        tpu.vector_store %arg8[%parallel_loop3A_513, %parallel_loop3A_514, %parallel_loop3A_515, %parallel_loop3A_516], %parallel_loop3A_510 {strides = array<i32>} : memref<2x8x8x128xf32, #tpu.memory_space<vmem>>, vector<16xf32>,
      } {sc.loop_unroll_factor = 2 : i64, sc.parallel_access}
      %add3A_152 = arith.constant 4 : i32
      %add3A_153 = arith.addi %add3A_129, %add3A_152 : i32
      %lt3A = arith.constant 200 : i32
      %lt3A_154 = arith.cmpi slt, %add3A_153, %lt3A : i32
      %convert_element_type3A_155 = arith.extui %lt3A_154 : i1 to i32
      %cond3A_156 = arith.constant 0 : i32
      %cond3A_157 = arith.cmpi ne, %convert_element_type3A_155, %cond3A_156 : i32
      scf.if %cond3A_157 {
        %add3A_379 = arith.constant 4 : i32
        %add3A_380 = arith.addi %add3A_129, %add3A_379 : i32
        %dma_start3A_381 = arith.constant 0 : i32
        %dma_start3A_382 = arith.constant 0 : i32
        %dma_start3A_383 = arith.constant 0 : i32
        %dma_start3A_384 = arith.constant 0 : i32
        %dma_start3A_385 = tpu.memref_slice %arg6[%dma_start3A_381, %dma_start3A_383, %dma_start3A_384] : memref<4x128x64xf32, #tpu.memory_space<vmem>> -> memref<1x128x64xf32, #tpu.memory_space<vmem>>
        %dma_start3A_386 = tpu.memref_squeeze %dma_start3A_385 : memref<1x128x64xf32, #tpu.memory_space<vmem>> -> memref<128x64xf32, #tpu.memory_space<vmem>>
        %dma_start3A_387 = arith.constant 0 : i32
        %dma_start3A_388 = tpu.memref_slice %arg5[%add3A_380, %dma_start3A_387] : memref<200x128xi32, #tpu.memory_space<vmem>> -> memref<1x128xi32, #tpu.memory_space<vmem>>
        %dma_start3A_389 = tpu.memref_squeeze %dma_start3A_388 : memref<1x128xi32, #tpu.memory_space<vmem>> -> memref<128xi32, #tpu.memory_space<vmem>>
        %dma_start3A_390 = arith.constant 0 : i32
        %dma_start3A_391 = arith.constant 0 : i32
        %dma_start3A_392 = tpu.memref_slice %arg2[%dma_start3A_390, %dma_start3A_391] : memref<100000x64xf32, #tpu.memory_space<hbm>> -> memref<100000x64xf32, #tpu.memory_space<hbm>>
        %dma_start3A_393 = tpu.memref_slice %arg9[%dma_start3A_382] : memref<4x!tpu.dma_semaphore, #tpu.memory_space<semaphore_mem>> -> memref<1x!tpu.dma_semaphore, #tpu.memory_space<semaphore_mem>>
        %dma_start3A_394 = tpu.memref_squeeze %dma_start3A_393 : memref<1x!tpu.dma_semaphore, #tpu.memory_space<semaphore_mem>> -> memref<!tpu.dma_semaphore, #tpu.memory_space<semaphore_mem>>
        tpu.enqueue_indirect_dma source(%dma_start3A_392 : memref<100000x64xf32, #tpu.memory_space<hbm>>) target(%dma_start3A_386 : memref<128x64xf32, #tpu.memory_space<vmem>>) offsets(%dma_start3A_389 : memref<128xi32, #tpu.memory_space<vmem>>) semaphore(%dma_start3A_394 : memref<!tpu.dma_semaphore, #tpu.memory_space<semaphore_mem>>)
      } else {
      }
      %add3A_158 = arith.addi %mul3A_2, %add3A_129 : i32
      %shift_right_arithmetic3A_159 = arith.constant 5 : i32
      %shift_right_arithmetic3A_160 = arith.shrsi %add3A_158, %shift_right_arithmetic3A_159 : i32
      %and3A_161 = arith.constant 31 : i32
      %and3A_162 = arith.andi %add3A_158, %and3A_161 : i32
      %dma_start3A_163 = arith.constant 0 : i32
      %dma_start3A_164 = arith.constant 0 : i32
      %dma_start3A_165 = arith.constant 0 : i32
      %dma_start3A_166 = arith.constant 0 : i32
      %dma_start3A_167 = arith.constant 0 : i32
      %dma_start3A_168 = tpu.memref_slice %arg8[%dma_start3A_163, %dma_start3A_165, %dma_start3A_166, %dma_start3A_167] : memref<2x8x8x128xf32, #tpu.memory_space<vmem>> -> memref<1x8x8x128xf32, #tpu.memory_space<vmem>>
      %dma_start3A_169 = tpu.memref_squeeze %dma_start3A_168 : memref<1x8x8x128xf32, #tpu.memory_space<vmem>> -> memref<8x8x128xf32, #tpu.memory_space<vmem>>
      %dma_start3A_170 = arith.constant 0 : i32
      %dma_start3A_171 = arith.constant 0 : i32
      %dma_start3A_172 = arith.constant 0 : i32
      %dma_start3A_173 = tpu.memref_slice %arg4[%shift_right_arithmetic3A_160, %dma_start3A_170, %and3A_162, %dma_start3A_171, %dma_start3A_172] : memref<200x8x32x8x128xf32, #tpu.memory_space<hbm>> -> memref<1x8x1x8x128xf32, #tpu.memory_space<hbm>>
      %dma_start3A_174 = tpu.memref_squeeze %dma_start3A_173 : memref<1x8x1x8x128xf32, #tpu.memory_space<hbm>> -> memref<8x8x128xf32, #tpu.memory_space<hbm>>
      %dma_start3A_175 = tpu.memref_slice %arg10[%dma_start3A_164] : memref<2x!tpu.dma_semaphore, #tpu.memory_space<semaphore_mem>> -> memref<1x!tpu.dma_semaphore, #tpu.memory_space<semaphore_mem>>
      %dma_start3A_176 = tpu.memref_squeeze %dma_start3A_175 : memref<1x!tpu.dma_semaphore, #tpu.memory_space<semaphore_mem>> -> memref<!tpu.dma_semaphore, #tpu.memory_space<semaphore_mem>>
      %dma_start3A_177 = arith.constant 0 : i32
      %dma_start3A_178 = arith.constant 0 : i32
      %dma_start3A_179 = arith.constant 0 : i32
      %dma_start3A_180 = tpu.memref_slice %arg4[%shift_right_arithmetic3A_160, %dma_start3A_177, %and3A_162, %dma_start3A_178, %dma_start3A_179] : memref<200x8x32x8x128xf32, #tpu.memory_space<hbm>> -> memref<1x8x1x8x128xf32, #tpu.memory_space<hbm>>
      %dma_start3A_181 = tpu.memref_squeeze %dma_start3A_180 : memref<1x8x1x8x128xf32, #tpu.memory_space<hbm>> -> memref<8x8x128xf32, #tpu.memory_space<hbm>>
      %dma_start3A_182 = arith.constant 0 : i32
      %dma_start3A_183 = arith.constant 0 : i32
      %dma_start3A_184 = arith.constant 0 : i32
      %dma_start3A_185 = tpu.memref_slice %arg8[%dma_start3A_163, %dma_start3A_182, %dma_start3A_183, %dma_start3A_184] : memref<2x8x8x128xf32, #tpu.memory_space<vmem>> -> memref<1x8x8x128xf32, #tpu.memory_space<vmem>>
      %dma_start3A_186 = tpu.memref_squeeze %dma_start3A_185 : memref<1x8x8x128xf32, #tpu.memory_space<vmem>> -> memref<8x8x128xf32, #tpu.memory_space<vmem>>
      tpu.enqueue_dma source(%dma_start3A_186 : memref<8x8x128xf32, #tpu.memory_space<vmem>>) target(%dma_start3A_181 : memref<8x8x128xf32, #tpu.memory_space<hbm>>) target_semaphore(%dma_start3A_176 : memref<!tpu.dma_semaphore, #tpu.memory_space<semaphore_mem>>)
      %add3A_187 = arith.constant 1 : i32
      %add3A_188 = arith.addi %add3A_127, %add3A_187 : i32
      %dma_wait3A_189 = arith.constant 0 : i32
      %dma_wait3A_190 = arith.constant 1 : i32
      %dma_wait3A_191 = arith.constant 1 : i32
      %dma_wait3A_192 = arith.constant 0 : i32
      %dma_wait3A_193 = arith.constant 0 : i32
      %dma_wait3A_194 = tpu.memref_slice %arg6[%dma_wait3A_190, %dma_wait3A_192, %dma_wait3A_193] : memref<4x128x64xf32, #tpu.memory_space<vmem>> -> memref<1x128x64xf32, #tpu.memory_space<vmem>>
      %dma_wait3A_195 = tpu.memref_squeeze %dma_wait3A_194 : memref<1x128x64xf32, #tpu.memory_space<vmem>> -> memref<128x64xf32, #tpu.memory_space<vmem>>
      %dma_wait3A_196 = arith.constant 0 : i32
      %dma_wait3A_197 = tpu.memref_slice %arg5[%dma_wait3A_189, %dma_wait3A_196] : memref<200x128xi32, #tpu.memory_space<vmem>> -> memref<1x128xi32, #tpu.memory_space<vmem>>
      %dma_wait3A_198 = tpu.memref_squeeze %dma_wait3A_197 : memref<1x128xi32, #tpu.memory_space<vmem>> -> memref<128xi32, #tpu.memory_space<vmem>>
      %dma_wait3A_199 = arith.constant 0 : i32
      %dma_wait3A_200 = arith.constant 0 : i32
      %dma_wait3A_201 = tpu.memref_slice %arg2[%dma_wait3A_199, %dma_wait3A_200] : memref<100000x64xf32, #tpu.memory_space<hbm>> -> memref<100000x64xf32, #tpu.memory_space<hbm>>
      %dma_wait3A_202 = tpu.memref_slice %arg9[%dma_wait3A_191] : memref<4x!tpu.dma_semaphore, #tpu.memory_space<semaphore_mem>> -> memref<1x!tpu.dma_semaphore, #tpu.memory_space<semaphore_mem>>
      %dma_wait3A_203 = tpu.memref_squeeze %dma_wait3A_202 : memref<1x!tpu.dma_semaphore, #tpu.memory_space<semaphore_mem>> -> memref<!tpu.dma_semaphore, #tpu.memory_space<semaphore_mem>>
      tpu.wait_indirect_dma semaphore(%dma_wait3A_203 : memref<!tpu.dma_semaphore, #tpu.memory_space<semaphore_mem>>) src(%dma_wait3A_201 : memref<100000x64xf32, #tpu.memory_space<hbm>>) dst(%dma_wait3A_195 : memref<128x64xf32, #tpu.memory_space<vmem>>)
      %ge3A_204 = arith.constant 2 : i32
      %ge3A_205 = arith.cmpi sge, %add3A_188, %ge3A_204 : i32
      %convert_element_type3A_206 = arith.extui %ge3A_205 : i1 to i32
      %cond3A_207 = arith.constant 0 : i32
      %cond3A_208 = arith.cmpi ne, %convert_element_type3A_206, %cond3A_207 : i32
      scf.if %cond3A_208 {
        %sub3A = arith.constant 2 : i32
        %sub3A_379 = arith.subi %add3A_188, %sub3A : i32
        %add3A_380 = arith.addi %mul3A_2, %sub3A_379 : i32
        %shift_right_arithmetic3A_381 = arith.constant 5 : i32
        %shift_right_arithmetic3A_382 = arith.shrsi %add3A_380, %shift_right_arithmetic3A_381 : i32
        %and3A_383 = arith.constant 31 : i32
        %and3A_384 = arith.andi %add3A_380, %and3A_383 : i32
        %dma_wait3A_385 = arith.constant 1 : i32
        %dma_wait3A_386 = arith.constant 1 : i32
        %dma_wait3A_387 = arith.constant 0 : i32
        %dma_wait3A_388 = arith.constant 0 : i32
        %dma_wait3A_389 = arith.constant 0 : i32
        %dma_wait3A_390 = tpu.memref_slice %arg8[%dma_wait3A_385, %dma_wait3A_387, %dma_wait3A_388, %dma_wait3A_389] : memref<2x8x8x128xf32, #tpu.memory_space<vmem>> -> memref<1x8x8x128xf32, #tpu.memory_space<vmem>>
        %dma_wait3A_391 = tpu.memref_squeeze %dma_wait3A_390 : memref<1x8x8x128xf32, #tpu.memory_space<vmem>> -> memref<8x8x128xf32, #tpu.memory_space<vmem>>
        %dma_wait3A_392 = arith.constant 0 : i32
        %dma_wait3A_393 = arith.constant 0 : i32
        %dma_wait3A_394 = arith.constant 0 : i32
        %dma_wait3A_395 = tpu.memref_slice %arg4[%shift_right_arithmetic3A_382, %dma_wait3A_392, %and3A_384, %dma_wait3A_393, %dma_wait3A_394] : memref<200x8x32x8x128xf32, #tpu.memory_space<hbm>> -> memref<1x8x1x8x128xf32, #tpu.memory_space<hbm>>
        %dma_wait3A_396 = tpu.memref_squeeze %dma_wait3A_395 : memref<1x8x1x8x128xf32, #tpu.memory_space<hbm>> -> memref<8x8x128xf32, #tpu.memory_space<hbm>>
        %dma_wait3A_397 = tpu.memref_slice %arg10[%dma_wait3A_386] : memref<2x!tpu.dma_semaphore, #tpu.memory_space<semaphore_mem>> -> memref<1x!tpu.dma_semaphore, #tpu.memory_space<semaphore_mem>>
        %dma_wait3A_398 = tpu.memref_squeeze %dma_wait3A_397 : memref<1x!tpu.dma_semaphore, #tpu.memory_space<semaphore_mem>> -> memref<!tpu.dma_semaphore, #tpu.memory_space<semaphore_mem>>
        %dma_wait3A_399 = arith.constant 0 : i32
        %dma_wait3A_400 = arith.constant 0 : i32
        %dma_wait3A_401 = arith.constant 0 : i32
        %dma_wait3A_402 = tpu.memref_slice %arg4[%shift_right_arithmetic3A_382, %dma_wait3A_399, %and3A_384, %dma_wait3A_400, %dma_wait3A_401] : memref<200x8x32x8x128xf32, #tpu.memory_space<hbm>> -> memref<1x8x1x8x128xf32, #tpu.memory_space<hbm>>
        %dma_wait3A_403 = tpu.memref_squeeze %dma_wait3A_402 : memref<1x8x1x8x128xf32, #tpu.memory_space<hbm>> -> memref<8x8x128xf32, #tpu.memory_space<hbm>>
        %dma_wait3A_404 = arith.constant 0 : i32
        %dma_wait3A_405 = arith.constant 0 : i32
        %dma_wait3A_406 = arith.constant 0 : i32
        %dma_wait3A_407 = tpu.memref_slice %arg8[%dma_wait3A_385, %dma_wait3A_404, %dma_wait3A_405, %dma_wait3A_406] : memref<2x8x8x128xf32, #tpu.memory_space<vmem>> -> memref<1x8x8x128xf32, #tpu.memory_space<vmem>>
        %dma_wait3A_408 = tpu.memref_squeeze %dma_wait3A_407 : memref<1x8x8x128xf32, #tpu.memory_space<vmem>> -> memref<8x8x128xf32, #tpu.memory_space<vmem>>
        tpu.wait_dma2 semaphore(%dma_wait3A_398 : memref<!tpu.dma_semaphore, #tpu.memory_space<semaphore_mem>>) src(%dma_wait3A_408 : memref<8x8x128xf32, #tpu.memory_space<vmem>>) dst(%dma_wait3A_403 : memref<8x8x128xf32, #tpu.memory_space<hbm>>)
      } else {
      }
      %parallel_loop3A_209 = arith.constant 0 : i32
      %parallel_loop3A_210 = arith.constant 128 : i32
      %parallel_loop3A_211 = arith.constant 1 : i32
      scf.for %parallel_loop3A_379 = %parallel_loop3A_209 to %parallel_loop3A_210 step %parallel_loop3A_211  : i32 {
        %parallel_loop3A_380 = arith.constant 1 : i32
        %parallel_loop3A_381 = arith.index_cast %parallel_loop3A_380 : i32 to index
        %parallel_loop3A_382 = arith.index_cast %parallel_loop3A_379 : i32 to index
        %parallel_loop3A_383 = arith.constant 0 : index
        %parallel_loop3A_384 = tpu.vector_load %arg6[%parallel_loop3A_381, %parallel_loop3A_382, %parallel_loop3A_383] {strides = array<i32>} : memref<4x128x64xf32, #tpu.memory_space<vmem>>, vector<16xf32>,
        %parallel_loop3A_385 = arith.index_cast %parallel_loop3A_379 : i32 to index
        %parallel_loop3A_386 = arith.constant 0 : index
        %parallel_loop3A_387 = tpu.vector_load %arg7[%parallel_loop3A_385, %parallel_loop3A_386] {strides = array<i32>} : memref<128x65xf32, #tpu.memory_space<vmem>>, vector<16xf32>,
        tpu.vector_store %arg7[%parallel_loop3A_385, %parallel_loop3A_386], %parallel_loop3A_384 {strides = array<i32>} : memref<128x65xf32, #tpu.memory_space<vmem>>, vector<16xf32>,
        %parallel_loop3A_388 = arith.constant 1 : i32
        %parallel_loop3A_389 = arith.index_cast %parallel_loop3A_388 : i32 to index
        %parallel_loop3A_390 = arith.index_cast %parallel_loop3A_379 : i32 to index
        %parallel_loop3A_391 = arith.constant 16 : index
        %parallel_loop3A_392 = tpu.vector_load %arg6[%parallel_loop3A_389, %parallel_loop3A_390, %parallel_loop3A_391] {strides = array<i32>} : memref<4x128x64xf32, #tpu.memory_space<vmem>>, vector<16xf32>,
        %parallel_loop3A_393 = arith.index_cast %parallel_loop3A_379 : i32 to index
        %parallel_loop3A_394 = arith.constant 16 : index
        %parallel_loop3A_395 = tpu.vector_load %arg7[%parallel_loop3A_393, %parallel_loop3A_394] {strides = array<i32>} : memref<128x65xf32, #tpu.memory_space<vmem>>, vector<16xf32>,
        tpu.vector_store %arg7[%parallel_loop3A_393, %parallel_loop3A_394], %parallel_loop3A_392 {strides = array<i32>} : memref<128x65xf32, #tpu.memory_space<vmem>>, vector<16xf32>,
        %parallel_loop3A_396 = arith.constant 1 : i32
        %parallel_loop3A_397 = arith.index_cast %parallel_loop3A_396 : i32 to index
        %parallel_loop3A_398 = arith.index_cast %parallel_loop3A_379 : i32 to index
        %parallel_loop3A_399 = arith.constant 32 : index
        %parallel_loop3A_400 = tpu.vector_load %arg6[%parallel_loop3A_397, %parallel_loop3A_398, %parallel_loop3A_399] {strides = array<i32>} : memref<4x128x64xf32, #tpu.memory_space<vmem>>, vector<16xf32>,
        %parallel_loop3A_401 = arith.index_cast %parallel_loop3A_379 : i32 to index
        %parallel_loop3A_402 = arith.constant 32 : index
        %parallel_loop3A_403 = tpu.vector_load %arg7[%parallel_loop3A_401, %parallel_loop3A_402] {strides = array<i32>} : memref<128x65xf32, #tpu.memory_space<vmem>>, vector<16xf32>,
        tpu.vector_store %arg7[%parallel_loop3A_401, %parallel_loop3A_402], %parallel_loop3A_400 {strides = array<i32>} : memref<128x65xf32, #tpu.memory_space<vmem>>, vector<16xf32>,
        %parallel_loop3A_404 = arith.constant 1 : i32
        %parallel_loop3A_405 = arith.index_cast %parallel_loop3A_404 : i32 to index
        %parallel_loop3A_406 = arith.index_cast %parallel_loop3A_379 : i32 to index
        %parallel_loop3A_407 = arith.constant 48 : index
        %parallel_loop3A_408 = tpu.vector_load %arg6[%parallel_loop3A_405, %parallel_loop3A_406, %parallel_loop3A_407] {strides = array<i32>} : memref<4x128x64xf32, #tpu.memory_space<vmem>>, vector<16xf32>,
        %parallel_loop3A_409 = arith.index_cast %parallel_loop3A_379 : i32 to index
        %parallel_loop3A_410 = arith.constant 48 : index
        %parallel_loop3A_411 = tpu.vector_load %arg7[%parallel_loop3A_409, %parallel_loop3A_410] {strides = array<i32>} : memref<128x65xf32, #tpu.memory_space<vmem>>, vector<16xf32>,
        tpu.vector_store %arg7[%parallel_loop3A_409, %parallel_loop3A_410], %parallel_loop3A_408 {strides = array<i32>} : memref<128x65xf32, #tpu.memory_space<vmem>>, vector<16xf32>,
      } {sc.loop_unroll_factor = 2 : i64, sc.parallel_access}
      %parallel_loop3A_212 = arith.constant 0 : i32
      %parallel_loop3A_213 = arith.constant 64 : i32
      %parallel_loop3A_214 = arith.constant 1 : i32
      scf.for %parallel_loop3A_379 = %parallel_loop3A_212 to %parallel_loop3A_213 step %parallel_loop3A_214  : i32 {
        %parallel_loop3A_380 = arith.constant 3 : i32
        %parallel_loop3A_381 = arith.shrsi %parallel_loop3A_379, %parallel_loop3A_380 : i32
        %parallel_loop3A_382 = arith.constant 7 : i32
        %parallel_loop3A_383 = arith.andi %parallel_loop3A_379, %parallel_loop3A_382 : i32
        %parallel_loop3A_384 = arith.constant 16 : i32
        %parallel_loop3A_385 = arith.muli %parallel_loop3A_381, %parallel_loop3A_384 : i32
        %parallel_loop3A_386 = vector.broadcast %parallel_loop3A_385 : i32 to vector<16xi32>
        %parallel_loop3A_387 = arith.addi %iota3A, %parallel_loop3A_386 : vector<16xi32>
        %parallel_loop3A_388 = arith.constant 16 : i32
        %parallel_loop3A_389 = arith.muli %parallel_loop3A_381, %parallel_loop3A_388 : i32
        %parallel_loop3A_390 = arith.constant 8 : i32
        %parallel_loop3A_391 = arith.muli %parallel_loop3A_383, %parallel_loop3A_390 : i32
        %parallel_loop3A_392 = arith.constant 0 : i32
        %parallel_loop3A_393 = arith.addi %parallel_loop3A_391, %parallel_loop3A_392 : i32
        %parallel_loop3A_394 = vector.broadcast %parallel_loop3A_393 : i32 to vector<16xi32>
        %parallel_loop3A_395 = tpu.vector_load_idx %arg7[%parallel_loop3A_387, %parallel_loop3A_394] : memref<128x65xf32, #tpu.memory_space<vmem>>[vector<16xi32>, vector<16xi32>], vector<16xf32>,
        %parallel_loop3A_396 = arith.constant 8.000000e+00 : f32
        %parallel_loop3A_397 = vector.broadcast %parallel_loop3A_396 : f32 to vector<16xf32>
        %parallel_loop3A_398 = arith.mulf %parallel_loop3A_395, %parallel_loop3A_397 : vector<16xf32>
        %parallel_loop3A_399 = arith.constant 1 : i32
        %parallel_loop3A_400 = arith.constant 0 : i32
        %parallel_loop3A_401 = arith.index_cast %parallel_loop3A_399 : i32 to index
        %parallel_loop3A_402 = arith.index_cast %parallel_loop3A_383 : i32 to index
        %parallel_loop3A_403 = arith.index_cast %parallel_loop3A_400 : i32 to index
        %parallel_loop3A_404 = arith.index_cast %parallel_loop3A_389 : i32 to index
        %parallel_loop3A_405 = tpu.vector_load %arg8[%parallel_loop3A_401, %parallel_loop3A_402, %parallel_loop3A_403, %parallel_loop3A_404] {strides = array<i32>} : memref<2x8x8x128xf32, #tpu.memory_space<vmem>>, vector<16xf32>,
        tpu.vector_store %arg8[%parallel_loop3A_401, %parallel_loop3A_402, %parallel_loop3A_403, %parallel_loop3A_404], %parallel_loop3A_398 {strides = array<i32>} : memref<2x8x8x128xf32, #tpu.memory_space<vmem>>, vector<16xf32>,
        %parallel_loop3A_406 = arith.constant 8 : i32
        %parallel_loop3A_407 = arith.muli %parallel_loop3A_383, %parallel_loop3A_406 : i32
        %parallel_loop3A_408 = arith.constant 1 : i32
        %parallel_loop3A_409 = arith.addi %parallel_loop3A_407, %parallel_loop3A_408 : i32
        %parallel_loop3A_410 = vector.broadcast %parallel_loop3A_409 : i32 to vector<16xi32>
        %parallel_loop3A_411 = tpu.vector_load_idx %arg7[%parallel_loop3A_387, %parallel_loop3A_410] : memref<128x65xf32, #tpu.memory_space<vmem>>[vector<16xi32>, vector<16xi32>], vector<16xf32>,
        %parallel_loop3A_412 = arith.constant 8.000000e+00 : f32
        %parallel_loop3A_413 = vector.broadcast %parallel_loop3A_412 : f32 to vector<16xf32>
        %parallel_loop3A_414 = arith.mulf %parallel_loop3A_411, %parallel_loop3A_413 : vector<16xf32>
        %parallel_loop3A_415 = arith.constant 1 : i32
        %parallel_loop3A_416 = arith.constant 1 : i32
        %parallel_loop3A_417 = arith.index_cast %parallel_loop3A_415 : i32 to index
        %parallel_loop3A_418 = arith.index_cast %parallel_loop3A_383 : i32 to index
        %parallel_loop3A_419 = arith.index_cast %parallel_loop3A_416 : i32 to index
        %parallel_loop3A_420 = arith.index_cast %parallel_loop3A_389 : i32 to index
        %parallel_loop3A_421 = tpu.vector_load %arg8[%parallel_loop3A_417, %parallel_loop3A_418, %parallel_loop3A_419, %parallel_loop3A_420] {strides = array<i32>} : memref<2x8x8x128xf32, #tpu.memory_space<vmem>>, vector<16xf32>,
        tpu.vector_store %arg8[%parallel_loop3A_417, %parallel_loop3A_418, %parallel_loop3A_419, %parallel_loop3A_420], %parallel_loop3A_414 {strides = array<i32>} : memref<2x8x8x128xf32, #tpu.memory_space<vmem>>, vector<16xf32>,
        %parallel_loop3A_422 = arith.constant 8 : i32
        %parallel_loop3A_423 = arith.muli %parallel_loop3A_383, %parallel_loop3A_422 : i32
        %parallel_loop3A_424 = arith.constant 2 : i32
        %parallel_loop3A_425 = arith.addi %parallel_loop3A_423, %parallel_loop3A_424 : i32
        %parallel_loop3A_426 = vector.broadcast %parallel_loop3A_425 : i32 to vector<16xi32>
        %parallel_loop3A_427 = tpu.vector_load_idx %arg7[%parallel_loop3A_387, %parallel_loop3A_426] : memref<128x65xf32, #tpu.memory_space<vmem>>[vector<16xi32>, vector<16xi32>], vector<16xf32>,
        %parallel_loop3A_428 = arith.constant 8.000000e+00 : f32
        %parallel_loop3A_429 = vector.broadcast %parallel_loop3A_428 : f32 to vector<16xf32>
        %parallel_loop3A_430 = arith.mulf %parallel_loop3A_427, %parallel_loop3A_429 : vector<16xf32>
        %parallel_loop3A_431 = arith.constant 1 : i32
        %parallel_loop3A_432 = arith.constant 2 : i32
        %parallel_loop3A_433 = arith.index_cast %parallel_loop3A_431 : i32 to index
        %parallel_loop3A_434 = arith.index_cast %parallel_loop3A_383 : i32 to index
        %parallel_loop3A_435 = arith.index_cast %parallel_loop3A_432 : i32 to index
        %parallel_loop3A_436 = arith.index_cast %parallel_loop3A_389 : i32 to index
        %parallel_loop3A_437 = tpu.vector_load %arg8[%parallel_loop3A_433, %parallel_loop3A_434, %parallel_loop3A_435, %parallel_loop3A_436] {strides = array<i32>} : memref<2x8x8x128xf32, #tpu.memory_space<vmem>>, vector<16xf32>,
        tpu.vector_store %arg8[%parallel_loop3A_433, %parallel_loop3A_434, %parallel_loop3A_435, %parallel_loop3A_436], %parallel_loop3A_430 {strides = array<i32>} : memref<2x8x8x128xf32, #tpu.memory_space<vmem>>, vector<16xf32>,
        %parallel_loop3A_438 = arith.constant 8 : i32
        %parallel_loop3A_439 = arith.muli %parallel_loop3A_383, %parallel_loop3A_438 : i32
        %parallel_loop3A_440 = arith.constant 3 : i32
        %parallel_loop3A_441 = arith.addi %parallel_loop3A_439, %parallel_loop3A_440 : i32
        %parallel_loop3A_442 = vector.broadcast %parallel_loop3A_441 : i32 to vector<16xi32>
        %parallel_loop3A_443 = tpu.vector_load_idx %arg7[%parallel_loop3A_387, %parallel_loop3A_442] : memref<128x65xf32, #tpu.memory_space<vmem>>[vector<16xi32>, vector<16xi32>], vector<16xf32>,
        %parallel_loop3A_444 = arith.constant 8.000000e+00 : f32
        %parallel_loop3A_445 = vector.broadcast %parallel_loop3A_444 : f32 to vector<16xf32>
        %parallel_loop3A_446 = arith.mulf %parallel_loop3A_443, %parallel_loop3A_445 : vector<16xf32>
        %parallel_loop3A_447 = arith.constant 1 : i32
        %parallel_loop3A_448 = arith.constant 3 : i32
        %parallel_loop3A_449 = arith.index_cast %parallel_loop3A_447 : i32 to index
        %parallel_loop3A_450 = arith.index_cast %parallel_loop3A_383 : i32 to index
        %parallel_loop3A_451 = arith.index_cast %parallel_loop3A_448 : i32 to index
        %parallel_loop3A_452 = arith.index_cast %parallel_loop3A_389 : i32 to index
        %parallel_loop3A_453 = tpu.vector_load %arg8[%parallel_loop3A_449, %parallel_loop3A_450, %parallel_loop3A_451, %parallel_loop3A_452] {strides = array<i32>} : memref<2x8x8x128xf32, #tpu.memory_space<vmem>>, vector<16xf32>,
        tpu.vector_store %arg8[%parallel_loop3A_449, %parallel_loop3A_450, %parallel_loop3A_451, %parallel_loop3A_452], %parallel_loop3A_446 {strides = array<i32>} : memref<2x8x8x128xf32, #tpu.memory_space<vmem>>, vector<16xf32>,
        %parallel_loop3A_454 = arith.constant 8 : i32
        %parallel_loop3A_455 = arith.muli %parallel_loop3A_383, %parallel_loop3A_454 : i32
        %parallel_loop3A_456 = arith.constant 4 : i32
        %parallel_loop3A_457 = arith.addi %parallel_loop3A_455, %parallel_loop3A_456 : i32
        %parallel_loop3A_458 = vector.broadcast %parallel_loop3A_457 : i32 to vector<16xi32>
        %parallel_loop3A_459 = tpu.vector_load_idx %arg7[%parallel_loop3A_387, %parallel_loop3A_458] : memref<128x65xf32, #tpu.memory_space<vmem>>[vector<16xi32>, vector<16xi32>], vector<16xf32>,
        %parallel_loop3A_460 = arith.constant 8.000000e+00 : f32
        %parallel_loop3A_461 = vector.broadcast %parallel_loop3A_460 : f32 to vector<16xf32>
        %parallel_loop3A_462 = arith.mulf %parallel_loop3A_459, %parallel_loop3A_461 : vector<16xf32>
        %parallel_loop3A_463 = arith.constant 1 : i32
        %parallel_loop3A_464 = arith.constant 4 : i32
        %parallel_loop3A_465 = arith.index_cast %parallel_loop3A_463 : i32 to index
        %parallel_loop3A_466 = arith.index_cast %parallel_loop3A_383 : i32 to index
        %parallel_loop3A_467 = arith.index_cast %parallel_loop3A_464 : i32 to index
        %parallel_loop3A_468 = arith.index_cast %parallel_loop3A_389 : i32 to index
        %parallel_loop3A_469 = tpu.vector_load %arg8[%parallel_loop3A_465, %parallel_loop3A_466, %parallel_loop3A_467, %parallel_loop3A_468] {strides = array<i32>} : memref<2x8x8x128xf32, #tpu.memory_space<vmem>>, vector<16xf32>,
        tpu.vector_store %arg8[%parallel_loop3A_465, %parallel_loop3A_466, %parallel_loop3A_467, %parallel_loop3A_468], %parallel_loop3A_462 {strides = array<i32>} : memref<2x8x8x128xf32, #tpu.memory_space<vmem>>, vector<16xf32>,
        %parallel_loop3A_470 = arith.constant 8 : i32
        %parallel_loop3A_471 = arith.muli %parallel_loop3A_383, %parallel_loop3A_470 : i32
        %parallel_loop3A_472 = arith.constant 5 : i32
        %parallel_loop3A_473 = arith.addi %parallel_loop3A_471, %parallel_loop3A_472 : i32
        %parallel_loop3A_474 = vector.broadcast %parallel_loop3A_473 : i32 to vector<16xi32>
        %parallel_loop3A_475 = tpu.vector_load_idx %arg7[%parallel_loop3A_387, %parallel_loop3A_474] : memref<128x65xf32, #tpu.memory_space<vmem>>[vector<16xi32>, vector<16xi32>], vector<16xf32>,
        %parallel_loop3A_476 = arith.constant 8.000000e+00 : f32
        %parallel_loop3A_477 = vector.broadcast %parallel_loop3A_476 : f32 to vector<16xf32>
        %parallel_loop3A_478 = arith.mulf %parallel_loop3A_475, %parallel_loop3A_477 : vector<16xf32>
        %parallel_loop3A_479 = arith.constant 1 : i32
        %parallel_loop3A_480 = arith.constant 5 : i32
        %parallel_loop3A_481 = arith.index_cast %parallel_loop3A_479 : i32 to index
        %parallel_loop3A_482 = arith.index_cast %parallel_loop3A_383 : i32 to index
        %parallel_loop3A_483 = arith.index_cast %parallel_loop3A_480 : i32 to index
        %parallel_loop3A_484 = arith.index_cast %parallel_loop3A_389 : i32 to index
        %parallel_loop3A_485 = tpu.vector_load %arg8[%parallel_loop3A_481, %parallel_loop3A_482, %parallel_loop3A_483, %parallel_loop3A_484] {strides = array<i32>} : memref<2x8x8x128xf32, #tpu.memory_space<vmem>>, vector<16xf32>,
        tpu.vector_store %arg8[%parallel_loop3A_481, %parallel_loop3A_482, %parallel_loop3A_483, %parallel_loop3A_484], %parallel_loop3A_478 {strides = array<i32>} : memref<2x8x8x128xf32, #tpu.memory_space<vmem>>, vector<16xf32>,
        %parallel_loop3A_486 = arith.constant 8 : i32
        %parallel_loop3A_487 = arith.muli %parallel_loop3A_383, %parallel_loop3A_486 : i32
        %parallel_loop3A_488 = arith.constant 6 : i32
        %parallel_loop3A_489 = arith.addi %parallel_loop3A_487, %parallel_loop3A_488 : i32
        %parallel_loop3A_490 = vector.broadcast %parallel_loop3A_489 : i32 to vector<16xi32>
        %parallel_loop3A_491 = tpu.vector_load_idx %arg7[%parallel_loop3A_387, %parallel_loop3A_490] : memref<128x65xf32, #tpu.memory_space<vmem>>[vector<16xi32>, vector<16xi32>], vector<16xf32>,
        %parallel_loop3A_492 = arith.constant 8.000000e+00 : f32
        %parallel_loop3A_493 = vector.broadcast %parallel_loop3A_492 : f32 to vector<16xf32>
        %parallel_loop3A_494 = arith.mulf %parallel_loop3A_491, %parallel_loop3A_493 : vector<16xf32>
        %parallel_loop3A_495 = arith.constant 1 : i32
        %parallel_loop3A_496 = arith.constant 6 : i32
        %parallel_loop3A_497 = arith.index_cast %parallel_loop3A_495 : i32 to index
        %parallel_loop3A_498 = arith.index_cast %parallel_loop3A_383 : i32 to index
        %parallel_loop3A_499 = arith.index_cast %parallel_loop3A_496 : i32 to index
        %parallel_loop3A_500 = arith.index_cast %parallel_loop3A_389 : i32 to index
        %parallel_loop3A_501 = tpu.vector_load %arg8[%parallel_loop3A_497, %parallel_loop3A_498, %parallel_loop3A_499, %parallel_loop3A_500] {strides = array<i32>} : memref<2x8x8x128xf32, #tpu.memory_space<vmem>>, vector<16xf32>,
        tpu.vector_store %arg8[%parallel_loop3A_497, %parallel_loop3A_498, %parallel_loop3A_499, %parallel_loop3A_500], %parallel_loop3A_494 {strides = array<i32>} : memref<2x8x8x128xf32, #tpu.memory_space<vmem>>, vector<16xf32>,
        %parallel_loop3A_502 = arith.constant 8 : i32
        %parallel_loop3A_503 = arith.muli %parallel_loop3A_383, %parallel_loop3A_502 : i32
        %parallel_loop3A_504 = arith.constant 7 : i32
        %parallel_loop3A_505 = arith.addi %parallel_loop3A_503, %parallel_loop3A_504 : i32
        %parallel_loop3A_506 = vector.broadcast %parallel_loop3A_505 : i32 to vector<16xi32>
        %parallel_loop3A_507 = tpu.vector_load_idx %arg7[%parallel_loop3A_387, %parallel_loop3A_506] : memref<128x65xf32, #tpu.memory_space<vmem>>[vector<16xi32>, vector<16xi32>], vector<16xf32>,
        %parallel_loop3A_508 = arith.constant 8.000000e+00 : f32
        %parallel_loop3A_509 = vector.broadcast %parallel_loop3A_508 : f32 to vector<16xf32>
        %parallel_loop3A_510 = arith.mulf %parallel_loop3A_507, %parallel_loop3A_509 : vector<16xf32>
        %parallel_loop3A_511 = arith.constant 1 : i32
        %parallel_loop3A_512 = arith.constant 7 : i32
        %parallel_loop3A_513 = arith.index_cast %parallel_loop3A_511 : i32 to index
        %parallel_loop3A_514 = arith.index_cast %parallel_loop3A_383 : i32 to index
        %parallel_loop3A_515 = arith.index_cast %parallel_loop3A_512 : i32 to index
        %parallel_loop3A_516 = arith.index_cast %parallel_loop3A_389 : i32 to index
        %parallel_loop3A_517 = tpu.vector_load %arg8[%parallel_loop3A_513, %parallel_loop3A_514, %parallel_loop3A_515, %parallel_loop3A_516] {strides = array<i32>} : memref<2x8x8x128xf32, #tpu.memory_space<vmem>>, vector<16xf32>,
        tpu.vector_store %arg8[%parallel_loop3A_513, %parallel_loop3A_514, %parallel_loop3A_515, %parallel_loop3A_516], %parallel_loop3A_510 {strides = array<i32>} : memref<2x8x8x128xf32, #tpu.memory_space<vmem>>, vector<16xf32>,
      } {sc.loop_unroll_factor = 2 : i64, sc.parallel_access}
      %add3A_215 = arith.constant 4 : i32
      %add3A_216 = arith.addi %add3A_188, %add3A_215 : i32
      %lt3A_217 = arith.constant 200 : i32
      %lt3A_218 = arith.cmpi slt, %add3A_216, %lt3A_217 : i32
      %convert_element_type3A_219 = arith.extui %lt3A_218 : i1 to i32
      %cond3A_220 = arith.constant 0 : i32
      %cond3A_221 = arith.cmpi ne, %convert_element_type3A_219, %cond3A_220 : i32
      scf.if %cond3A_221 {
        %add3A_379 = arith.constant 4 : i32
        %add3A_380 = arith.addi %add3A_188, %add3A_379 : i32
        %dma_start3A_381 = arith.constant 1 : i32
        %dma_start3A_382 = arith.constant 1 : i32
        %dma_start3A_383 = arith.constant 0 : i32
        %dma_start3A_384 = arith.constant 0 : i32
        %dma_start3A_385 = tpu.memref_slice %arg6[%dma_start3A_381, %dma_start3A_383, %dma_start3A_384] : memref<4x128x64xf32, #tpu.memory_space<vmem>> -> memref<1x128x64xf32, #tpu.memory_space<vmem>>
        %dma_start3A_386 = tpu.memref_squeeze %dma_start3A_385 : memref<1x128x64xf32, #tpu.memory_space<vmem>> -> memref<128x64xf32, #tpu.memory_space<vmem>>
        %dma_start3A_387 = arith.constant 0 : i32
        %dma_start3A_388 = tpu.memref_slice %arg5[%add3A_380, %dma_start3A_387] : memref<200x128xi32, #tpu.memory_space<vmem>> -> memref<1x128xi32, #tpu.memory_space<vmem>>
        %dma_start3A_389 = tpu.memref_squeeze %dma_start3A_388 : memref<1x128xi32, #tpu.memory_space<vmem>> -> memref<128xi32, #tpu.memory_space<vmem>>
        %dma_start3A_390 = arith.constant 0 : i32
        %dma_start3A_391 = arith.constant 0 : i32
        %dma_start3A_392 = tpu.memref_slice %arg2[%dma_start3A_390, %dma_start3A_391] : memref<100000x64xf32, #tpu.memory_space<hbm>> -> memref<100000x64xf32, #tpu.memory_space<hbm>>
        %dma_start3A_393 = tpu.memref_slice %arg9[%dma_start3A_382] : memref<4x!tpu.dma_semaphore, #tpu.memory_space<semaphore_mem>> -> memref<1x!tpu.dma_semaphore, #tpu.memory_space<semaphore_mem>>
        %dma_start3A_394 = tpu.memref_squeeze %dma_start3A_393 : memref<1x!tpu.dma_semaphore, #tpu.memory_space<semaphore_mem>> -> memref<!tpu.dma_semaphore, #tpu.memory_space<semaphore_mem>>
        tpu.enqueue_indirect_dma source(%dma_start3A_392 : memref<100000x64xf32, #tpu.memory_space<hbm>>) target(%dma_start3A_386 : memref<128x64xf32, #tpu.memory_space<vmem>>) offsets(%dma_start3A_389 : memref<128xi32, #tpu.memory_space<vmem>>) semaphore(%dma_start3A_394 : memref<!tpu.dma_semaphore, #tpu.memory_space<semaphore_mem>>)
      } else {
      }
      %add3A_222 = arith.addi %mul3A_2, %add3A_188 : i32
      %shift_right_arithmetic3A_223 = arith.constant 5 : i32
      %shift_right_arithmetic3A_224 = arith.shrsi %add3A_222, %shift_right_arithmetic3A_223 : i32
      %and3A_225 = arith.constant 31 : i32
      %and3A_226 = arith.andi %add3A_222, %and3A_225 : i32
      %dma_start3A_227 = arith.constant 1 : i32
      %dma_start3A_228 = arith.constant 1 : i32
      %dma_start3A_229 = arith.constant 0 : i32
      %dma_start3A_230 = arith.constant 0 : i32
      %dma_start3A_231 = arith.constant 0 : i32
      %dma_start3A_232 = tpu.memref_slice %arg8[%dma_start3A_227, %dma_start3A_229, %dma_start3A_230, %dma_start3A_231] : memref<2x8x8x128xf32, #tpu.memory_space<vmem>> -> memref<1x8x8x128xf32, #tpu.memory_space<vmem>>
      %dma_start3A_233 = tpu.memref_squeeze %dma_start3A_232 : memref<1x8x8x128xf32, #tpu.memory_space<vmem>> -> memref<8x8x128xf32, #tpu.memory_space<vmem>>
      %dma_start3A_234 = arith.constant 0 : i32
      %dma_start3A_235 = arith.constant 0 : i32
      %dma_start3A_236 = arith.constant 0 : i32
      %dma_start3A_237 = tpu.memref_slice %arg4[%shift_right_arithmetic3A_224, %dma_start3A_234, %and3A_226, %dma_start3A_235, %dma_start3A_236] : memref<200x8x32x8x128xf32, #tpu.memory_space<hbm>> -> memref<1x8x1x8x128xf32, #tpu.memory_space<hbm>>
      %dma_start3A_238 = tpu.memref_squeeze %dma_start3A_237 : memref<1x8x1x8x128xf32, #tpu.memory_space<hbm>> -> memref<8x8x128xf32, #tpu.memory_space<hbm>>
      %dma_start3A_239 = tpu.memref_slice %arg10[%dma_start3A_228] : memref<2x!tpu.dma_semaphore, #tpu.memory_space<semaphore_mem>> -> memref<1x!tpu.dma_semaphore, #tpu.memory_space<semaphore_mem>>
      %dma_start3A_240 = tpu.memref_squeeze %dma_start3A_239 : memref<1x!tpu.dma_semaphore, #tpu.memory_space<semaphore_mem>> -> memref<!tpu.dma_semaphore, #tpu.memory_space<semaphore_mem>>
      %dma_start3A_241 = arith.constant 0 : i32
      %dma_start3A_242 = arith.constant 0 : i32
      %dma_start3A_243 = arith.constant 0 : i32
      %dma_start3A_244 = tpu.memref_slice %arg4[%shift_right_arithmetic3A_224, %dma_start3A_241, %and3A_226, %dma_start3A_242, %dma_start3A_243] : memref<200x8x32x8x128xf32, #tpu.memory_space<hbm>> -> memref<1x8x1x8x128xf32, #tpu.memory_space<hbm>>
      %dma_start3A_245 = tpu.memref_squeeze %dma_start3A_244 : memref<1x8x1x8x128xf32, #tpu.memory_space<hbm>> -> memref<8x8x128xf32, #tpu.memory_space<hbm>>
      %dma_start3A_246 = arith.constant 0 : i32
      %dma_start3A_247 = arith.constant 0 : i32
      %dma_start3A_248 = arith.constant 0 : i32
      %dma_start3A_249 = tpu.memref_slice %arg8[%dma_start3A_227, %dma_start3A_246, %dma_start3A_247, %dma_start3A_248] : memref<2x8x8x128xf32, #tpu.memory_space<vmem>> -> memref<1x8x8x128xf32, #tpu.memory_space<vmem>>
      %dma_start3A_250 = tpu.memref_squeeze %dma_start3A_249 : memref<1x8x8x128xf32, #tpu.memory_space<vmem>> -> memref<8x8x128xf32, #tpu.memory_space<vmem>>
      tpu.enqueue_dma source(%dma_start3A_250 : memref<8x8x128xf32, #tpu.memory_space<vmem>>) target(%dma_start3A_245 : memref<8x8x128xf32, #tpu.memory_space<hbm>>) target_semaphore(%dma_start3A_240 : memref<!tpu.dma_semaphore, #tpu.memory_space<semaphore_mem>>)
      %add3A_251 = arith.constant 2 : i32
      %add3A_252 = arith.addi %add3A_127, %add3A_251 : i32
      %dma_wait3A_253 = arith.constant 0 : i32
      %dma_wait3A_254 = arith.constant 2 : i32
      %dma_wait3A_255 = arith.constant 2 : i32
      %dma_wait3A_256 = arith.constant 0 : i32
      %dma_wait3A_257 = arith.constant 0 : i32
      %dma_wait3A_258 = tpu.memref_slice %arg6[%dma_wait3A_254, %dma_wait3A_256, %dma_wait3A_257] : memref<4x128x64xf32, #tpu.memory_space<vmem>> -> memref<1x128x64xf32, #tpu.memory_space<vmem>>
      %dma_wait3A_259 = tpu.memref_squeeze %dma_wait3A_258 : memref<1x128x64xf32, #tpu.memory_space<vmem>> -> memref<128x64xf32, #tpu.memory_space<vmem>>
      %dma_wait3A_260 = arith.constant 0 : i32
      %dma_wait3A_261 = tpu.memref_slice %arg5[%dma_wait3A_253, %dma_wait3A_260] : memref<200x128xi32, #tpu.memory_space<vmem>> -> memref<1x128xi32, #tpu.memory_space<vmem>>
      %dma_wait3A_262 = tpu.memref_squeeze %dma_wait3A_261 : memref<1x128xi32, #tpu.memory_space<vmem>> -> memref<128xi32, #tpu.memory_space<vmem>>
      %dma_wait3A_263 = arith.constant 0 : i32
      %dma_wait3A_264 = arith.constant 0 : i32
      %dma_wait3A_265 = tpu.memref_slice %arg2[%dma_wait3A_263, %dma_wait3A_264] : memref<100000x64xf32, #tpu.memory_space<hbm>> -> memref<100000x64xf32, #tpu.memory_space<hbm>>
      %dma_wait3A_266 = tpu.memref_slice %arg9[%dma_wait3A_255] : memref<4x!tpu.dma_semaphore, #tpu.memory_space<semaphore_mem>> -> memref<1x!tpu.dma_semaphore, #tpu.memory_space<semaphore_mem>>
      %dma_wait3A_267 = tpu.memref_squeeze %dma_wait3A_266 : memref<1x!tpu.dma_semaphore, #tpu.memory_space<semaphore_mem>> -> memref<!tpu.dma_semaphore, #tpu.memory_space<semaphore_mem>>
      tpu.wait_indirect_dma semaphore(%dma_wait3A_267 : memref<!tpu.dma_semaphore, #tpu.memory_space<semaphore_mem>>) src(%dma_wait3A_265 : memref<100000x64xf32, #tpu.memory_space<hbm>>) dst(%dma_wait3A_259 : memref<128x64xf32, #tpu.memory_space<vmem>>)
      %ge3A_268 = arith.constant 2 : i32
      %ge3A_269 = arith.cmpi sge, %add3A_252, %ge3A_268 : i32
      %convert_element_type3A_270 = arith.extui %ge3A_269 : i1 to i32
      %cond3A_271 = arith.constant 0 : i32
      %cond3A_272 = arith.cmpi ne, %convert_element_type3A_270, %cond3A_271 : i32
      scf.if %cond3A_272 {
        %sub3A = arith.constant 2 : i32
        %sub3A_379 = arith.subi %add3A_252, %sub3A : i32
        %add3A_380 = arith.addi %mul3A_2, %sub3A_379 : i32
        %shift_right_arithmetic3A_381 = arith.constant 5 : i32
        %shift_right_arithmetic3A_382 = arith.shrsi %add3A_380, %shift_right_arithmetic3A_381 : i32
        %and3A_383 = arith.constant 31 : i32
        %and3A_384 = arith.andi %add3A_380, %and3A_383 : i32
        %dma_wait3A_385 = arith.constant 0 : i32
        %dma_wait3A_386 = arith.constant 0 : i32
        %dma_wait3A_387 = arith.constant 0 : i32
        %dma_wait3A_388 = arith.constant 0 : i32
        %dma_wait3A_389 = arith.constant 0 : i32
        %dma_wait3A_390 = tpu.memref_slice %arg8[%dma_wait3A_385, %dma_wait3A_387, %dma_wait3A_388, %dma_wait3A_389] : memref<2x8x8x128xf32, #tpu.memory_space<vmem>> -> memref<1x8x8x128xf32, #tpu.memory_space<vmem>>
        %dma_wait3A_391 = tpu.memref_squeeze %dma_wait3A_390 : memref<1x8x8x128xf32, #tpu.memory_space<vmem>> -> memref<8x8x128xf32, #tpu.memory_space<vmem>>
        %dma_wait3A_392 = arith.constant 0 : i32
        %dma_wait3A_393 = arith.constant 0 : i32
        %dma_wait3A_394 = arith.constant 0 : i32
        %dma_wait3A_395 = tpu.memref_slice %arg4[%shift_right_arithmetic3A_382, %dma_wait3A_392, %and3A_384, %dma_wait3A_393, %dma_wait3A_394] : memref<200x8x32x8x128xf32, #tpu.memory_space<hbm>> -> memref<1x8x1x8x128xf32, #tpu.memory_space<hbm>>
        %dma_wait3A_396 = tpu.memref_squeeze %dma_wait3A_395 : memref<1x8x1x8x128xf32, #tpu.memory_space<hbm>> -> memref<8x8x128xf32, #tpu.memory_space<hbm>>
        %dma_wait3A_397 = tpu.memref_slice %arg10[%dma_wait3A_386] : memref<2x!tpu.dma_semaphore, #tpu.memory_space<semaphore_mem>> -> memref<1x!tpu.dma_semaphore, #tpu.memory_space<semaphore_mem>>
        %dma_wait3A_398 = tpu.memref_squeeze %dma_wait3A_397 : memref<1x!tpu.dma_semaphore, #tpu.memory_space<semaphore_mem>> -> memref<!tpu.dma_semaphore, #tpu.memory_space<semaphore_mem>>
        %dma_wait3A_399 = arith.constant 0 : i32
        %dma_wait3A_400 = arith.constant 0 : i32
        %dma_wait3A_401 = arith.constant 0 : i32
        %dma_wait3A_402 = tpu.memref_slice %arg4[%shift_right_arithmetic3A_382, %dma_wait3A_399, %and3A_384, %dma_wait3A_400, %dma_wait3A_401] : memref<200x8x32x8x128xf32, #tpu.memory_space<hbm>> -> memref<1x8x1x8x128xf32, #tpu.memory_space<hbm>>
        %dma_wait3A_403 = tpu.memref_squeeze %dma_wait3A_402 : memref<1x8x1x8x128xf32, #tpu.memory_space<hbm>> -> memref<8x8x128xf32, #tpu.memory_space<hbm>>
        %dma_wait3A_404 = arith.constant 0 : i32
        %dma_wait3A_405 = arith.constant 0 : i32
        %dma_wait3A_406 = arith.constant 0 : i32
        %dma_wait3A_407 = tpu.memref_slice %arg8[%dma_wait3A_385, %dma_wait3A_404, %dma_wait3A_405, %dma_wait3A_406] : memref<2x8x8x128xf32, #tpu.memory_space<vmem>> -> memref<1x8x8x128xf32, #tpu.memory_space<vmem>>
        %dma_wait3A_408 = tpu.memref_squeeze %dma_wait3A_407 : memref<1x8x8x128xf32, #tpu.memory_space<vmem>> -> memref<8x8x128xf32, #tpu.memory_space<vmem>>
        tpu.wait_dma2 semaphore(%dma_wait3A_398 : memref<!tpu.dma_semaphore, #tpu.memory_space<semaphore_mem>>) src(%dma_wait3A_408 : memref<8x8x128xf32, #tpu.memory_space<vmem>>) dst(%dma_wait3A_403 : memref<8x8x128xf32, #tpu.memory_space<hbm>>)
      } else {
      }
      %parallel_loop3A_273 = arith.constant 0 : i32
      %parallel_loop3A_274 = arith.constant 128 : i32
      %parallel_loop3A_275 = arith.constant 1 : i32
      scf.for %parallel_loop3A_379 = %parallel_loop3A_273 to %parallel_loop3A_274 step %parallel_loop3A_275  : i32 {
        %parallel_loop3A_380 = arith.constant 2 : i32
        %parallel_loop3A_381 = arith.index_cast %parallel_loop3A_380 : i32 to index
        %parallel_loop3A_382 = arith.index_cast %parallel_loop3A_379 : i32 to index
        %parallel_loop3A_383 = arith.constant 0 : index
        %parallel_loop3A_384 = tpu.vector_load %arg6[%parallel_loop3A_381, %parallel_loop3A_382, %parallel_loop3A_383] {strides = array<i32>} : memref<4x128x64xf32, #tpu.memory_space<vmem>>, vector<16xf32>,
        %parallel_loop3A_385 = arith.index_cast %parallel_loop3A_379 : i32 to index
        %parallel_loop3A_386 = arith.constant 0 : index
        %parallel_loop3A_387 = tpu.vector_load %arg7[%parallel_loop3A_385, %parallel_loop3A_386] {strides = array<i32>} : memref<128x65xf32, #tpu.memory_space<vmem>>, vector<16xf32>,
        tpu.vector_store %arg7[%parallel_loop3A_385, %parallel_loop3A_386], %parallel_loop3A_384 {strides = array<i32>} : memref<128x65xf32, #tpu.memory_space<vmem>>, vector<16xf32>,
        %parallel_loop3A_388 = arith.constant 2 : i32
        %parallel_loop3A_389 = arith.index_cast %parallel_loop3A_388 : i32 to index
        %parallel_loop3A_390 = arith.index_cast %parallel_loop3A_379 : i32 to index
        %parallel_loop3A_391 = arith.constant 16 : index
        %parallel_loop3A_392 = tpu.vector_load %arg6[%parallel_loop3A_389, %parallel_loop3A_390, %parallel_loop3A_391] {strides = array<i32>} : memref<4x128x64xf32, #tpu.memory_space<vmem>>, vector<16xf32>,
        %parallel_loop3A_393 = arith.index_cast %parallel_loop3A_379 : i32 to index
        %parallel_loop3A_394 = arith.constant 16 : index
        %parallel_loop3A_395 = tpu.vector_load %arg7[%parallel_loop3A_393, %parallel_loop3A_394] {strides = array<i32>} : memref<128x65xf32, #tpu.memory_space<vmem>>, vector<16xf32>,
        tpu.vector_store %arg7[%parallel_loop3A_393, %parallel_loop3A_394], %parallel_loop3A_392 {strides = array<i32>} : memref<128x65xf32, #tpu.memory_space<vmem>>, vector<16xf32>,
        %parallel_loop3A_396 = arith.constant 2 : i32
        %parallel_loop3A_397 = arith.index_cast %parallel_loop3A_396 : i32 to index
        %parallel_loop3A_398 = arith.index_cast %parallel_loop3A_379 : i32 to index
        %parallel_loop3A_399 = arith.constant 32 : index
        %parallel_loop3A_400 = tpu.vector_load %arg6[%parallel_loop3A_397, %parallel_loop3A_398, %parallel_loop3A_399] {strides = array<i32>} : memref<4x128x64xf32, #tpu.memory_space<vmem>>, vector<16xf32>,
        %parallel_loop3A_401 = arith.index_cast %parallel_loop3A_379 : i32 to index
        %parallel_loop3A_402 = arith.constant 32 : index
        %parallel_loop3A_403 = tpu.vector_load %arg7[%parallel_loop3A_401, %parallel_loop3A_402] {strides = array<i32>} : memref<128x65xf32, #tpu.memory_space<vmem>>, vector<16xf32>,
        tpu.vector_store %arg7[%parallel_loop3A_401, %parallel_loop3A_402], %parallel_loop3A_400 {strides = array<i32>} : memref<128x65xf32, #tpu.memory_space<vmem>>, vector<16xf32>,
        %parallel_loop3A_404 = arith.constant 2 : i32
        %parallel_loop3A_405 = arith.index_cast %parallel_loop3A_404 : i32 to index
        %parallel_loop3A_406 = arith.index_cast %parallel_loop3A_379 : i32 to index
        %parallel_loop3A_407 = arith.constant 48 : index
        %parallel_loop3A_408 = tpu.vector_load %arg6[%parallel_loop3A_405, %parallel_loop3A_406, %parallel_loop3A_407] {strides = array<i32>} : memref<4x128x64xf32, #tpu.memory_space<vmem>>, vector<16xf32>,
        %parallel_loop3A_409 = arith.index_cast %parallel_loop3A_379 : i32 to index
        %parallel_loop3A_410 = arith.constant 48 : index
        %parallel_loop3A_411 = tpu.vector_load %arg7[%parallel_loop3A_409, %parallel_loop3A_410] {strides = array<i32>} : memref<128x65xf32, #tpu.memory_space<vmem>>, vector<16xf32>,
        tpu.vector_store %arg7[%parallel_loop3A_409, %parallel_loop3A_410], %parallel_loop3A_408 {strides = array<i32>} : memref<128x65xf32, #tpu.memory_space<vmem>>, vector<16xf32>,
      } {sc.loop_unroll_factor = 2 : i64, sc.parallel_access}
      %parallel_loop3A_276 = arith.constant 0 : i32
      %parallel_loop3A_277 = arith.constant 64 : i32
      %parallel_loop3A_278 = arith.constant 1 : i32
      scf.for %parallel_loop3A_379 = %parallel_loop3A_276 to %parallel_loop3A_277 step %parallel_loop3A_278  : i32 {
        %parallel_loop3A_380 = arith.constant 3 : i32
        %parallel_loop3A_381 = arith.shrsi %parallel_loop3A_379, %parallel_loop3A_380 : i32
        %parallel_loop3A_382 = arith.constant 7 : i32
        %parallel_loop3A_383 = arith.andi %parallel_loop3A_379, %parallel_loop3A_382 : i32
        %parallel_loop3A_384 = arith.constant 16 : i32
        %parallel_loop3A_385 = arith.muli %parallel_loop3A_381, %parallel_loop3A_384 : i32
        %parallel_loop3A_386 = vector.broadcast %parallel_loop3A_385 : i32 to vector<16xi32>
        %parallel_loop3A_387 = arith.addi %iota3A, %parallel_loop3A_386 : vector<16xi32>
        %parallel_loop3A_388 = arith.constant 16 : i32
        %parallel_loop3A_389 = arith.muli %parallel_loop3A_381, %parallel_loop3A_388 : i32
        %parallel_loop3A_390 = arith.constant 8 : i32
        %parallel_loop3A_391 = arith.muli %parallel_loop3A_383, %parallel_loop3A_390 : i32
        %parallel_loop3A_392 = arith.constant 0 : i32
        %parallel_loop3A_393 = arith.addi %parallel_loop3A_391, %parallel_loop3A_392 : i32
        %parallel_loop3A_394 = vector.broadcast %parallel_loop3A_393 : i32 to vector<16xi32>
        %parallel_loop3A_395 = tpu.vector_load_idx %arg7[%parallel_loop3A_387, %parallel_loop3A_394] : memref<128x65xf32, #tpu.memory_space<vmem>>[vector<16xi32>, vector<16xi32>], vector<16xf32>,
        %parallel_loop3A_396 = arith.constant 8.000000e+00 : f32
        %parallel_loop3A_397 = vector.broadcast %parallel_loop3A_396 : f32 to vector<16xf32>
        %parallel_loop3A_398 = arith.mulf %parallel_loop3A_395, %parallel_loop3A_397 : vector<16xf32>
        %parallel_loop3A_399 = arith.constant 0 : i32
        %parallel_loop3A_400 = arith.constant 0 : i32
        %parallel_loop3A_401 = arith.index_cast %parallel_loop3A_399 : i32 to index
        %parallel_loop3A_402 = arith.index_cast %parallel_loop3A_383 : i32 to index
        %parallel_loop3A_403 = arith.index_cast %parallel_loop3A_400 : i32 to index
        %parallel_loop3A_404 = arith.index_cast %parallel_loop3A_389 : i32 to index
        %parallel_loop3A_405 = tpu.vector_load %arg8[%parallel_loop3A_401, %parallel_loop3A_402, %parallel_loop3A_403, %parallel_loop3A_404] {strides = array<i32>} : memref<2x8x8x128xf32, #tpu.memory_space<vmem>>, vector<16xf32>,
        tpu.vector_store %arg8[%parallel_loop3A_401, %parallel_loop3A_402, %parallel_loop3A_403, %parallel_loop3A_404], %parallel_loop3A_398 {strides = array<i32>} : memref<2x8x8x128xf32, #tpu.memory_space<vmem>>, vector<16xf32>,
        %parallel_loop3A_406 = arith.constant 8 : i32
        %parallel_loop3A_407 = arith.muli %parallel_loop3A_383, %parallel_loop3A_406 : i32
        %parallel_loop3A_408 = arith.constant 1 : i32
        %parallel_loop3A_409 = arith.addi %parallel_loop3A_407, %parallel_loop3A_408 : i32
        %parallel_loop3A_410 = vector.broadcast %parallel_loop3A_409 : i32 to vector<16xi32>
        %parallel_loop3A_411 = tpu.vector_load_idx %arg7[%parallel_loop3A_387, %parallel_loop3A_410] : memref<128x65xf32, #tpu.memory_space<vmem>>[vector<16xi32>, vector<16xi32>], vector<16xf32>,
        %parallel_loop3A_412 = arith.constant 8.000000e+00 : f32
        %parallel_loop3A_413 = vector.broadcast %parallel_loop3A_412 : f32 to vector<16xf32>
        %parallel_loop3A_414 = arith.mulf %parallel_loop3A_411, %parallel_loop3A_413 : vector<16xf32>
        %parallel_loop3A_415 = arith.constant 0 : i32
        %parallel_loop3A_416 = arith.constant 1 : i32
        %parallel_loop3A_417 = arith.index_cast %parallel_loop3A_415 : i32 to index
        %parallel_loop3A_418 = arith.index_cast %parallel_loop3A_383 : i32 to index
        %parallel_loop3A_419 = arith.index_cast %parallel_loop3A_416 : i32 to index
        %parallel_loop3A_420 = arith.index_cast %parallel_loop3A_389 : i32 to index
        %parallel_loop3A_421 = tpu.vector_load %arg8[%parallel_loop3A_417, %parallel_loop3A_418, %parallel_loop3A_419, %parallel_loop3A_420] {strides = array<i32>} : memref<2x8x8x128xf32, #tpu.memory_space<vmem>>, vector<16xf32>,
        tpu.vector_store %arg8[%parallel_loop3A_417, %parallel_loop3A_418, %parallel_loop3A_419, %parallel_loop3A_420], %parallel_loop3A_414 {strides = array<i32>} : memref<2x8x8x128xf32, #tpu.memory_space<vmem>>, vector<16xf32>,
        %parallel_loop3A_422 = arith.constant 8 : i32
        %parallel_loop3A_423 = arith.muli %parallel_loop3A_383, %parallel_loop3A_422 : i32
        %parallel_loop3A_424 = arith.constant 2 : i32
        %parallel_loop3A_425 = arith.addi %parallel_loop3A_423, %parallel_loop3A_424 : i32
        %parallel_loop3A_426 = vector.broadcast %parallel_loop3A_425 : i32 to vector<16xi32>
        %parallel_loop3A_427 = tpu.vector_load_idx %arg7[%parallel_loop3A_387, %parallel_loop3A_426] : memref<128x65xf32, #tpu.memory_space<vmem>>[vector<16xi32>, vector<16xi32>], vector<16xf32>,
        %parallel_loop3A_428 = arith.constant 8.000000e+00 : f32
        %parallel_loop3A_429 = vector.broadcast %parallel_loop3A_428 : f32 to vector<16xf32>
        %parallel_loop3A_430 = arith.mulf %parallel_loop3A_427, %parallel_loop3A_429 : vector<16xf32>
        %parallel_loop3A_431 = arith.constant 0 : i32
        %parallel_loop3A_432 = arith.constant 2 : i32
        %parallel_loop3A_433 = arith.index_cast %parallel_loop3A_431 : i32 to index
        %parallel_loop3A_434 = arith.index_cast %parallel_loop3A_383 : i32 to index
        %parallel_loop3A_435 = arith.index_cast %parallel_loop3A_432 : i32 to index
        %parallel_loop3A_436 = arith.index_cast %parallel_loop3A_389 : i32 to index
        %parallel_loop3A_437 = tpu.vector_load %arg8[%parallel_loop3A_433, %parallel_loop3A_434, %parallel_loop3A_435, %parallel_loop3A_436] {strides = array<i32>} : memref<2x8x8x128xf32, #tpu.memory_space<vmem>>, vector<16xf32>,
        tpu.vector_store %arg8[%parallel_loop3A_433, %parallel_loop3A_434, %parallel_loop3A_435, %parallel_loop3A_436], %parallel_loop3A_430 {strides = array<i32>} : memref<2x8x8x128xf32, #tpu.memory_space<vmem>>, vector<16xf32>,
        %parallel_loop3A_438 = arith.constant 8 : i32
        %parallel_loop3A_439 = arith.muli %parallel_loop3A_383, %parallel_loop3A_438 : i32
        %parallel_loop3A_440 = arith.constant 3 : i32
        %parallel_loop3A_441 = arith.addi %parallel_loop3A_439, %parallel_loop3A_440 : i32
        %parallel_loop3A_442 = vector.broadcast %parallel_loop3A_441 : i32 to vector<16xi32>
        %parallel_loop3A_443 = tpu.vector_load_idx %arg7[%parallel_loop3A_387, %parallel_loop3A_442] : memref<128x65xf32, #tpu.memory_space<vmem>>[vector<16xi32>, vector<16xi32>], vector<16xf32>,
        %parallel_loop3A_444 = arith.constant 8.000000e+00 : f32
        %parallel_loop3A_445 = vector.broadcast %parallel_loop3A_444 : f32 to vector<16xf32>
        %parallel_loop3A_446 = arith.mulf %parallel_loop3A_443, %parallel_loop3A_445 : vector<16xf32>
        %parallel_loop3A_447 = arith.constant 0 : i32
        %parallel_loop3A_448 = arith.constant 3 : i32
        %parallel_loop3A_449 = arith.index_cast %parallel_loop3A_447 : i32 to index
        %parallel_loop3A_450 = arith.index_cast %parallel_loop3A_383 : i32 to index
        %parallel_loop3A_451 = arith.index_cast %parallel_loop3A_448 : i32 to index
        %parallel_loop3A_452 = arith.index_cast %parallel_loop3A_389 : i32 to index
        %parallel_loop3A_453 = tpu.vector_load %arg8[%parallel_loop3A_449, %parallel_loop3A_450, %parallel_loop3A_451, %parallel_loop3A_452] {strides = array<i32>} : memref<2x8x8x128xf32, #tpu.memory_space<vmem>>, vector<16xf32>,
        tpu.vector_store %arg8[%parallel_loop3A_449, %parallel_loop3A_450, %parallel_loop3A_451, %parallel_loop3A_452], %parallel_loop3A_446 {strides = array<i32>} : memref<2x8x8x128xf32, #tpu.memory_space<vmem>>, vector<16xf32>,
        %parallel_loop3A_454 = arith.constant 8 : i32
        %parallel_loop3A_455 = arith.muli %parallel_loop3A_383, %parallel_loop3A_454 : i32
        %parallel_loop3A_456 = arith.constant 4 : i32
        %parallel_loop3A_457 = arith.addi %parallel_loop3A_455, %parallel_loop3A_456 : i32
        %parallel_loop3A_458 = vector.broadcast %parallel_loop3A_457 : i32 to vector<16xi32>
        %parallel_loop3A_459 = tpu.vector_load_idx %arg7[%parallel_loop3A_387, %parallel_loop3A_458] : memref<128x65xf32, #tpu.memory_space<vmem>>[vector<16xi32>, vector<16xi32>], vector<16xf32>,
        %parallel_loop3A_460 = arith.constant 8.000000e+00 : f32
        %parallel_loop3A_461 = vector.broadcast %parallel_loop3A_460 : f32 to vector<16xf32>
        %parallel_loop3A_462 = arith.mulf %parallel_loop3A_459, %parallel_loop3A_461 : vector<16xf32>
        %parallel_loop3A_463 = arith.constant 0 : i32
        %parallel_loop3A_464 = arith.constant 4 : i32
        %parallel_loop3A_465 = arith.index_cast %parallel_loop3A_463 : i32 to index
        %parallel_loop3A_466 = arith.index_cast %parallel_loop3A_383 : i32 to index
        %parallel_loop3A_467 = arith.index_cast %parallel_loop3A_464 : i32 to index
        %parallel_loop3A_468 = arith.index_cast %parallel_loop3A_389 : i32 to index
        %parallel_loop3A_469 = tpu.vector_load %arg8[%parallel_loop3A_465, %parallel_loop3A_466, %parallel_loop3A_467, %parallel_loop3A_468] {strides = array<i32>} : memref<2x8x8x128xf32, #tpu.memory_space<vmem>>, vector<16xf32>,
        tpu.vector_store %arg8[%parallel_loop3A_465, %parallel_loop3A_466, %parallel_loop3A_467, %parallel_loop3A_468], %parallel_loop3A_462 {strides = array<i32>} : memref<2x8x8x128xf32, #tpu.memory_space<vmem>>, vector<16xf32>,
        %parallel_loop3A_470 = arith.constant 8 : i32
        %parallel_loop3A_471 = arith.muli %parallel_loop3A_383, %parallel_loop3A_470 : i32
        %parallel_loop3A_472 = arith.constant 5 : i32
        %parallel_loop3A_473 = arith.addi %parallel_loop3A_471, %parallel_loop3A_472 : i32
        %parallel_loop3A_474 = vector.broadcast %parallel_loop3A_473 : i32 to vector<16xi32>
        %parallel_loop3A_475 = tpu.vector_load_idx %arg7[%parallel_loop3A_387, %parallel_loop3A_474] : memref<128x65xf32, #tpu.memory_space<vmem>>[vector<16xi32>, vector<16xi32>], vector<16xf32>,
        %parallel_loop3A_476 = arith.constant 8.000000e+00 : f32
        %parallel_loop3A_477 = vector.broadcast %parallel_loop3A_476 : f32 to vector<16xf32>
        %parallel_loop3A_478 = arith.mulf %parallel_loop3A_475, %parallel_loop3A_477 : vector<16xf32>
        %parallel_loop3A_479 = arith.constant 0 : i32
        %parallel_loop3A_480 = arith.constant 5 : i32
        %parallel_loop3A_481 = arith.index_cast %parallel_loop3A_479 : i32 to index
        %parallel_loop3A_482 = arith.index_cast %parallel_loop3A_383 : i32 to index
        %parallel_loop3A_483 = arith.index_cast %parallel_loop3A_480 : i32 to index
        %parallel_loop3A_484 = arith.index_cast %parallel_loop3A_389 : i32 to index
        %parallel_loop3A_485 = tpu.vector_load %arg8[%parallel_loop3A_481, %parallel_loop3A_482, %parallel_loop3A_483, %parallel_loop3A_484] {strides = array<i32>} : memref<2x8x8x128xf32, #tpu.memory_space<vmem>>, vector<16xf32>,
        tpu.vector_store %arg8[%parallel_loop3A_481, %parallel_loop3A_482, %parallel_loop3A_483, %parallel_loop3A_484], %parallel_loop3A_478 {strides = array<i32>} : memref<2x8x8x128xf32, #tpu.memory_space<vmem>>, vector<16xf32>,
        %parallel_loop3A_486 = arith.constant 8 : i32
        %parallel_loop3A_487 = arith.muli %parallel_loop3A_383, %parallel_loop3A_486 : i32
        %parallel_loop3A_488 = arith.constant 6 : i32
        %parallel_loop3A_489 = arith.addi %parallel_loop3A_487, %parallel_loop3A_488 : i32
        %parallel_loop3A_490 = vector.broadcast %parallel_loop3A_489 : i32 to vector<16xi32>
        %parallel_loop3A_491 = tpu.vector_load_idx %arg7[%parallel_loop3A_387, %parallel_loop3A_490] : memref<128x65xf32, #tpu.memory_space<vmem>>[vector<16xi32>, vector<16xi32>], vector<16xf32>,
        %parallel_loop3A_492 = arith.constant 8.000000e+00 : f32
        %parallel_loop3A_493 = vector.broadcast %parallel_loop3A_492 : f32 to vector<16xf32>
        %parallel_loop3A_494 = arith.mulf %parallel_loop3A_491, %parallel_loop3A_493 : vector<16xf32>
        %parallel_loop3A_495 = arith.constant 0 : i32
        %parallel_loop3A_496 = arith.constant 6 : i32
        %parallel_loop3A_497 = arith.index_cast %parallel_loop3A_495 : i32 to index
        %parallel_loop3A_498 = arith.index_cast %parallel_loop3A_383 : i32 to index
        %parallel_loop3A_499 = arith.index_cast %parallel_loop3A_496 : i32 to index
        %parallel_loop3A_500 = arith.index_cast %parallel_loop3A_389 : i32 to index
        %parallel_loop3A_501 = tpu.vector_load %arg8[%parallel_loop3A_497, %parallel_loop3A_498, %parallel_loop3A_499, %parallel_loop3A_500] {strides = array<i32>} : memref<2x8x8x128xf32, #tpu.memory_space<vmem>>, vector<16xf32>,
        tpu.vector_store %arg8[%parallel_loop3A_497, %parallel_loop3A_498, %parallel_loop3A_499, %parallel_loop3A_500], %parallel_loop3A_494 {strides = array<i32>} : memref<2x8x8x128xf32, #tpu.memory_space<vmem>>, vector<16xf32>,
        %parallel_loop3A_502 = arith.constant 8 : i32
        %parallel_loop3A_503 = arith.muli %parallel_loop3A_383, %parallel_loop3A_502 : i32
        %parallel_loop3A_504 = arith.constant 7 : i32
        %parallel_loop3A_505 = arith.addi %parallel_loop3A_503, %parallel_loop3A_504 : i32
        %parallel_loop3A_506 = vector.broadcast %parallel_loop3A_505 : i32 to vector<16xi32>
        %parallel_loop3A_507 = tpu.vector_load_idx %arg7[%parallel_loop3A_387, %parallel_loop3A_506] : memref<128x65xf32, #tpu.memory_space<vmem>>[vector<16xi32>, vector<16xi32>], vector<16xf32>,
        %parallel_loop3A_508 = arith.constant 8.000000e+00 : f32
        %parallel_loop3A_509 = vector.broadcast %parallel_loop3A_508 : f32 to vector<16xf32>
        %parallel_loop3A_510 = arith.mulf %parallel_loop3A_507, %parallel_loop3A_509 : vector<16xf32>
        %parallel_loop3A_511 = arith.constant 0 : i32
        %parallel_loop3A_512 = arith.constant 7 : i32
        %parallel_loop3A_513 = arith.index_cast %parallel_loop3A_511 : i32 to index
        %parallel_loop3A_514 = arith.index_cast %parallel_loop3A_383 : i32 to index
        %parallel_loop3A_515 = arith.index_cast %parallel_loop3A_512 : i32 to index
        %parallel_loop3A_516 = arith.index_cast %parallel_loop3A_389 : i32 to index
        %parallel_loop3A_517 = tpu.vector_load %arg8[%parallel_loop3A_513, %parallel_loop3A_514, %parallel_loop3A_515, %parallel_loop3A_516] {strides = array<i32>} : memref<2x8x8x128xf32, #tpu.memory_space<vmem>>, vector<16xf32>,
        tpu.vector_store %arg8[%parallel_loop3A_513, %parallel_loop3A_514, %parallel_loop3A_515, %parallel_loop3A_516], %parallel_loop3A_510 {strides = array<i32>} : memref<2x8x8x128xf32, #tpu.memory_space<vmem>>, vector<16xf32>,
      } {sc.loop_unroll_factor = 2 : i64, sc.parallel_access}
      %add3A_279 = arith.constant 4 : i32
      %add3A_280 = arith.addi %add3A_252, %add3A_279 : i32
      %lt3A_281 = arith.constant 200 : i32
      %lt3A_282 = arith.cmpi slt, %add3A_280, %lt3A_281 : i32
      %convert_element_type3A_283 = arith.extui %lt3A_282 : i1 to i32
      %cond3A_284 = arith.constant 0 : i32
      %cond3A_285 = arith.cmpi ne, %convert_element_type3A_283, %cond3A_284 : i32
      scf.if %cond3A_285 {
        %add3A_379 = arith.constant 4 : i32
        %add3A_380 = arith.addi %add3A_252, %add3A_379 : i32
        %dma_start3A_381 = arith.constant 2 : i32
        %dma_start3A_382 = arith.constant 2 : i32
        %dma_start3A_383 = arith.constant 0 : i32
        %dma_start3A_384 = arith.constant 0 : i32
        %dma_start3A_385 = tpu.memref_slice %arg6[%dma_start3A_381, %dma_start3A_383, %dma_start3A_384] : memref<4x128x64xf32, #tpu.memory_space<vmem>> -> memref<1x128x64xf32, #tpu.memory_space<vmem>>
        %dma_start3A_386 = tpu.memref_squeeze %dma_start3A_385 : memref<1x128x64xf32, #tpu.memory_space<vmem>> -> memref<128x64xf32, #tpu.memory_space<vmem>>
        %dma_start3A_387 = arith.constant 0 : i32
        %dma_start3A_388 = tpu.memref_slice %arg5[%add3A_380, %dma_start3A_387] : memref<200x128xi32, #tpu.memory_space<vmem>> -> memref<1x128xi32, #tpu.memory_space<vmem>>
        %dma_start3A_389 = tpu.memref_squeeze %dma_start3A_388 : memref<1x128xi32, #tpu.memory_space<vmem>> -> memref<128xi32, #tpu.memory_space<vmem>>
        %dma_start3A_390 = arith.constant 0 : i32
        %dma_start3A_391 = arith.constant 0 : i32
        %dma_start3A_392 = tpu.memref_slice %arg2[%dma_start3A_390, %dma_start3A_391] : memref<100000x64xf32, #tpu.memory_space<hbm>> -> memref<100000x64xf32, #tpu.memory_space<hbm>>
        %dma_start3A_393 = tpu.memref_slice %arg9[%dma_start3A_382] : memref<4x!tpu.dma_semaphore, #tpu.memory_space<semaphore_mem>> -> memref<1x!tpu.dma_semaphore, #tpu.memory_space<semaphore_mem>>
        %dma_start3A_394 = tpu.memref_squeeze %dma_start3A_393 : memref<1x!tpu.dma_semaphore, #tpu.memory_space<semaphore_mem>> -> memref<!tpu.dma_semaphore, #tpu.memory_space<semaphore_mem>>
        tpu.enqueue_indirect_dma source(%dma_start3A_392 : memref<100000x64xf32, #tpu.memory_space<hbm>>) target(%dma_start3A_386 : memref<128x64xf32, #tpu.memory_space<vmem>>) offsets(%dma_start3A_389 : memref<128xi32, #tpu.memory_space<vmem>>) semaphore(%dma_start3A_394 : memref<!tpu.dma_semaphore, #tpu.memory_space<semaphore_mem>>)
      } else {
      }
      %add3A_286 = arith.addi %mul3A_2, %add3A_252 : i32
      %shift_right_arithmetic3A_287 = arith.constant 5 : i32
      %shift_right_arithmetic3A_288 = arith.shrsi %add3A_286, %shift_right_arithmetic3A_287 : i32
      %and3A_289 = arith.constant 31 : i32
      %and3A_290 = arith.andi %add3A_286, %and3A_289 : i32
      %dma_start3A_291 = arith.constant 0 : i32
      %dma_start3A_292 = arith.constant 0 : i32
      %dma_start3A_293 = arith.constant 0 : i32
      %dma_start3A_294 = arith.constant 0 : i32
      %dma_start3A_295 = arith.constant 0 : i32
      %dma_start3A_296 = tpu.memref_slice %arg8[%dma_start3A_291, %dma_start3A_293, %dma_start3A_294, %dma_start3A_295] : memref<2x8x8x128xf32, #tpu.memory_space<vmem>> -> memref<1x8x8x128xf32, #tpu.memory_space<vmem>>
      %dma_start3A_297 = tpu.memref_squeeze %dma_start3A_296 : memref<1x8x8x128xf32, #tpu.memory_space<vmem>> -> memref<8x8x128xf32, #tpu.memory_space<vmem>>
      %dma_start3A_298 = arith.constant 0 : i32
      %dma_start3A_299 = arith.constant 0 : i32
      %dma_start3A_300 = arith.constant 0 : i32
      %dma_start3A_301 = tpu.memref_slice %arg4[%shift_right_arithmetic3A_288, %dma_start3A_298, %and3A_290, %dma_start3A_299, %dma_start3A_300] : memref<200x8x32x8x128xf32, #tpu.memory_space<hbm>> -> memref<1x8x1x8x128xf32, #tpu.memory_space<hbm>>
      %dma_start3A_302 = tpu.memref_squeeze %dma_start3A_301 : memref<1x8x1x8x128xf32, #tpu.memory_space<hbm>> -> memref<8x8x128xf32, #tpu.memory_space<hbm>>
      %dma_start3A_303 = tpu.memref_slice %arg10[%dma_start3A_292] : memref<2x!tpu.dma_semaphore, #tpu.memory_space<semaphore_mem>> -> memref<1x!tpu.dma_semaphore, #tpu.memory_space<semaphore_mem>>
      %dma_start3A_304 = tpu.memref_squeeze %dma_start3A_303 : memref<1x!tpu.dma_semaphore, #tpu.memory_space<semaphore_mem>> -> memref<!tpu.dma_semaphore, #tpu.memory_space<semaphore_mem>>
      %dma_start3A_305 = arith.constant 0 : i32
      %dma_start3A_306 = arith.constant 0 : i32
      %dma_start3A_307 = arith.constant 0 : i32
      %dma_start3A_308 = tpu.memref_slice %arg4[%shift_right_arithmetic3A_288, %dma_start3A_305, %and3A_290, %dma_start3A_306, %dma_start3A_307] : memref<200x8x32x8x128xf32, #tpu.memory_space<hbm>> -> memref<1x8x1x8x128xf32, #tpu.memory_space<hbm>>
      %dma_start3A_309 = tpu.memref_squeeze %dma_start3A_308 : memref<1x8x1x8x128xf32, #tpu.memory_space<hbm>> -> memref<8x8x128xf32, #tpu.memory_space<hbm>>
      %dma_start3A_310 = arith.constant 0 : i32
      %dma_start3A_311 = arith.constant 0 : i32
      %dma_start3A_312 = arith.constant 0 : i32
      %dma_start3A_313 = tpu.memref_slice %arg8[%dma_start3A_291, %dma_start3A_310, %dma_start3A_311, %dma_start3A_312] : memref<2x8x8x128xf32, #tpu.memory_space<vmem>> -> memref<1x8x8x128xf32, #tpu.memory_space<vmem>>
      %dma_start3A_314 = tpu.memref_squeeze %dma_start3A_313 : memref<1x8x8x128xf32, #tpu.memory_space<vmem>> -> memref<8x8x128xf32, #tpu.memory_space<vmem>>
      tpu.enqueue_dma source(%dma_start3A_314 : memref<8x8x128xf32, #tpu.memory_space<vmem>>) target(%dma_start3A_309 : memref<8x8x128xf32, #tpu.memory_space<hbm>>) target_semaphore(%dma_start3A_304 : memref<!tpu.dma_semaphore, #tpu.memory_space<semaphore_mem>>)
      %add3A_315 = arith.constant 3 : i32
      %add3A_316 = arith.addi %add3A_127, %add3A_315 : i32
      %dma_wait3A_317 = arith.constant 0 : i32
      %dma_wait3A_318 = arith.constant 3 : i32
      %dma_wait3A_319 = arith.constant 3 : i32
      %dma_wait3A_320 = arith.constant 0 : i32
      %dma_wait3A_321 = arith.constant 0 : i32
      %dma_wait3A_322 = tpu.memref_slice %arg6[%dma_wait3A_318, %dma_wait3A_320, %dma_wait3A_321] : memref<4x128x64xf32, #tpu.memory_space<vmem>> -> memref<1x128x64xf32, #tpu.memory_space<vmem>>
      %dma_wait3A_323 = tpu.memref_squeeze %dma_wait3A_322 : memref<1x128x64xf32, #tpu.memory_space<vmem>> -> memref<128x64xf32, #tpu.memory_space<vmem>>
      %dma_wait3A_324 = arith.constant 0 : i32
      %dma_wait3A_325 = tpu.memref_slice %arg5[%dma_wait3A_317, %dma_wait3A_324] : memref<200x128xi32, #tpu.memory_space<vmem>> -> memref<1x128xi32, #tpu.memory_space<vmem>>
      %dma_wait3A_326 = tpu.memref_squeeze %dma_wait3A_325 : memref<1x128xi32, #tpu.memory_space<vmem>> -> memref<128xi32, #tpu.memory_space<vmem>>
      %dma_wait3A_327 = arith.constant 0 : i32
      %dma_wait3A_328 = arith.constant 0 : i32
      %dma_wait3A_329 = tpu.memref_slice %arg2[%dma_wait3A_327, %dma_wait3A_328] : memref<100000x64xf32, #tpu.memory_space<hbm>> -> memref<100000x64xf32, #tpu.memory_space<hbm>>
      %dma_wait3A_330 = tpu.memref_slice %arg9[%dma_wait3A_319] : memref<4x!tpu.dma_semaphore, #tpu.memory_space<semaphore_mem>> -> memref<1x!tpu.dma_semaphore, #tpu.memory_space<semaphore_mem>>
      %dma_wait3A_331 = tpu.memref_squeeze %dma_wait3A_330 : memref<1x!tpu.dma_semaphore, #tpu.memory_space<semaphore_mem>> -> memref<!tpu.dma_semaphore, #tpu.memory_space<semaphore_mem>>
      tpu.wait_indirect_dma semaphore(%dma_wait3A_331 : memref<!tpu.dma_semaphore, #tpu.memory_space<semaphore_mem>>) src(%dma_wait3A_329 : memref<100000x64xf32, #tpu.memory_space<hbm>>) dst(%dma_wait3A_323 : memref<128x64xf32, #tpu.memory_space<vmem>>)
      %ge3A_332 = arith.constant 2 : i32
      %ge3A_333 = arith.cmpi sge, %add3A_316, %ge3A_332 : i32
      %convert_element_type3A_334 = arith.extui %ge3A_333 : i1 to i32
      %cond3A_335 = arith.constant 0 : i32
      %cond3A_336 = arith.cmpi ne, %convert_element_type3A_334, %cond3A_335 : i32
      scf.if %cond3A_336 {
        %sub3A = arith.constant 2 : i32
        %sub3A_379 = arith.subi %add3A_316, %sub3A : i32
        %add3A_380 = arith.addi %mul3A_2, %sub3A_379 : i32
        %shift_right_arithmetic3A_381 = arith.constant 5 : i32
        %shift_right_arithmetic3A_382 = arith.shrsi %add3A_380, %shift_right_arithmetic3A_381 : i32
        %and3A_383 = arith.constant 31 : i32
        %and3A_384 = arith.andi %add3A_380, %and3A_383 : i32
        %dma_wait3A_385 = arith.constant 1 : i32
        %dma_wait3A_386 = arith.constant 1 : i32
        %dma_wait3A_387 = arith.constant 0 : i32
        %dma_wait3A_388 = arith.constant 0 : i32
        %dma_wait3A_389 = arith.constant 0 : i32
        %dma_wait3A_390 = tpu.memref_slice %arg8[%dma_wait3A_385, %dma_wait3A_387, %dma_wait3A_388, %dma_wait3A_389] : memref<2x8x8x128xf32, #tpu.memory_space<vmem>> -> memref<1x8x8x128xf32, #tpu.memory_space<vmem>>
        %dma_wait3A_391 = tpu.memref_squeeze %dma_wait3A_390 : memref<1x8x8x128xf32, #tpu.memory_space<vmem>> -> memref<8x8x128xf32, #tpu.memory_space<vmem>>
        %dma_wait3A_392 = arith.constant 0 : i32
        %dma_wait3A_393 = arith.constant 0 : i32
        %dma_wait3A_394 = arith.constant 0 : i32
        %dma_wait3A_395 = tpu.memref_slice %arg4[%shift_right_arithmetic3A_382, %dma_wait3A_392, %and3A_384, %dma_wait3A_393, %dma_wait3A_394] : memref<200x8x32x8x128xf32, #tpu.memory_space<hbm>> -> memref<1x8x1x8x128xf32, #tpu.memory_space<hbm>>
        %dma_wait3A_396 = tpu.memref_squeeze %dma_wait3A_395 : memref<1x8x1x8x128xf32, #tpu.memory_space<hbm>> -> memref<8x8x128xf32, #tpu.memory_space<hbm>>
        %dma_wait3A_397 = tpu.memref_slice %arg10[%dma_wait3A_386] : memref<2x!tpu.dma_semaphore, #tpu.memory_space<semaphore_mem>> -> memref<1x!tpu.dma_semaphore, #tpu.memory_space<semaphore_mem>>
        %dma_wait3A_398 = tpu.memref_squeeze %dma_wait3A_397 : memref<1x!tpu.dma_semaphore, #tpu.memory_space<semaphore_mem>> -> memref<!tpu.dma_semaphore, #tpu.memory_space<semaphore_mem>>
        %dma_wait3A_399 = arith.constant 0 : i32
        %dma_wait3A_400 = arith.constant 0 : i32
        %dma_wait3A_401 = arith.constant 0 : i32
        %dma_wait3A_402 = tpu.memref_slice %arg4[%shift_right_arithmetic3A_382, %dma_wait3A_399, %and3A_384, %dma_wait3A_400, %dma_wait3A_401] : memref<200x8x32x8x128xf32, #tpu.memory_space<hbm>> -> memref<1x8x1x8x128xf32, #tpu.memory_space<hbm>>
        %dma_wait3A_403 = tpu.memref_squeeze %dma_wait3A_402 : memref<1x8x1x8x128xf32, #tpu.memory_space<hbm>> -> memref<8x8x128xf32, #tpu.memory_space<hbm>>
        %dma_wait3A_404 = arith.constant 0 : i32
        %dma_wait3A_405 = arith.constant 0 : i32
        %dma_wait3A_406 = arith.constant 0 : i32
        %dma_wait3A_407 = tpu.memref_slice %arg8[%dma_wait3A_385, %dma_wait3A_404, %dma_wait3A_405, %dma_wait3A_406] : memref<2x8x8x128xf32, #tpu.memory_space<vmem>> -> memref<1x8x8x128xf32, #tpu.memory_space<vmem>>
        %dma_wait3A_408 = tpu.memref_squeeze %dma_wait3A_407 : memref<1x8x8x128xf32, #tpu.memory_space<vmem>> -> memref<8x8x128xf32, #tpu.memory_space<vmem>>
        tpu.wait_dma2 semaphore(%dma_wait3A_398 : memref<!tpu.dma_semaphore, #tpu.memory_space<semaphore_mem>>) src(%dma_wait3A_408 : memref<8x8x128xf32, #tpu.memory_space<vmem>>) dst(%dma_wait3A_403 : memref<8x8x128xf32, #tpu.memory_space<hbm>>)
      } else {
      }
      %parallel_loop3A_337 = arith.constant 0 : i32
      %parallel_loop3A_338 = arith.constant 128 : i32
      %parallel_loop3A_339 = arith.constant 1 : i32
      scf.for %parallel_loop3A_379 = %parallel_loop3A_337 to %parallel_loop3A_338 step %parallel_loop3A_339  : i32 {
        %parallel_loop3A_380 = arith.constant 3 : i32
        %parallel_loop3A_381 = arith.index_cast %parallel_loop3A_380 : i32 to index
        %parallel_loop3A_382 = arith.index_cast %parallel_loop3A_379 : i32 to index
        %parallel_loop3A_383 = arith.constant 0 : index
        %parallel_loop3A_384 = tpu.vector_load %arg6[%parallel_loop3A_381, %parallel_loop3A_382, %parallel_loop3A_383] {strides = array<i32>} : memref<4x128x64xf32, #tpu.memory_space<vmem>>, vector<16xf32>,
        %parallel_loop3A_385 = arith.index_cast %parallel_loop3A_379 : i32 to index
        %parallel_loop3A_386 = arith.constant 0 : index
        %parallel_loop3A_387 = tpu.vector_load %arg7[%parallel_loop3A_385, %parallel_loop3A_386] {strides = array<i32>} : memref<128x65xf32, #tpu.memory_space<vmem>>, vector<16xf32>,
        tpu.vector_store %arg7[%parallel_loop3A_385, %parallel_loop3A_386], %parallel_loop3A_384 {strides = array<i32>} : memref<128x65xf32, #tpu.memory_space<vmem>>, vector<16xf32>,
        %parallel_loop3A_388 = arith.constant 3 : i32
        %parallel_loop3A_389 = arith.index_cast %parallel_loop3A_388 : i32 to index
        %parallel_loop3A_390 = arith.index_cast %parallel_loop3A_379 : i32 to index
        %parallel_loop3A_391 = arith.constant 16 : index
        %parallel_loop3A_392 = tpu.vector_load %arg6[%parallel_loop3A_389, %parallel_loop3A_390, %parallel_loop3A_391] {strides = array<i32>} : memref<4x128x64xf32, #tpu.memory_space<vmem>>, vector<16xf32>,
        %parallel_loop3A_393 = arith.index_cast %parallel_loop3A_379 : i32 to index
        %parallel_loop3A_394 = arith.constant 16 : index
        %parallel_loop3A_395 = tpu.vector_load %arg7[%parallel_loop3A_393, %parallel_loop3A_394] {strides = array<i32>} : memref<128x65xf32, #tpu.memory_space<vmem>>, vector<16xf32>,
        tpu.vector_store %arg7[%parallel_loop3A_393, %parallel_loop3A_394], %parallel_loop3A_392 {strides = array<i32>} : memref<128x65xf32, #tpu.memory_space<vmem>>, vector<16xf32>,
        %parallel_loop3A_396 = arith.constant 3 : i32
        %parallel_loop3A_397 = arith.index_cast %parallel_loop3A_396 : i32 to index
        %parallel_loop3A_398 = arith.index_cast %parallel_loop3A_379 : i32 to index
        %parallel_loop3A_399 = arith.constant 32 : index
        %parallel_loop3A_400 = tpu.vector_load %arg6[%parallel_loop3A_397, %parallel_loop3A_398, %parallel_loop3A_399] {strides = array<i32>} : memref<4x128x64xf32, #tpu.memory_space<vmem>>, vector<16xf32>,
        %parallel_loop3A_401 = arith.index_cast %parallel_loop3A_379 : i32 to index
        %parallel_loop3A_402 = arith.constant 32 : index
        %parallel_loop3A_403 = tpu.vector_load %arg7[%parallel_loop3A_401, %parallel_loop3A_402] {strides = array<i32>} : memref<128x65xf32, #tpu.memory_space<vmem>>, vector<16xf32>,
        tpu.vector_store %arg7[%parallel_loop3A_401, %parallel_loop3A_402], %parallel_loop3A_400 {strides = array<i32>} : memref<128x65xf32, #tpu.memory_space<vmem>>, vector<16xf32>,
        %parallel_loop3A_404 = arith.constant 3 : i32
        %parallel_loop3A_405 = arith.index_cast %parallel_loop3A_404 : i32 to index
        %parallel_loop3A_406 = arith.index_cast %parallel_loop3A_379 : i32 to index
        %parallel_loop3A_407 = arith.constant 48 : index
        %parallel_loop3A_408 = tpu.vector_load %arg6[%parallel_loop3A_405, %parallel_loop3A_406, %parallel_loop3A_407] {strides = array<i32>} : memref<4x128x64xf32, #tpu.memory_space<vmem>>, vector<16xf32>,
        %parallel_loop3A_409 = arith.index_cast %parallel_loop3A_379 : i32 to index
        %parallel_loop3A_410 = arith.constant 48 : index
        %parallel_loop3A_411 = tpu.vector_load %arg7[%parallel_loop3A_409, %parallel_loop3A_410] {strides = array<i32>} : memref<128x65xf32, #tpu.memory_space<vmem>>, vector<16xf32>,
        tpu.vector_store %arg7[%parallel_loop3A_409, %parallel_loop3A_410], %parallel_loop3A_408 {strides = array<i32>} : memref<128x65xf32, #tpu.memory_space<vmem>>, vector<16xf32>,
      } {sc.loop_unroll_factor = 2 : i64, sc.parallel_access}
      %parallel_loop3A_340 = arith.constant 0 : i32
      %parallel_loop3A_341 = arith.constant 64 : i32
      %parallel_loop3A_342 = arith.constant 1 : i32
      scf.for %parallel_loop3A_379 = %parallel_loop3A_340 to %parallel_loop3A_341 step %parallel_loop3A_342  : i32 {
        %parallel_loop3A_380 = arith.constant 3 : i32
        %parallel_loop3A_381 = arith.shrsi %parallel_loop3A_379, %parallel_loop3A_380 : i32
        %parallel_loop3A_382 = arith.constant 7 : i32
        %parallel_loop3A_383 = arith.andi %parallel_loop3A_379, %parallel_loop3A_382 : i32
        %parallel_loop3A_384 = arith.constant 16 : i32
        %parallel_loop3A_385 = arith.muli %parallel_loop3A_381, %parallel_loop3A_384 : i32
        %parallel_loop3A_386 = vector.broadcast %parallel_loop3A_385 : i32 to vector<16xi32>
        %parallel_loop3A_387 = arith.addi %iota3A, %parallel_loop3A_386 : vector<16xi32>
        %parallel_loop3A_388 = arith.constant 16 : i32
        %parallel_loop3A_389 = arith.muli %parallel_loop3A_381, %parallel_loop3A_388 : i32
        %parallel_loop3A_390 = arith.constant 8 : i32
        %parallel_loop3A_391 = arith.muli %parallel_loop3A_383, %parallel_loop3A_390 : i32
        %parallel_loop3A_392 = arith.constant 0 : i32
        %parallel_loop3A_393 = arith.addi %parallel_loop3A_391, %parallel_loop3A_392 : i32
        %parallel_loop3A_394 = vector.broadcast %parallel_loop3A_393 : i32 to vector<16xi32>
        %parallel_loop3A_395 = tpu.vector_load_idx %arg7[%parallel_loop3A_387, %parallel_loop3A_394] : memref<128x65xf32, #tpu.memory_space<vmem>>[vector<16xi32>, vector<16xi32>], vector<16xf32>,
        %parallel_loop3A_396 = arith.constant 8.000000e+00 : f32
        %parallel_loop3A_397 = vector.broadcast %parallel_loop3A_396 : f32 to vector<16xf32>
        %parallel_loop3A_398 = arith.mulf %parallel_loop3A_395, %parallel_loop3A_397 : vector<16xf32>
        %parallel_loop3A_399 = arith.constant 1 : i32
        %parallel_loop3A_400 = arith.constant 0 : i32
        %parallel_loop3A_401 = arith.index_cast %parallel_loop3A_399 : i32 to index
        %parallel_loop3A_402 = arith.index_cast %parallel_loop3A_383 : i32 to index
        %parallel_loop3A_403 = arith.index_cast %parallel_loop3A_400 : i32 to index
        %parallel_loop3A_404 = arith.index_cast %parallel_loop3A_389 : i32 to index
        %parallel_loop3A_405 = tpu.vector_load %arg8[%parallel_loop3A_401, %parallel_loop3A_402, %parallel_loop3A_403, %parallel_loop3A_404] {strides = array<i32>} : memref<2x8x8x128xf32, #tpu.memory_space<vmem>>, vector<16xf32>,
        tpu.vector_store %arg8[%parallel_loop3A_401, %parallel_loop3A_402, %parallel_loop3A_403, %parallel_loop3A_404], %parallel_loop3A_398 {strides = array<i32>} : memref<2x8x8x128xf32, #tpu.memory_space<vmem>>, vector<16xf32>,
        %parallel_loop3A_406 = arith.constant 8 : i32
        %parallel_loop3A_407 = arith.muli %parallel_loop3A_383, %parallel_loop3A_406 : i32
        %parallel_loop3A_408 = arith.constant 1 : i32
        %parallel_loop3A_409 = arith.addi %parallel_loop3A_407, %parallel_loop3A_408 : i32
        %parallel_loop3A_410 = vector.broadcast %parallel_loop3A_409 : i32 to vector<16xi32>
        %parallel_loop3A_411 = tpu.vector_load_idx %arg7[%parallel_loop3A_387, %parallel_loop3A_410] : memref<128x65xf32, #tpu.memory_space<vmem>>[vector<16xi32>, vector<16xi32>], vector<16xf32>,
        %parallel_loop3A_412 = arith.constant 8.000000e+00 : f32
        %parallel_loop3A_413 = vector.broadcast %parallel_loop3A_412 : f32 to vector<16xf32>
        %parallel_loop3A_414 = arith.mulf %parallel_loop3A_411, %parallel_loop3A_413 : vector<16xf32>
        %parallel_loop3A_415 = arith.constant 1 : i32
        %parallel_loop3A_416 = arith.constant 1 : i32
        %parallel_loop3A_417 = arith.index_cast %parallel_loop3A_415 : i32 to index
        %parallel_loop3A_418 = arith.index_cast %parallel_loop3A_383 : i32 to index
        %parallel_loop3A_419 = arith.index_cast %parallel_loop3A_416 : i32 to index
        %parallel_loop3A_420 = arith.index_cast %parallel_loop3A_389 : i32 to index
        %parallel_loop3A_421 = tpu.vector_load %arg8[%parallel_loop3A_417, %parallel_loop3A_418, %parallel_loop3A_419, %parallel_loop3A_420] {strides = array<i32>} : memref<2x8x8x128xf32, #tpu.memory_space<vmem>>, vector<16xf32>,
        tpu.vector_store %arg8[%parallel_loop3A_417, %parallel_loop3A_418, %parallel_loop3A_419, %parallel_loop3A_420], %parallel_loop3A_414 {strides = array<i32>} : memref<2x8x8x128xf32, #tpu.memory_space<vmem>>, vector<16xf32>,
        %parallel_loop3A_422 = arith.constant 8 : i32
        %parallel_loop3A_423 = arith.muli %parallel_loop3A_383, %parallel_loop3A_422 : i32
        %parallel_loop3A_424 = arith.constant 2 : i32
        %parallel_loop3A_425 = arith.addi %parallel_loop3A_423, %parallel_loop3A_424 : i32
        %parallel_loop3A_426 = vector.broadcast %parallel_loop3A_425 : i32 to vector<16xi32>
        %parallel_loop3A_427 = tpu.vector_load_idx %arg7[%parallel_loop3A_387, %parallel_loop3A_426] : memref<128x65xf32, #tpu.memory_space<vmem>>[vector<16xi32>, vector<16xi32>], vector<16xf32>,
        %parallel_loop3A_428 = arith.constant 8.000000e+00 : f32
        %parallel_loop3A_429 = vector.broadcast %parallel_loop3A_428 : f32 to vector<16xf32>
        %parallel_loop3A_430 = arith.mulf %parallel_loop3A_427, %parallel_loop3A_429 : vector<16xf32>
        %parallel_loop3A_431 = arith.constant 1 : i32
        %parallel_loop3A_432 = arith.constant 2 : i32
        %parallel_loop3A_433 = arith.index_cast %parallel_loop3A_431 : i32 to index
        %parallel_loop3A_434 = arith.index_cast %parallel_loop3A_383 : i32 to index
        %parallel_loop3A_435 = arith.index_cast %parallel_loop3A_432 : i32 to index
        %parallel_loop3A_436 = arith.index_cast %parallel_loop3A_389 : i32 to index
        %parallel_loop3A_437 = tpu.vector_load %arg8[%parallel_loop3A_433, %parallel_loop3A_434, %parallel_loop3A_435, %parallel_loop3A_436] {strides = array<i32>} : memref<2x8x8x128xf32, #tpu.memory_space<vmem>>, vector<16xf32>,
        tpu.vector_store %arg8[%parallel_loop3A_433, %parallel_loop3A_434, %parallel_loop3A_435, %parallel_loop3A_436], %parallel_loop3A_430 {strides = array<i32>} : memref<2x8x8x128xf32, #tpu.memory_space<vmem>>, vector<16xf32>,
        %parallel_loop3A_438 = arith.constant 8 : i32
        %parallel_loop3A_439 = arith.muli %parallel_loop3A_383, %parallel_loop3A_438 : i32
        %parallel_loop3A_440 = arith.constant 3 : i32
        %parallel_loop3A_441 = arith.addi %parallel_loop3A_439, %parallel_loop3A_440 : i32
        %parallel_loop3A_442 = vector.broadcast %parallel_loop3A_441 : i32 to vector<16xi32>
        %parallel_loop3A_443 = tpu.vector_load_idx %arg7[%parallel_loop3A_387, %parallel_loop3A_442] : memref<128x65xf32, #tpu.memory_space<vmem>>[vector<16xi32>, vector<16xi32>], vector<16xf32>,
        %parallel_loop3A_444 = arith.constant 8.000000e+00 : f32
        %parallel_loop3A_445 = vector.broadcast %parallel_loop3A_444 : f32 to vector<16xf32>
        %parallel_loop3A_446 = arith.mulf %parallel_loop3A_443, %parallel_loop3A_445 : vector<16xf32>
        %parallel_loop3A_447 = arith.constant 1 : i32
        %parallel_loop3A_448 = arith.constant 3 : i32
        %parallel_loop3A_449 = arith.index_cast %parallel_loop3A_447 : i32 to index
        %parallel_loop3A_450 = arith.index_cast %parallel_loop3A_383 : i32 to index
        %parallel_loop3A_451 = arith.index_cast %parallel_loop3A_448 : i32 to index
        %parallel_loop3A_452 = arith.index_cast %parallel_loop3A_389 : i32 to index
        %parallel_loop3A_453 = tpu.vector_load %arg8[%parallel_loop3A_449, %parallel_loop3A_450, %parallel_loop3A_451, %parallel_loop3A_452] {strides = array<i32>} : memref<2x8x8x128xf32, #tpu.memory_space<vmem>>, vector<16xf32>,
        tpu.vector_store %arg8[%parallel_loop3A_449, %parallel_loop3A_450, %parallel_loop3A_451, %parallel_loop3A_452], %parallel_loop3A_446 {strides = array<i32>} : memref<2x8x8x128xf32, #tpu.memory_space<vmem>>, vector<16xf32>,
        %parallel_loop3A_454 = arith.constant 8 : i32
        %parallel_loop3A_455 = arith.muli %parallel_loop3A_383, %parallel_loop3A_454 : i32
        %parallel_loop3A_456 = arith.constant 4 : i32
        %parallel_loop3A_457 = arith.addi %parallel_loop3A_455, %parallel_loop3A_456 : i32
        %parallel_loop3A_458 = vector.broadcast %parallel_loop3A_457 : i32 to vector<16xi32>
        %parallel_loop3A_459 = tpu.vector_load_idx %arg7[%parallel_loop3A_387, %parallel_loop3A_458] : memref<128x65xf32, #tpu.memory_space<vmem>>[vector<16xi32>, vector<16xi32>], vector<16xf32>,
        %parallel_loop3A_460 = arith.constant 8.000000e+00 : f32
        %parallel_loop3A_461 = vector.broadcast %parallel_loop3A_460 : f32 to vector<16xf32>
        %parallel_loop3A_462 = arith.mulf %parallel_loop3A_459, %parallel_loop3A_461 : vector<16xf32>
        %parallel_loop3A_463 = arith.constant 1 : i32
        %parallel_loop3A_464 = arith.constant 4 : i32
        %parallel_loop3A_465 = arith.index_cast %parallel_loop3A_463 : i32 to index
        %parallel_loop3A_466 = arith.index_cast %parallel_loop3A_383 : i32 to index
        %parallel_loop3A_467 = arith.index_cast %parallel_loop3A_464 : i32 to index
        %parallel_loop3A_468 = arith.index_cast %parallel_loop3A_389 : i32 to index
        %parallel_loop3A_469 = tpu.vector_load %arg8[%parallel_loop3A_465, %parallel_loop3A_466, %parallel_loop3A_467, %parallel_loop3A_468] {strides = array<i32>} : memref<2x8x8x128xf32, #tpu.memory_space<vmem>>, vector<16xf32>,
        tpu.vector_store %arg8[%parallel_loop3A_465, %parallel_loop3A_466, %parallel_loop3A_467, %parallel_loop3A_468], %parallel_loop3A_462 {strides = array<i32>} : memref<2x8x8x128xf32, #tpu.memory_space<vmem>>, vector<16xf32>,
        %parallel_loop3A_470 = arith.constant 8 : i32
        %parallel_loop3A_471 = arith.muli %parallel_loop3A_383, %parallel_loop3A_470 : i32
        %parallel_loop3A_472 = arith.constant 5 : i32
        %parallel_loop3A_473 = arith.addi %parallel_loop3A_471, %parallel_loop3A_472 : i32
        %parallel_loop3A_474 = vector.broadcast %parallel_loop3A_473 : i32 to vector<16xi32>
        %parallel_loop3A_475 = tpu.vector_load_idx %arg7[%parallel_loop3A_387, %parallel_loop3A_474] : memref<128x65xf32, #tpu.memory_space<vmem>>[vector<16xi32>, vector<16xi32>], vector<16xf32>,
        %parallel_loop3A_476 = arith.constant 8.000000e+00 : f32
        %parallel_loop3A_477 = vector.broadcast %parallel_loop3A_476 : f32 to vector<16xf32>
        %parallel_loop3A_478 = arith.mulf %parallel_loop3A_475, %parallel_loop3A_477 : vector<16xf32>
        %parallel_loop3A_479 = arith.constant 1 : i32
        %parallel_loop3A_480 = arith.constant 5 : i32
        %parallel_loop3A_481 = arith.index_cast %parallel_loop3A_479 : i32 to index
        %parallel_loop3A_482 = arith.index_cast %parallel_loop3A_383 : i32 to index
        %parallel_loop3A_483 = arith.index_cast %parallel_loop3A_480 : i32 to index
        %parallel_loop3A_484 = arith.index_cast %parallel_loop3A_389 : i32 to index
        %parallel_loop3A_485 = tpu.vector_load %arg8[%parallel_loop3A_481, %parallel_loop3A_482, %parallel_loop3A_483, %parallel_loop3A_484] {strides = array<i32>} : memref<2x8x8x128xf32, #tpu.memory_space<vmem>>, vector<16xf32>,
        tpu.vector_store %arg8[%parallel_loop3A_481, %parallel_loop3A_482, %parallel_loop3A_483, %parallel_loop3A_484], %parallel_loop3A_478 {strides = array<i32>} : memref<2x8x8x128xf32, #tpu.memory_space<vmem>>, vector<16xf32>,
        %parallel_loop3A_486 = arith.constant 8 : i32
        %parallel_loop3A_487 = arith.muli %parallel_loop3A_383, %parallel_loop3A_486 : i32
        %parallel_loop3A_488 = arith.constant 6 : i32
        %parallel_loop3A_489 = arith.addi %parallel_loop3A_487, %parallel_loop3A_488 : i32
        %parallel_loop3A_490 = vector.broadcast %parallel_loop3A_489 : i32 to vector<16xi32>
        %parallel_loop3A_491 = tpu.vector_load_idx %arg7[%parallel_loop3A_387, %parallel_loop3A_490] : memref<128x65xf32, #tpu.memory_space<vmem>>[vector<16xi32>, vector<16xi32>], vector<16xf32>,
        %parallel_loop3A_492 = arith.constant 8.000000e+00 : f32
        %parallel_loop3A_493 = vector.broadcast %parallel_loop3A_492 : f32 to vector<16xf32>
        %parallel_loop3A_494 = arith.mulf %parallel_loop3A_491, %parallel_loop3A_493 : vector<16xf32>
        %parallel_loop3A_495 = arith.constant 1 : i32
        %parallel_loop3A_496 = arith.constant 6 : i32
        %parallel_loop3A_497 = arith.index_cast %parallel_loop3A_495 : i32 to index
        %parallel_loop3A_498 = arith.index_cast %parallel_loop3A_383 : i32 to index
        %parallel_loop3A_499 = arith.index_cast %parallel_loop3A_496 : i32 to index
        %parallel_loop3A_500 = arith.index_cast %parallel_loop3A_389 : i32 to index
        %parallel_loop3A_501 = tpu.vector_load %arg8[%parallel_loop3A_497, %parallel_loop3A_498, %parallel_loop3A_499, %parallel_loop3A_500] {strides = array<i32>} : memref<2x8x8x128xf32, #tpu.memory_space<vmem>>, vector<16xf32>,
        tpu.vector_store %arg8[%parallel_loop3A_497, %parallel_loop3A_498, %parallel_loop3A_499, %parallel_loop3A_500], %parallel_loop3A_494 {strides = array<i32>} : memref<2x8x8x128xf32, #tpu.memory_space<vmem>>, vector<16xf32>,
        %parallel_loop3A_502 = arith.constant 8 : i32
        %parallel_loop3A_503 = arith.muli %parallel_loop3A_383, %parallel_loop3A_502 : i32
        %parallel_loop3A_504 = arith.constant 7 : i32
        %parallel_loop3A_505 = arith.addi %parallel_loop3A_503, %parallel_loop3A_504 : i32
        %parallel_loop3A_506 = vector.broadcast %parallel_loop3A_505 : i32 to vector<16xi32>
        %parallel_loop3A_507 = tpu.vector_load_idx %arg7[%parallel_loop3A_387, %parallel_loop3A_506] : memref<128x65xf32, #tpu.memory_space<vmem>>[vector<16xi32>, vector<16xi32>], vector<16xf32>,
        %parallel_loop3A_508 = arith.constant 8.000000e+00 : f32
        %parallel_loop3A_509 = vector.broadcast %parallel_loop3A_508 : f32 to vector<16xf32>
        %parallel_loop3A_510 = arith.mulf %parallel_loop3A_507, %parallel_loop3A_509 : vector<16xf32>
        %parallel_loop3A_511 = arith.constant 1 : i32
        %parallel_loop3A_512 = arith.constant 7 : i32
        %parallel_loop3A_513 = arith.index_cast %parallel_loop3A_511 : i32 to index
        %parallel_loop3A_514 = arith.index_cast %parallel_loop3A_383 : i32 to index
        %parallel_loop3A_515 = arith.index_cast %parallel_loop3A_512 : i32 to index
        %parallel_loop3A_516 = arith.index_cast %parallel_loop3A_389 : i32 to index
        %parallel_loop3A_517 = tpu.vector_load %arg8[%parallel_loop3A_513, %parallel_loop3A_514, %parallel_loop3A_515, %parallel_loop3A_516] {strides = array<i32>} : memref<2x8x8x128xf32, #tpu.memory_space<vmem>>, vector<16xf32>,
        tpu.vector_store %arg8[%parallel_loop3A_513, %parallel_loop3A_514, %parallel_loop3A_515, %parallel_loop3A_516], %parallel_loop3A_510 {strides = array<i32>} : memref<2x8x8x128xf32, #tpu.memory_space<vmem>>, vector<16xf32>,
      } {sc.loop_unroll_factor = 2 : i64, sc.parallel_access}
      %add3A_343 = arith.constant 4 : i32
      %add3A_344 = arith.addi %add3A_316, %add3A_343 : i32
      %lt3A_345 = arith.constant 200 : i32
      %lt3A_346 = arith.cmpi slt, %add3A_344, %lt3A_345 : i32
      %convert_element_type3A_347 = arith.extui %lt3A_346 : i1 to i32
      %cond3A_348 = arith.constant 0 : i32
      %cond3A_349 = arith.cmpi ne, %convert_element_type3A_347, %cond3A_348 : i32
      scf.if %cond3A_349 {
        %add3A_379 = arith.constant 4 : i32
        %add3A_380 = arith.addi %add3A_316, %add3A_379 : i32
        %dma_start3A_381 = arith.constant 3 : i32
        %dma_start3A_382 = arith.constant 3 : i32
        %dma_start3A_383 = arith.constant 0 : i32
        %dma_start3A_384 = arith.constant 0 : i32
        %dma_start3A_385 = tpu.memref_slice %arg6[%dma_start3A_381, %dma_start3A_383, %dma_start3A_384] : memref<4x128x64xf32, #tpu.memory_space<vmem>> -> memref<1x128x64xf32, #tpu.memory_space<vmem>>
        %dma_start3A_386 = tpu.memref_squeeze %dma_start3A_385 : memref<1x128x64xf32, #tpu.memory_space<vmem>> -> memref<128x64xf32, #tpu.memory_space<vmem>>
        %dma_start3A_387 = arith.constant 0 : i32
        %dma_start3A_388 = tpu.memref_slice %arg5[%add3A_380, %dma_start3A_387] : memref<200x128xi32, #tpu.memory_space<vmem>> -> memref<1x128xi32, #tpu.memory_space<vmem>>
        %dma_start3A_389 = tpu.memref_squeeze %dma_start3A_388 : memref<1x128xi32, #tpu.memory_space<vmem>> -> memref<128xi32, #tpu.memory_space<vmem>>
        %dma_start3A_390 = arith.constant 0 : i32
        %dma_start3A_391 = arith.constant 0 : i32
        %dma_start3A_392 = tpu.memref_slice %arg2[%dma_start3A_390, %dma_start3A_391] : memref<100000x64xf32, #tpu.memory_space<hbm>> -> memref<100000x64xf32, #tpu.memory_space<hbm>>
        %dma_start3A_393 = tpu.memref_slice %arg9[%dma_start3A_382] : memref<4x!tpu.dma_semaphore, #tpu.memory_space<semaphore_mem>> -> memref<1x!tpu.dma_semaphore, #tpu.memory_space<semaphore_mem>>
        %dma_start3A_394 = tpu.memref_squeeze %dma_start3A_393 : memref<1x!tpu.dma_semaphore, #tpu.memory_space<semaphore_mem>> -> memref<!tpu.dma_semaphore, #tpu.memory_space<semaphore_mem>>
        tpu.enqueue_indirect_dma source(%dma_start3A_392 : memref<100000x64xf32, #tpu.memory_space<hbm>>) target(%dma_start3A_386 : memref<128x64xf32, #tpu.memory_space<vmem>>) offsets(%dma_start3A_389 : memref<128xi32, #tpu.memory_space<vmem>>) semaphore(%dma_start3A_394 : memref<!tpu.dma_semaphore, #tpu.memory_space<semaphore_mem>>)
      } else {
      }
      %add3A_350 = arith.addi %mul3A_2, %add3A_316 : i32
      %shift_right_arithmetic3A_351 = arith.constant 5 : i32
      %shift_right_arithmetic3A_352 = arith.shrsi %add3A_350, %shift_right_arithmetic3A_351 : i32
      %and3A_353 = arith.constant 31 : i32
      %and3A_354 = arith.andi %add3A_350, %and3A_353 : i32
      %dma_start3A_355 = arith.constant 1 : i32
      %dma_start3A_356 = arith.constant 1 : i32
      %dma_start3A_357 = arith.constant 0 : i32
      %dma_start3A_358 = arith.constant 0 : i32
      %dma_start3A_359 = arith.constant 0 : i32
      %dma_start3A_360 = tpu.memref_slice %arg8[%dma_start3A_355, %dma_start3A_357, %dma_start3A_358, %dma_start3A_359] : memref<2x8x8x128xf32, #tpu.memory_space<vmem>> -> memref<1x8x8x128xf32, #tpu.memory_space<vmem>>
      %dma_start3A_361 = tpu.memref_squeeze %dma_start3A_360 : memref<1x8x8x128xf32, #tpu.memory_space<vmem>> -> memref<8x8x128xf32, #tpu.memory_space<vmem>>
      %dma_start3A_362 = arith.constant 0 : i32
      %dma_start3A_363 = arith.constant 0 : i32
      %dma_start3A_364 = arith.constant 0 : i32
      %dma_start3A_365 = tpu.memref_slice %arg4[%shift_right_arithmetic3A_352, %dma_start3A_362, %and3A_354, %dma_start3A_363, %dma_start3A_364] : memref<200x8x32x8x128xf32, #tpu.memory_space<hbm>> -> memref<1x8x1x8x128xf32, #tpu.memory_space<hbm>>
      %dma_start3A_366 = tpu.memref_squeeze %dma_start3A_365 : memref<1x8x1x8x128xf32, #tpu.memory_space<hbm>> -> memref<8x8x128xf32, #tpu.memory_space<hbm>>
      %dma_start3A_367 = tpu.memref_slice %arg10[%dma_start3A_356] : memref<2x!tpu.dma_semaphore, #tpu.memory_space<semaphore_mem>> -> memref<1x!tpu.dma_semaphore, #tpu.memory_space<semaphore_mem>>
      %dma_start3A_368 = tpu.memref_squeeze %dma_start3A_367 : memref<1x!tpu.dma_semaphore, #tpu.memory_space<semaphore_mem>> -> memref<!tpu.dma_semaphore, #tpu.memory_space<semaphore_mem>>
      %dma_start3A_369 = arith.constant 0 : i32
      %dma_start3A_370 = arith.constant 0 : i32
      %dma_start3A_371 = arith.constant 0 : i32
      %dma_start3A_372 = tpu.memref_slice %arg4[%shift_right_arithmetic3A_352, %dma_start3A_369, %and3A_354, %dma_start3A_370, %dma_start3A_371] : memref<200x8x32x8x128xf32, #tpu.memory_space<hbm>> -> memref<1x8x1x8x128xf32, #tpu.memory_space<hbm>>
      %dma_start3A_373 = tpu.memref_squeeze %dma_start3A_372 : memref<1x8x1x8x128xf32, #tpu.memory_space<hbm>> -> memref<8x8x128xf32, #tpu.memory_space<hbm>>
      %dma_start3A_374 = arith.constant 0 : i32
      %dma_start3A_375 = arith.constant 0 : i32
      %dma_start3A_376 = arith.constant 0 : i32
      %dma_start3A_377 = tpu.memref_slice %arg8[%dma_start3A_355, %dma_start3A_374, %dma_start3A_375, %dma_start3A_376] : memref<2x8x8x128xf32, #tpu.memory_space<vmem>> -> memref<1x8x8x128xf32, #tpu.memory_space<vmem>>
      %dma_start3A_378 = tpu.memref_squeeze %dma_start3A_377 : memref<1x8x8x128xf32, #tpu.memory_space<vmem>> -> memref<8x8x128xf32, #tpu.memory_space<vmem>>
      tpu.enqueue_dma source(%dma_start3A_378 : memref<8x8x128xf32, #tpu.memory_space<vmem>>) target(%dma_start3A_373 : memref<8x8x128xf32, #tpu.memory_space<hbm>>) target_semaphore(%dma_start3A_368 : memref<!tpu.dma_semaphore, #tpu.memory_space<semaphore_mem>>)
    }
    %scan3A_65 = arith.constant 50 : i32
    %add3A_66 = arith.constant 198 : i32
    %add3A_67 = arith.addi %mul3A_2, %add3A_66 : i32
    %shift_right_arithmetic3A = arith.constant 5 : i32
    %shift_right_arithmetic3A_68 = arith.shrsi %add3A_67, %shift_right_arithmetic3A : i32
    %and3A = arith.constant 31 : i32
    %and3A_69 = arith.andi %add3A_67, %and3A : i32
    %dma_wait3A = arith.constant 0 : i32
    %dma_wait3A_70 = arith.constant 0 : i32
    %dma_wait3A_71 = arith.constant 0 : i32
    %dma_wait3A_72 = arith.constant 0 : i32
    %dma_wait3A_73 = arith.constant 0 : i32
    %dma_wait3A_74 = tpu.memref_slice %arg8[%dma_wait3A, %dma_wait3A_71, %dma_wait3A_72, %dma_wait3A_73] : memref<2x8x8x128xf32, #tpu.memory_space<vmem>> -> memref<1x8x8x128xf32, #tpu.memory_space<vmem>>
    %dma_wait3A_75 = tpu.memref_squeeze %dma_wait3A_74 : memref<1x8x8x128xf32, #tpu.memory_space<vmem>> -> memref<8x8x128xf32, #tpu.memory_space<vmem>>
    %dma_wait3A_76 = arith.constant 0 : i32
    %dma_wait3A_77 = arith.constant 0 : i32
    %dma_wait3A_78 = arith.constant 0 : i32
    %dma_wait3A_79 = tpu.memref_slice %arg4[%shift_right_arithmetic3A_68, %dma_wait3A_76, %and3A_69, %dma_wait3A_77, %dma_wait3A_78] : memref<200x8x32x8x128xf32, #tpu.memory_space<hbm>> -> memref<1x8x1x8x128xf32, #tpu.memory_space<hbm>>
    %dma_wait3A_80 = tpu.memref_squeeze %dma_wait3A_79 : memref<1x8x1x8x128xf32, #tpu.memory_space<hbm>> -> memref<8x8x128xf32, #tpu.memory_space<hbm>>
    %dma_wait3A_81 = tpu.memref_slice %arg10[%dma_wait3A_70] : memref<2x!tpu.dma_semaphore, #tpu.memory_space<semaphore_mem>> -> memref<1x!tpu.dma_semaphore, #tpu.memory_space<semaphore_mem>>
    %dma_wait3A_82 = tpu.memref_squeeze %dma_wait3A_81 : memref<1x!tpu.dma_semaphore, #tpu.memory_space<semaphore_mem>> -> memref<!tpu.dma_semaphore, #tpu.memory_space<semaphore_mem>>
    %dma_wait3A_83 = arith.constant 0 : i32
    %dma_wait3A_84 = arith.constant 0 : i32
    %dma_wait3A_85 = arith.constant 0 : i32
    %dma_wait3A_86 = tpu.memref_slice %arg4[%shift_right_arithmetic3A_68, %dma_wait3A_83, %and3A_69, %dma_wait3A_84, %dma_wait3A_85] : memref<200x8x32x8x128xf32, #tpu.memory_space<hbm>> -> memref<1x8x1x8x128xf32, #tpu.memory_space<hbm>>
    %dma_wait3A_87 = tpu.memref_squeeze %dma_wait3A_86 : memref<1x8x1x8x128xf32, #tpu.memory_space<hbm>> -> memref<8x8x128xf32, #tpu.memory_space<hbm>>
    %dma_wait3A_88 = arith.constant 0 : i32
    %dma_wait3A_89 = arith.constant 0 : i32
    %dma_wait3A_90 = arith.constant 0 : i32
    %dma_wait3A_91 = tpu.memref_slice %arg8[%dma_wait3A, %dma_wait3A_88, %dma_wait3A_89, %dma_wait3A_90] : memref<2x8x8x128xf32, #tpu.memory_space<vmem>> -> memref<1x8x8x128xf32, #tpu.memory_space<vmem>>
    %dma_wait3A_92 = tpu.memref_squeeze %dma_wait3A_91 : memref<1x8x8x128xf32, #tpu.memory_space<vmem>> -> memref<8x8x128xf32, #tpu.memory_space<vmem>>
    tpu.wait_dma2 semaphore(%dma_wait3A_82 : memref<!tpu.dma_semaphore, #tpu.memory_space<semaphore_mem>>) src(%dma_wait3A_92 : memref<8x8x128xf32, #tpu.memory_space<vmem>>) dst(%dma_wait3A_87 : memref<8x8x128xf32, #tpu.memory_space<hbm>>)
    %add3A_93 = arith.constant 199 : i32
    %add3A_94 = arith.addi %mul3A_2, %add3A_93 : i32
    %shift_right_arithmetic3A_95 = arith.constant 5 : i32
    %shift_right_arithmetic3A_96 = arith.shrsi %add3A_94, %shift_right_arithmetic3A_95 : i32
    %and3A_97 = arith.constant 31 : i32
    %and3A_98 = arith.andi %add3A_94, %and3A_97 : i32
    %dma_wait3A_99 = arith.constant 1 : i32
    %dma_wait3A_100 = arith.constant 1 : i32
    %dma_wait3A_101 = arith.constant 0 : i32
    %dma_wait3A_102 = arith.constant 0 : i32
    %dma_wait3A_103 = arith.constant 0 : i32
    %dma_wait3A_104 = tpu.memref_slice %arg8[%dma_wait3A_99, %dma_wait3A_101, %dma_wait3A_102, %dma_wait3A_103] : memref<2x8x8x128xf32, #tpu.memory_space<vmem>> -> memref<1x8x8x128xf32, #tpu.memory_space<vmem>>
    %dma_wait3A_105 = tpu.memref_squeeze %dma_wait3A_104 : memref<1x8x8x128xf32, #tpu.memory_space<vmem>> -> memref<8x8x128xf32, #tpu.memory_space<vmem>>
    %dma_wait3A_106 = arith.constant 0 : i32
    %dma_wait3A_107 = arith.constant 0 : i32
    %dma_wait3A_108 = arith.constant 0 : i32
    %dma_wait3A_109 = tpu.memref_slice %arg4[%shift_right_arithmetic3A_96, %dma_wait3A_106, %and3A_98, %dma_wait3A_107, %dma_wait3A_108] : memref<200x8x32x8x128xf32, #tpu.memory_space<hbm>> -> memref<1x8x1x8x128xf32, #tpu.memory_space<hbm>>
    %dma_wait3A_110 = tpu.memref_squeeze %dma_wait3A_109 : memref<1x8x1x8x128xf32, #tpu.memory_space<hbm>> -> memref<8x8x128xf32, #tpu.memory_space<hbm>>
    %dma_wait3A_111 = tpu.memref_slice %arg10[%dma_wait3A_100] : memref<2x!tpu.dma_semaphore, #tpu.memory_space<semaphore_mem>> -> memref<1x!tpu.dma_semaphore, #tpu.memory_space<semaphore_mem>>
    %dma_wait3A_112 = tpu.memref_squeeze %dma_wait3A_111 : memref<1x!tpu.dma_semaphore, #tpu.memory_space<semaphore_mem>> -> memref<!tpu.dma_semaphore, #tpu.memory_space<semaphore_mem>>
    %dma_wait3A_113 = arith.constant 0 : i32
    %dma_wait3A_114 = arith.constant 0 : i32
    %dma_wait3A_115 = arith.constant 0 : i32
    %dma_wait3A_116 = tpu.memref_slice %arg4[%shift_right_arithmetic3A_96, %dma_wait3A_113, %and3A_98, %dma_wait3A_114, %dma_wait3A_115] : memref<200x8x32x8x128xf32, #tpu.memory_space<hbm>> -> memref<1x8x1x8x128xf32, #tpu.memory_space<hbm>>
    %dma_wait3A_117 = tpu.memref_squeeze %dma_wait3A_116 : memref<1x8x1x8x128xf32, #tpu.memory_space<hbm>> -> memref<8x8x128xf32, #tpu.memory_space<hbm>>
    %dma_wait3A_118 = arith.constant 0 : i32
    %dma_wait3A_119 = arith.constant 0 : i32
    %dma_wait3A_120 = arith.constant 0 : i32
    %dma_wait3A_121 = tpu.memref_slice %arg8[%dma_wait3A_99, %dma_wait3A_118, %dma_wait3A_119, %dma_wait3A_120] : memref<2x8x8x128xf32, #tpu.memory_space<vmem>> -> memref<1x8x8x128xf32, #tpu.memory_space<vmem>>
    %dma_wait3A_122 = tpu.memref_squeeze %dma_wait3A_121 : memref<1x8x8x128xf32, #tpu.memory_space<vmem>> -> memref<8x8x128xf32, #tpu.memory_space<vmem>>
    tpu.wait_dma2 semaphore(%dma_wait3A_112 : memref<!tpu.dma_semaphore, #tpu.memory_space<semaphore_mem>>) src(%dma_wait3A_122 : memref<8x8x128xf32, #tpu.memory_space<vmem>>) dst(%dma_wait3A_117 : memref<8x8x128xf32, #tpu.memory_space<hbm>>)
    return
  }
}

</mosaic_0001>

<sc_bundles>
// kernel: kernel.3.cloned.1.call-start
scs
__scs_entry_jumppad:
0x0: {  	(pc) =	sbr.rel $0x88, $3  }
0x1: {  	(tag) =	ssettag $0x0;
	lr =	simm.s32 $0x1  }
0x2: {  	[smem:$0x3F9F] =	sst lr;
	_ =	strace $0xD0000000  }
0x3: {  	_ = 	snop  }
0x4: {  	_ = 	snop  }
0x5: {  	_ = 	snop  }
0x6: {  	_ = 	snop  }
0x7: {  	_ = 	snop  }
__scs_overlays_trampoline_lowered:
0x8: {  	[smem:$0x3FAE] =	sst s0  }
0x9: {  	[smem:$0x3FAF] =	sst s1  }
0xa: {  	[smem:$0x3FB0] =	sst s2  }
0xb: {  	[smem:$0x3FB1] =	sst s3  }
0xc: {  	[smem:$0x3FB2] =	sst s4  }
0xd: {  	[smem:$0x3FB3] =	sst s5  }
0xe: {  	[smem:$0x3FB4] =	sst s6  }
0xf: {  	[smem:$0x3FB5] =	sst s7  }
0x10: {  	[smem:$0x3FB6] =	sst s8  }
0x11: {  	[smem:$0x3FB7] =	sst s9;
	s0 =	simm.s32 @!p0 $0x0  }
0x12: {  	s1 =	sld [smem:$0x3F9D];
	s0 =	simm.s32 @p0 $0x1  }
0x13: {  	[smem:$0x3FB8] =	sst s0;
	s0 =	simm.s32 @!p1 $0x0  }
0x14: {  	s2 =	sld [smem:$0x3F9C];
	s0 =	simm.s32 @p1 $0x1  }
0x15: {  	[smem:$0x3FB9] =	sst s0;
	s0 =	simm.s32 @!p2 $0x0  }
0x16: {  	s3 =	sld [smem:$0x3FDB];
	s0 =	simm.s32 @p2 $0x1  }
0x17: {  	s4 =	simm.s32 $0x1BF5;
	[smem:$0x3FBB] =	sst s0  }
0x18: {  	s0 =	sld [smem:$0x3F9E];
	_ =	swait.ge [sflag:s4], $0x0  }
0x19: {  	s7 =	sld [smem:$0x3F9F]  }
0x1a: {  	s8 =	sadd.s32 $0xFFFFE003, lr  }
0x1b: {  	s9 =	sadd.s32 $0xFFFFFEF7, lr;
	s5 =	simm.s32 $0xFFFFFFFF;
	p2 =	slt.u32 s8, $0xFFFFF086  }
0x1c: {  	p1 =	slt.u32 s9, $0xF7A;
	s5 =	simm.s32 @!p2 $0x0  }
0x1d: {  	s5 =	simm.s32 @p1 $0x1;
	p0 =	seq.s32 s7, s2  }
0x1e: {  	s7 =	smul.u32 @!p0 $0xF7A, s2;
	p2 =	seq.s32 @!p0 s5, $0x0  }
0x1f: {  	s9 =	smul.u32 $0xF7A, s1;
	s8 =	simm.s32 @!p0 $0x1BF5;
	p2 =	por !p2, p0  }
0x20: {  	[sflag:s8] =	ssyncset.s32 @!p0 $0xFFFFF086;
	s6 =	sadd.s32 @!p0 s3, s7;
	s7 =	simm.s32 @!p0 $0x108  }
0x21: {  	s3 =	sadd.s32 s3, s9;
	s6 =	sadd.s32 @!p0 $0x88, s6;
	s7 =	simm.s32 @p2 $0x1082  }
0x22: {  	[simem:s7], [sflag:s8] =	dma.local @!p0 [hbm:s6], $0xF7A  }
0x23: {  	s9 =	sor.u32 $0xD0000000, s2;
	s6 =	simm.s32 $0x108;
	_ =	swait.ge @!p0 [sflag:s8], $0x0  }
0x24: {  	s3 =	sadd.s32 $0x88, s3;
	s6 =	simm.s32 @!p1 $0x1082;
	[sflag:s4] =	ssyncset.s32 $0xFFFFF086  }
0x25: {  	[simem:s6], [sflag:s4] =	dma.local [hbm:s3], $0xF7A  }
0x26: {  	[smem:$0x3F9F] =	sst s1;
	(tag) =	ssettag s2;
	_ =	strace s9  }
0x27: {  	s1 =	sld [smem:$0x3FAF]  }
0x28: {  	s2 =	sld [smem:$0x3FB0]  }
0x29: {  	s4 =	sld [smem:$0x3FB2]  }
0x2a: {  	p0 =	seq.s32 s5, $0x0;
	s5 =	sld [smem:$0x3FB3]  }
0x2b: {  	s6 =	sld [smem:$0x3FB4]  }
0x2c: {  	s7 =	sld [smem:$0x3FB5]  }
0x2d: {  	s3 =	simm.s32 $0x108;
	s8 =	sld [smem:$0x3FB6]  }
0x2e: {  	s3 =	simm.s32 @!p0 $0x1082;
	s9 =	sld [smem:$0x3FB7]  }
0x2f: {  	lr =	sadd.s32 s0, s3;
	s0 =	sld [smem:$0x3FAE]  }
0x30: {  	s3 =	sld [smem:$0x3FB1]  }
0x31: {  	[smem:$0x3FBA] =	sst s10  }
0x32: {  	s10 =	sld [smem:$0x3FB8];
	_ =	sdelay $0x3  }
0x33: {  	p0 =	seq.s32 s10, $0x1;
	s10 =	sld [smem:$0x3FBA];
	_ =	sdelay $0x3  }
0x34: {  	[smem:$0x3FBA] =	sst s10  }
0x35: {  	s10 =	sld [smem:$0x3FB9];
	_ =	sdelay $0x3  }
0x36: {  	p1 =	seq.s32 s10, $0x1;
	s10 =	sld [smem:$0x3FBA];
	_ =	sdelay $0x3  }
0x37: {  	[smem:$0x3FBA] =	sst s10  }
0x38: {  	s10 =	sld [smem:$0x3FBB]  }
0x39: {  	_ = 	snop;
	(pc) =	sbr.ind lr, $3  }
0x3a: {  	_ = 	snop  }
0x3b: {  	_ = 	snop  }
0x3c: {  	p2 =	seq.s32 s10, $0x1;
	s10 =	sld [smem:$0x3FBA]  }
0x3d: {  	_ =	shalt  }
0x3e: {  	_ =	shalt  }
0x3f: {  	_ =	shalt  }
0x40: {  	_ =	shalt  }
0x41: {  	_ =	shalt  }
0x42: {  	_ =	shalt  }
0x43: {  	_ =	shalt  }
0x44: {  	_ =	shalt  }
0x45: {  	_ =	shalt  }
0x46: {  	_ =	shalt  }
0x47: {  	_ =	shalt  }
0x48: {  	_ =	shalt  }
0x49: {  	_ =	shalt  }
0x4a: {  	_ =	shalt  }
0x4b: {  	_ =	shalt  }
0x4c: {  	_ =	shalt  }
0x4d: {  	_ =	shalt  }
0x4e: {  	_ =	shalt  }
0x4f: {  	_ =	shalt  }
0x50: {  	_ =	shalt  }
0x51: {  	_ =	shalt  }
0x52: {  	_ =	shalt  }
0x53: {  	_ =	shalt  }
0x54: {  	_ =	shalt  }
0x55: {  	_ =	shalt  }
0x56: {  	_ =	shalt  }
0x57: {  	_ =	shalt  }
0x58: {  	_ =	shalt  }
0x59: {  	_ =	shalt  }
0x5a: {  	_ =	shalt  }
0x5b: {  	_ =	shalt  }
0x5c: {  	_ =	shalt  }
0x5d: {  	_ =	shalt  }
0x5e: {  	_ =	shalt  }
0x5f: {  	_ =	shalt  }
0x60: {  	_ =	shalt  }
0x61: {  	_ =	shalt  }
0x62: {  	_ =	shalt  }
0x63: {  	_ =	shalt  }
0x64: {  	_ =	shalt  }
0x65: {  	_ =	shalt  }
0x66: {  	_ =	shalt  }
0x67: {  	_ =	shalt  }
0x68: {  	_ =	shalt  }
0x69: {  	_ =	shalt  }
0x6a: {  	_ =	shalt  }
0x6b: {  	_ =	shalt  }
0x6c: {  	_ =	shalt  }
0x6d: {  	_ =	shalt  }
0x6e: {  	_ =	shalt  }
0x6f: {  	_ =	shalt  }
0x70: {  	_ =	shalt  }
0x71: {  	_ =	shalt  }
0x72: {  	_ =	shalt  }
0x73: {  	_ =	shalt  }
0x74: {  	_ =	shalt  }
0x75: {  	_ =	shalt  }
0x76: {  	_ =	shalt  }
0x77: {  	_ =	shalt  }
0x78: {  	_ =	shalt  }
0x79: {  	_ =	shalt  }
0x7a: {  	_ =	shalt  }
0x7b: {  	_ =	shalt  }
0x7c: {  	_ =	shalt  }
0x7d: {  	_ =	shalt  }
0x7e: {  	_ =	shalt  }
0x7f: {  	_ =	shalt  }
0x80: {  	_ =	shalt  }
0x81: {  	_ =	shalt  }
0x82: {  	_ =	shalt  }
0x83: {  	_ =	shalt  }
0x84: {  	_ =	shalt  }
0x85: {  	_ =	shalt  }
0x86: {  	_ =	shalt  }
0x87: {  	_ =	shalt  }
.Lfunc_end0:
.L_simem_size_0:
called_computation_lowered:
.L_overlay_start_0:
0x88: {  	s2 =	sld [smem:$0x3FD9]  }
0x89: {  	s3 =	sld [smem:$0x3FFE];
	_ =	sdelay $0x1  }
0x8a: {  	s1 =	srdreg.scid  }
0x8b: {  	s0 =	sand.u32 $0x1, s1  }
0x8c: {  	s17 =	sshll.u32 s0, $0xA;
	s2 =	sadd.s32 s3, s2  }
0x8d: {  	s2 =	sadd.s32 s2, s17  }
0x8e: {  	[smem:$0x3FC6] =	sst s2  }
0x8f: {  	_ = 	snop  }
0x90: {  	s2 =	sld [smem:$0x3FD0];
	(tm) =	ssettm $0x1  }
0x91: {  	s18 =	sld [smem:$0x3FFB];
	_ =	sdelay $0x3  }
0x92: {  	_ =	strace s18  }
0x93: {  	s3 =	sld [smem:$0x3FFC];
	_ =	sdelay $0x3  }
0x94: {  	_ =	strace s3  }
0x95: {  	s3 =	sld [smem:$0x3FFD];
	_ =	sdelay $0x3  }
0x96: {  	_ =	strace s3  }
0x97: {  	_ =	strace $0x8FFFFFFF  }
0x98: {  	s19 =	sld [smem:$0x3FDB];
	_ =	sdelay $0x1  }
0x99: {  	s4 =	simm.s32 $_scs_section_size  }
0x9a: {  	s5 =	simm.s32 $_size__tile_overlayer_lowered;
	s6 =	simm.s32 $_tile_overlayer_lowered  }
0x9b: {  	s22 =	simm.s32 $0x1BFF;
	s21 =	sshll.u32 s6, $0x1;
	s3 =	sadd.s32 s4, s19  }
0x9c: {  	s7 =	simm.s32 $0x0;
	s20 =	sshll.u32 s5, $0x1;
	s5 =	sadd.s32 s21, s3  }
0x9d: {  	[timem:s7], [sflag:s22] =	dma.local [hbm:s5], s20  }
0x9e: {  	_ =	swait.ge [sflag:s22], s20  }
0x9f: {  	s4 =	ssub.s32 $0x0, s20;
	[sflag:s22] =	ssyncset.done $0x0  }
0xa0: {  	[sflag:s22] =	ssyncadd.s32 s4;
	_ =	sdelay $0x1  }
0xa1: {  	s23 =	simm.s32 $0x1B8B  }
0xa2: {  	_ =	swait.ge [sflag:s23], $0x1  }
0xa3: {  	[sflag:s23] =	ssyncset.done $0x0  }
0xa4: {  	s25 =	simm.s32 $0x1B8E;
	s24 =	sld [smem:$0x3FFE];
	[sflag:s23] =	ssyncadd.s32 $0xFFFFFFFF  }
0xa5: {  	s26 =	simm.s32 $execute0_lowered;
	[smem:$0x3FD2] =	sst s25  }
0xa6: {  	s5 =	sshll.u32 s26, $0x1;
	_ =	strace $0x80000046;
	[dreg:$0x1] =	wrdreg $0xFFFFFFFF  }
0xa7: {  	s28 =	simm.s32 $_size_execute0_lowered;
	s3 =	sadd.s32 s3, s5;
	[dreg:$0x0] =	wrdreg $0x0  }
0xa8: {  	s5 =	sshll.u32 s28, $0x1;
	[dreg:$0x2] =	wrdreg s3  }
0xa9: {  	[dreg:$0x3] =	wrdreg s5  }
0xaa: {  	[dreg:$0x4] =	wrdreg $0xC0  }
0xab: {  	_ =	task [dreg:s7], $0x5FFFF  }
0xac: {  	[dreg:$0x1] =	wrdreg $0xFFFFFFFF  }
0xad: {  	[dreg:$0x0] =	wrdreg $0x60  }
0xae: {  	[dreg:$0x2] =	wrdreg s24  }
0xaf: {  	[dreg:$0x3] =	wrdreg s2  }
0xb0: {  	[dreg:$0x4] =	wrdreg $0x9  }
0xb1: {  	_ =	task.clear_ibuf [dreg:s7], $0x5FFFF;
	_ =	strace $0x90000046  }
0xb2: {  	s29 =	simm.s32 $0x9;
	_ =	strace $0x80000048  }
0xb3: {  	_ =	swait.ge [sflag:s29], $0x1  }
0xb4: {  	[sflag:s29] =	ssyncadd.s32 $0xFFFFFFFF  }
0xb5: {  	_ =	strace $0x90000048  }
0xb6: {  	_ =	sfence  }
0xb7: {  	s30 =	sld [smem:$0x0];
	_ =	sdelay $0x2  }
0xb8: {  	s31 =	sshll.u32 s1, $0xD;
	s1 =	sshrl.u32 s1, $0x2  }
0xb9: {  	s3 =	sand.u32 $0x4000, s31;
	s1 =	sadd.s32 s1, s30  }
0xba: {  	s0 =	sor.u32 s3, s0;
	s1 =	sshll.u32 s1, $0x11  }
0xbb: {  	s0 =	sor.u32 s1, s0  }
0xbc: {  	s0 =	sadd.s32 $0x8F2B, s0  }
0xbd: {  	[sflag:s0] =	ssyncadd.remote.s32 $0x1  }
0xbe: {  	_ =	sfence.sel $0xFFFF  }
0xbf: {  	[dreg:$0x0] =	wrdreg $0xFFFFFFFF;
	(pc) =	sbr.abs _section_cstart, $3  }
0xc0: {  	[dreg:$0x1] =	wrdreg $0xFFFFFFFF  }
0xc1: {  	_ =	task.clear_ibuf [dreg:s7], $0x2FFFF;
	_ =	strace $0x9FFFFFFF  }
0xc2: {  	(tm) =	ssettm $0x7FFFFFFF  }
0xc3: {  	_ =	shalt  }
tec
execute0_lowered:
.L_overlay_start_1:
0x0: {  	(tag) =	ssettag $0x1  }
0x1: {  	s0 =	rddreg [dreg:$0x0];
	s1 =	srdreg.scid  }
0x2: {  	s3 =	stileid.u32;
	s2 =	rddreg [dreg:$0x1]  }
0x3: {  	s4 =	simm.s32 $0x0;
	s17 =	simm.s32 $0xE400;
	s18 =	simm.s32 $0x400  }
0x4: {  	s19 =	simm.s32 $0x8000;
	s1 =	sand.u32 $0x1, s1;
	s3 =	sshll.u32 s3, $0x1  }
0x5: {  	s28 =	simm.s32 $0x10800;
	s3 =	sor.u32 s1, s3;
	s1 =	ssub.s32 $0x2, s1  }
0x6: {  	s24 =	simm.s32 $0x5;
	s5 =	smul.u32 $0xC80, s3;
	s30 =	sshrl.u32 s1, $0x1  }
0x7: {  	s26 =	simm.s32 $0x6;
	[smem:$0x7FF] =	sst s4;
	s1 =	ssub.s32 s1, s30  }
0x8: {  	s4 =	sadd.s32 $0x19400, s0;
	s0 =	sadd.s32 s5, s0;
	s31 =	smax.u32 s1, $0x1  }
0x9: {  	v0 =	vlaneseq.u32;
	v1 =	vimm.s32 $0x0;
	vm0 =	vcmask $0x300;
	_ =	strace $0x80000047;
	s0 =	sadd.s32 $0x400, s0;
	[dreg:$0x4] =	wrdreg s31  }
0xa: {  	v0 =	vmul.u32 $0x48, v0;
	v1 =	vsel vm0, $0x3, v1;
	s5 =	smul.u32 $0xC8, s3;
	s1 =	simm.s32 $0x0;
	[dreg:$0x3] =	wrdreg s0  }
.LBB2_1:
0xb: {  	[dreg:$0x5] =	wrdreg s1  }
0xc: {  	s0 =	simm.s32 $0x0;
	s16 =	rddreg [dreg:$0x3];
	s20 =	simm.s32 $0x7  }
0xd: {  	[tilespmem:s0], [sflag:$0x7] =	stream.linear.gather [hbm4b:s16+s0], $0x6400, $0x38;
	[tilespmem:$0x14800] =	vst v63  }
0xe: {  	_ =	swait.ge [sflag:s20], $0x6400  }
0xf: {  	[sflag:s20] =	ssyncset.done $0x0  }
0x10: {  	s21 =	simm.s32 $0x80;
	s3 =	simm.s32 $0x6400;
	[sflag:s20] =	ssyncadd.s32 $0xFFFF9C00  }
0x11: {  	[tilespmem:s3], [sflag:$0x1] =	stream.indirect.gather [hbm4b:s4+s21], $0x40, s0, s21, $0xb8;
	[tilespmem:$0x14800] =	vst v63  }
0x12: {  	s22 =	simm.s32 $0x8400  }
0x13: {  	[tilespmem:s22], [sflag:$0x2] =	stream.indirect.gather [hbm4b:s4+s21], $0x40, s21, s21, $0xb8;
	[tilespmem:$0x14800] =	vst v63  }
0x14: {  	s23 =	simm.s32 $0x100;
	s25 =	simm.s32 $0xA400  }
0x15: {  	[tilespmem:s25], [sflag:$0x3] =	stream.indirect.gather [hbm4b:s4+s21], $0x40, s23, s21, $0xb8;
	[tilespmem:$0x14800] =	vst v63  }
0x16: {  	s30 =	simm.s32 $0x180;
	s31 =	simm.s32 $0xC400;
	s29 =	simm.s32 $0x0  }
0x17: {  	[tilespmem:s31], [sflag:$0x4] =	stream.indirect.gather [hbm4b:s4+s21], $0x40, s30, s21, $0xb8;
	[tilespmem:$0x14800] =	vst v63  }
.LBB2_2:
0x18: {  	s0 =	simm.s32 $0x1  }
0x19: {  	_ =	swait.ge [sflag:s0], $0x2000  }
0x1a: {  	p1 =	seq.s32 s29, $0x0;
	[sflag:s0] =	ssyncset.done $0x0  }
0x1b: {  	[sflag:s0] =	ssyncadd.s32 $0xFFFFE000;
	s0 =	simm.s32 @!p1 $0x5  }
0x1c: {  	_ =	swait.ge @!p1 [sflag:s0], $0x2000  }
0x1d: {  	[sflag:s0] =	ssyncset.done @!p1 $0x0  }
0x1e: {  	s6 =	simm.s32 $0x6440;
	[sflag:s0] =	ssyncadd.s32 @!p1 $0xFFFFE000  }
0x1f: {  	v2 =	vld [tilespmem:s6+$0x0]  }
0x20: {  	v3 =	vld [tilespmem:s6+$0xFFFFFFC0];
	_ =	sdelay $0x2  }
0x21: {  	s0 =	simm.s32 $0xE448  }
0x22: {  	[tilespmem:s0+$0x0] =	vst v2  }
0x23: {  	[tilespmem:s0+$0xFFFFFFB8] =	vst v3;
	v2 =	vld [tilespmem:s6+$0x10]  }
0x24: {  	s3 =	simm.s32 $0x64C0;
	v3 =	vld [tilespmem:s6+$0xFFFFFFD0]  }
0x25: {  	v4 =	vld [tilespmem:s3+$0x0]  }
0x26: {  	v5 =	vld [tilespmem:s3+$0xFFFFFFC0];
	_ =	sdelay $0x1  }
0x27: {  	[tilespmem:s0+$0x10] =	vst v2  }
0x28: {  	s1 =	simm.s32 $0xE4D8;
	[tilespmem:s0+$0xFFFFFFC8] =	vst v3;
	v2 =	vld [tilespmem:s6+$0x20]  }
0x29: {  	[tilespmem:s1+$0x0] =	vst v4;
	v3 =	vld [tilespmem:s6+$0xFFFFFFE0]  }
0x2a: {  	[tilespmem:s1+$0xFFFFFFB8] =	vst v5;
	v4 =	vld [tilespmem:s3+$0x10]  }
0x2b: {  	s7 =	simm.s32 $0x6540;
	v5 =	vld [tilespmem:s3+$0xFFFFFFD0]  }
0x2c: {  	v6 =	vld [tilespmem:s7+$0x0]  }
0x2d: {  	v7 =	vld [tilespmem:s7+$0xFFFFFFC0];
	[tilespmem:s0+$0x20] =	vst v2  }
0x2e: {  	[tilespmem:s0+$0xFFFFFFD8] =	vst v3;
	v8 =	vld [tilespmem:s6+$0x30]  }
0x2f: {  	[tilespmem:s1+$0x10] =	vst v4;
	v2 =	vld [tilespmem:s6+$0xFFFFFFF0]  }
0x30: {  	[tilespmem:s1+$0xFFFFFFC8] =	vst v5;
	v3 =	vld [tilespmem:s3+$0x20];
	s6 =	simm.s32 $0xE568  }
0x31: {  	v4 =	vld [tilespmem:s3+$0xFFFFFFE0];
	[tilespmem:s6+$0x0] =	vst v6  }
0x32: {  	s30 =	sshll.u32 s29, $0x2;
	s9 =	simm.s32 $0x0;
	[tilespmem:s6+$0xFFFFFFB8] =	vst v7;
	v6 =	vld [tilespmem:s7+$0x10]  }
0x33: {  	s8 =	simm.s32 $0x2;
	s10 =	simm.s32 $0x4;
	s11 =	simm.s32 $0x65C0;
	v5 =	vld [tilespmem:s7+$0xFFFFFFD0];
	[tilespmem:s0+$0x30] =	vst v8  }
.LBB2_3:
0x34: {  	v7 =	vld [tilespmem:s11+$0x0];
	s10 =	sadd.s32 $0x2, s10;
	[tilespmem:s0+$0xFFFFFFE8] =	vst v2;
	s0 =	smov.u32 s1;
	s1 =	smov.u32 s6  }
0x35: {  	v8 =	vld [tilespmem:s11+$0xFFFFFFC0];
	p0 =	slt.u32 s10, $0x7E;
	[tilespmem:s0+$0x20] =	vst v3  }
0x36: {  	[tilespmem:s0+$0xFFFFFFD8] =	vst v4;
	v9 =	vld [tilespmem:s3+$0x30]  }
.Ltmp0:
0x37: {  	[tilespmem:s6+$0x10] =	vst v6;
	v2 =	vld [tilespmem:s3+$0xFFFFFFF0];
	s3 =	smov.u32 s7;
	s7 =	smov.u32 s11;
	(pc) =	sbr.rel @p0 .LBB2_3-.Ltmp0, $4  }
0x38: {  	s6 =	sadd.s32 $0x90, s6;
	[tilespmem:s1+$0xFFFFFFC8] =	vst v5;
	v3 =	vld [tilespmem:s3+$0x20]  }
0x39: {  	[tilespmem:s6+$0x0] =	vst v7;
	v4 =	vld [tilespmem:s3+$0xFFFFFFE0]  }
0x3a: {  	[tilespmem:s6+$0xFFFFFFB8] =	vst v8;
	v6 =	vld [tilespmem:s11+$0x10]  }
0x3b: {  	s11 =	sadd.s32 $0x80, s11;
	v5 =	vld [tilespmem:s7+$0xFFFFFFD0];
	[tilespmem:s0+$0x30] =	vst v9  }
0x3c: {  	_ =	sdelay $0x2  }
0x3d: {  	[tilespmem:s6+$0x10] =	vst v6  }
0x3e: {  	s10 =	simm.s32 $0x0;
	s9 =	sand.u32 $0x6, s9;
	[tilespmem:s6+$0xFFFFFFC8] =	vst v5;
	v5 =	vld [tilespmem:s7+$0x20]  }
0x3f: {  	s10 =	sand.u32 $0x70, s10;
	s11 =	sor.u32 $0x1, s9;
	v6 =	vld [tilespmem:s7+$0xFFFFFFE0]  }
0x40: {  	v7 =	vmov s10;
	s12 =	sshll.u32 s11, $0x3  }
0x41: {  	[tilespmem:s1+$0x20] =	vst v3;
	v3 =	vmul.u32 $0x48, v7;
	v7 =	vmov s12  }
0x42: {  	[tilespmem:s1+$0xFFFFFFD8] =	vst v4;
	v8 =	vld [tilespmem:s3+$0x30];
	v4 =	vshrl.u32 v7, $0x3  }
0x43: {  	s25 =	sshll.u32 s9, $0x3;
	v7 =	vld [tilespmem:s3+$0xFFFFFFF0];
	v3 =	vbroadcast v3, $0x0;
	v4 =	vshll.u32 v4, v1;
	[tilespmem:s6+$0x20] =	vst v5  }
0x44: {  	v4 =	vbroadcast v4, $0x0;
	[tilespmem:s6+$0xFFFFFFD8] =	vst v6;
	v5 =	vld [tilespmem:s7+$0x30];
	v6 =	vmov s25  }
0x45: {  	v3 =	vadd.s32 v0, v3;
	v9 =	vld [tilespmem:s7+$0xFFFFFFF0];
	v6 =	vshrl.u32 v6, $0x3  }
0x46: {  	[tilespmem:s0+$0xFFFFFFE8] =	vst v2;
	v4 =	vadd.s32 v3, v4;
	v2 =	vshll.u32 v6, v1  }
0x47: {  	[tilespmem:s1+$0x30] =	vst v8;
	v2 =	vbroadcast v2, $0x0  }
0x48: {  	[tilespmem:s1+$0xFFFFFFE8] =	vst v7  }
0x49: {  	[tilespmem:s6+$0x30] =	vst v5;
	v3 =	vadd.s32 v2, v3  }
0x4a: {  	[tilespmem:s6+$0xFFFFFFE8] =	vst v9  }
0x4b: {  	v2 =	vld.idx.msk [tilespmem:v4+s17+$0x0], $0xffff  }
0x4c: {  	s12 =	sand.u32 $0x6, s8;
	s7 =	simm.s32 $0x4  }
0x4d: {  	s16 =	sor.u32 $0x1, s12;
	s15 =	sand.u32 $0x70, s7  }
0x4e: {  	s20 =	sshll.u32 s16, $0x3;
	v7 =	vor.u32 $0x1, v4;
	v6 =	vmov s15;
	v5 =	vld.idx.msk [tilespmem:v3+s17+$0x0], $0xffff  }
0x4f: {  	v8 =	vmov s20;
	v6 =	vmul.u32 $0x48, v6  }
0x50: {  	s21 =	sshll.u32 s11, $0xA;
	v8 =	vshrl.u32 v8, $0x3;
	v2 =	vmul.f32 $8.000000000e+00, v2  }
0x51: {  	s8 =	sshll.u32 s12, $0x3;
	s3 =	sor.u32 s10, s21;
	v8 =	vshll.u32 v8, v1;
	v10 =	vor.u32 $0x1, v3;
	v6 =	vbroadcast v6, $0x0  }
0x52: {  	v9 =	vmov s8;
	[tilespmem:s3+$0x10800] =	vst v2;
	v2 =	vbroadcast v8, $0x0  }
0x53: {  	s22 =	sshll.u32 s9, $0xA;
	v6 =	vadd.s32 v0, v6;
	v8 =	vshrl.u32 v9, $0x3;
	v5 =	vmul.f32 $8.000000000e+00, v5;
	v7 =	vld.idx.msk [tilespmem:v7+s17+$0x0], $0xffff  }
0x54: {  	s0 =	sor.u32 s10, s22;
	v8 =	vshll.u32 v8, v1;
	v9 =	vadd.s32 v6, v2  }
0x55: {  	v2 =	vbroadcast v8, $0x0;
	[tilespmem:s0+$0x10800] =	vst v5  }
0x56: {  	v8 =	vor.u32 $0x2, v4;
	v5 =	vld.idx.msk [tilespmem:v10+s17+$0x0], $0xffff  }
0x57: {  	v6 =	vadd.s32 v2, v6  }
0x58: {  	v2 =	vmul.f32 $8.000000000e+00, v7  }
0x59: {  	v10 =	vld.idx.msk [tilespmem:v9+s17+$0x0], $0xffff  }
0x5a: {  	s23 =	simm.s32 $0x4;
	v7 =	vor.u32 $0x2, v3;
	[tilespmem:s3+$0x10880] =	vst v2  }
0x5b: {  	s25 =	simm.s32 $0x8;
	s8 =	sand.u32 $0x6, s23;
	v2 =	vmul.f32 $8.000000000e+00, v5;
	v5 =	vld.idx.msk [tilespmem:v8+s17+$0x0], $0xffff  }
0x5c: {  	s23 =	sand.u32 $0x70, s25;
	s25 =	sor.u32 $0x1, s8;
	v12 =	vor.u32 $0x1, v9;
	v8 =	vld.idx.msk [tilespmem:v6+s17+$0x0], $0xffff  }
0x5d: {  	v14 =	vor.u32 $0x3, v4;
	v11 =	vmov s23;
	s13 =	sshll.u32 s25, $0x3  }
0x5e: {  	s6 =	sshll.u32 s16, $0xA;
	s14 =	sshll.u32 s8, $0x3;
	[tilespmem:s0+$0x10880] =	vst v2;
	v2 =	vmul.u32 $0x48, v11;
	v11 =	vmov s13;
	v10 =	vmul.f32 $8.000000000e+00, v10  }
0x5f: {  	s6 =	sor.u32 s15, s6;
	v15 =	vmov s14;
	v16 =	vor.u32 $0x1, v6;
	v7 =	vld.idx.msk [tilespmem:v7+s17+$0x0], $0xffff;
	v11 =	vshrl.u32 v11, $0x3  }
0x60: {  	v2 =	vbroadcast v2, $0x0;
	v11 =	vshll.u32 v11, v1;
	[tilespmem:s6+$0x10800] =	vst v10;
	v5 =	vmul.f32 $8.000000000e+00, v5  }
0x61: {  	s7 =	sshll.u32 s12, $0xA;
	v10 =	vbroadcast v11, $0x0;
	v11 =	vshrl.u32 v15, $0x3;
	v8 =	vmul.f32 $8.000000000e+00, v8;
	v12 =	vld.idx.msk [tilespmem:v12+s17+$0x0], $0xffff  }
0x62: {  	s1 =	sor.u32 s15, s7;
	v13 =	vor.u32 $0x3, v3;
	v2 =	vadd.s32 v0, v2;
	v11 =	vshll.u32 v11, v1;
	[tilespmem:s3+$0x10900] =	vst v5  }
0x63: {  	v15 =	vadd.s32 v2, v10;
	v5 =	vbroadcast v11, $0x0;
	[tilespmem:s1+$0x10800] =	vst v8;
	v8 =	vld.idx.msk [tilespmem:v14+s17+$0x0], $0xffff  }
0x64: {  	v11 =	vor.u32 $0x2, v9;
	v7 =	vmul.f32 $8.000000000e+00, v7;
	v10 =	vld.idx.msk [tilespmem:v16+s17+$0x0], $0xffff  }
0x65: {  	v5 =	vadd.s32 v5, v2  }
0x66: {  	[tilespmem:s0+$0x10900] =	vst v7;
	v7 =	vmul.f32 $8.000000000e+00, v12;
	v12 =	vor.u32 $0x4, v4  }
0x67: {  	s15 =	simm.s32 $0x6;
	v2 =	vld.idx.msk [tilespmem:v13+s17+$0x0], $0xffff;
	v13 =	vor.u32 $0x2, v6  }
0x68: {  	s20 =	sand.u32 $0x6, s15;
	v14 =	vld.idx.msk [tilespmem:v15+s17+$0x0], $0xffff;
	[tilespmem:s6+$0x10880] =	vst v7;
	v7 =	vmul.f32 $8.000000000e+00, v8  }
0x69: {  	s16 =	simm.s32 $0xC;
	s14 =	sshll.u32 s20, $0x3;
	v10 =	vmul.f32 $8.000000000e+00, v10;
	v11 =	vld.idx.msk [tilespmem:v11+s17+$0x0], $0xffff  }
0x6a: {  	s21 =	sand.u32 $0x70, s16;
	v22 =	vmov s14;
	v21 =	vor.u32 $0x3, v9;
	s13 =	sor.u32 $0x1, s20;
	v8 =	vor.u32 $0x4, v3;
	v17 =	vld.idx.msk [tilespmem:v5+s17+$0x0], $0xffff;
	[tilespmem:s3+$0x10980] =	vst v7  }
0x6b: {  	v18 =	vor.u32 $0x3, v6;
	s22 =	sshll.u32 s13, $0x3;
	v19 =	vor.u32 $0x1, v15;
	v7 =	vmov s21;
	[tilespmem:s1+$0x10880] =	vst v10;
	v10 =	vld.idx.msk [tilespmem:v12+s17+$0x0], $0xffff  }
0x6c: {  	v2 =	vmul.f32 $8.000000000e+00, v2;
	v7 =	vmul.u32 $0x48, v7;
	v12 =	vld.idx.msk [tilespmem:v13+s17+$0x0], $0xffff;
	v13 =	vmov s22  }
0x6d: {  	s10 =	sshll.u32 s25, $0xA;
	v20 =	vor.u32 $0x1, v5;
	v14 =	vmul.f32 $8.000000000e+00, v14;
	v13 =	vshrl.u32 v13, $0x3  }
0x6e: {  	s12 =	sor.u32 s23, s10;
	v7 =	vbroadcast v7, $0x0;
	v13 =	vshll.u32 v13, v1;
	[tilespmem:s0+$0x10980] =	vst v2;
	v2 =	vshrl.u32 v22, $0x3  }
0x6f: {  	[tilespmem:s12+$0x10800] =	vst v14;
	v11 =	vmul.f32 $8.000000000e+00, v11;
	v14 =	vor.u32 $0x5, v4;
	v13 =	vbroadcast v13, $0x0;
	v8 =	vld.idx.msk [tilespmem:v8+s17+$0x0], $0xffff  }
0x70: {  	s9 =	sshll.u32 s8, $0xA;
	v17 =	vmul.f32 $8.000000000e+00, v17;
	v2 =	vshll.u32 v2, v1;
	v22 =	vld.idx.msk [tilespmem:v19+s17+$0x0], $0xffff;
	v7 =	vadd.s32 v0, v7  }
0x71: {  	s10 =	sor.u32 s23, s9;
	v19 =	vbroadcast v2, $0x0;
	[tilespmem:s6+$0x10900] =	vst v11;
	v11 =	vmul.f32 $8.000000000e+00, v10;
	v2 =	vadd.s32 v7, v13  }
0x72: {  	v16 =	vor.u32 $0x5, v3;
	[tilespmem:s10+$0x10800] =	vst v17;
	v12 =	vmul.f32 $8.000000000e+00, v12;
	v13 =	vld.idx.msk [tilespmem:v21+s17+$0x0], $0xffff  }
0x73: {  	v25 =	vor.u32 $0x5, v6;
	v10 =	vor.u32 $0x6, v3;
	v20 =	vld.idx.msk [tilespmem:v20+s17+$0x0], $0xffff;
	[tilespmem:s3+$0x10A00] =	vst v11;
	v11 =	vor.u32 $0x2, v15  }
0x74: {  	v17 =	vor.u32 $0x7, v3;
	v26 =	vadd.s32 v19, v7;
	[tilespmem:s1+$0x10900] =	vst v12;
	v7 =	vld.idx.msk [tilespmem:v14+s17+$0x0], $0xffff;
	v8 =	vmul.f32 $8.000000000e+00, v8  }
0x75: {  	v3 =	vor.u32 $0x7, v6;
	v12 =	vld.idx.msk [tilespmem:v18+s17+$0x0], $0xffff;
	v18 =	vor.u32 $0x4, v9;
	v14 =	vmul.f32 $8.000000000e+00, v22  }
0x76: {  	v21 =	vor.u32 $0x4, v6;
	v19 =	vor.u32 $0x6, v6;
	v6 =	vor.u32 $0x2, v5;
	v23 =	vld.idx.msk [tilespmem:v2+s17+$0x0], $0xffff;
	[tilespmem:s0+$0x10A00] =	vst v8  }
0x77: {  	v24 =	vor.u32 $0x6, v4;
	s23 =	simm.s32 $0x8;
	v52 =	vor.u32 $0x7, v9;
	[tilespmem:s12+$0x10880] =	vst v14;
	v14 =	vmul.f32 $8.000000000e+00, v13;
	v16 =	vld.idx.msk [tilespmem:v16+s17+$0x0], $0xffff  }
0x78: {  	s25 =	simm.s32 $0x10;
	s8 =	sand.u32 $0x6, s23;
	v33 =	vor.u32 $0x4, v15;
	v30 =	vor.u32 $0x1, v2;
	v20 =	vmul.f32 $8.000000000e+00, v20;
	v11 =	vld.idx.msk [tilespmem:v11+s17+$0x0], $0xffff  }
0x79: {  	s23 =	sand.u32 $0x70, s25;
	s25 =	sor.u32 $0x1, s8;
	s15 =	sshll.u32 s8, $0x3;
	v28 =	vor.u32 $0x1, v26;
	v22 =	vor.u32 $0x3, v5;
	v29 =	vld.idx.msk [tilespmem:v26+s17+$0x0], $0xffff;
	[tilespmem:s6+$0x10980] =	vst v14;
	v7 =	vmul.f32 $8.000000000e+00, v7  }
0x7a: {  	s16 =	sshll.u32 s25, $0x3;
	v14 =	vmov s23;
	[tilespmem:s10+$0x10880] =	vst v20;
	v12 =	vmul.f32 $8.000000000e+00, v12;
	v20 =	vmov s15;
	v18 =	vld.idx.msk [tilespmem:v18+s17+$0x0], $0xffff  }
0x7b: {  	s13 =	sshll.u32 s13, $0xA;
	v14 =	vmul.u32 $0x48, v14;
	v31 =	vld.idx.msk [tilespmem:v6+s17+$0x0], $0xffff;
	v6 =	vmov s16;
	[tilespmem:s3+$0x10A80] =	vst v7;
	v8 =	vmul.f32 $8.000000000e+00, v23  }
0x7c: {  	s13 =	sor.u32 s21, s13;
	v7 =	vor.u32 $0x3, v15;
	v6 =	vshrl.u32 v6, $0x3;
	[tilespmem:s1+$0x10980] =	vst v12;
	v16 =	vmul.f32 $8.000000000e+00, v16  }
0x7d: {  	v23 =	vld.idx.msk [tilespmem:v24+s17+$0x0], $0xffff;
	v14 =	vbroadcast v14, $0x0;
	v6 =	vshll.u32 v6, v1;
	v11 =	vmul.f32 $8.000000000e+00, v11;
	[tilespmem:s13+$0x10800] =	vst v8  }
0x7e: {  	v20 =	vshrl.u32 v20, $0x3;
	v12 =	vor.u32 $0x5, v9;
	v21 =	vld.idx.msk [tilespmem:v21+s17+$0x0], $0xffff;
	v6 =	vbroadcast v6, $0x0;
	[tilespmem:s0+$0x10A80] =	vst v16  }
0x7f: {  	s11 =	sshll.u32 s20, $0xA;
	v8 =	vmul.f32 $8.000000000e+00, v29;
	v24 =	vld.idx.msk [tilespmem:v30+s17+$0x0], $0xffff;
	v14 =	vadd.s32 v0, v14;
	[tilespmem:s12+$0x10900] =	vst v11;
	v11 =	vmul.f32 $8.000000000e+00, v18  }
0x80: {  	s11 =	sor.u32 s21, s11;
	v18 =	vor.u32 $0x7, v4;
	v4 =	vshll.u32 v20, v1;
	v6 =	vadd.s32 v14, v6;
	v50 =	vld.idx.msk [tilespmem:v10+s17+$0x0], $0xffff  }
0x81: {  	v27 =	vor.u32 $0x4, v5;
	[tilespmem:s11+$0x10800] =	vst v8;
	v20 =	vmul.f32 $8.000000000e+00, v31;
	v29 =	vld.idx.msk [tilespmem:v7+s17+$0x0], $0xffff;
	v7 =	vbroadcast v4, $0x0  }
0x82: {  	v37 =	vor.u32 $0x3, v2;
	v31 =	vor.u32 $0x2, v2;
	v28 =	vld.idx.msk [tilespmem:v28+s17+$0x0], $0xffff;
	[tilespmem:s6+$0x10A00] =	vst v11;
	v11 =	vmul.f32 $8.000000000e+00, v23  }
0x83: {  	v13 =	vor.u32 $0x5, v5;
	[tilespmem:s10+$0x10900] =	vst v20;
	v21 =	vmul.f32 $8.000000000e+00, v21;
	v12 =	vld.idx.msk [tilespmem:v12+s17+$0x0], $0xffff;
	v14 =	vadd.s32 v7, v14  }
0x84: {  	v30 =	vor.u32 $0x2, v26;
	v8 =	vor.u32 $0x6, v5;
	v32 =	vld.idx.msk [tilespmem:v22+s17+$0x0], $0xffff;
	[tilespmem:s3+$0x10B00] =	vst v11;
	v11 =	vmul.f32 $8.000000000e+00, v24  }
0x85: {  	s16 =	simm.s32 $0xA;
	v4 =	vor.u32 $0x7, v5;
	v5 =	vor.u32 $0x7, v26;
	v20 =	vor.u32 $0x3, v26;
	[tilespmem:s1+$0x10A00] =	vst v21;
	v21 =	vld.idx.msk [tilespmem:v6+s17+$0x0], $0xffff  }
0x86: {  	s22 =	sand.u32 $0x6, s16;
	v23 =	vor.u32 $0x4, v26;
	v7 =	vor.u32 $0x6, v26;
	v25 =	vld.idx.msk [tilespmem:v25+s17+$0x0], $0xffff;
	[tilespmem:s13+$0x10880] =	vst v11;
	v11 =	vmul.f32 $8.000000000e+00, v29  }
0x87: {  	s20 =	simm.s32 $0x14;
	s21 =	sshll.u32 s22, $0x3;
	v24 =	vor.u32 $0x5, v26;
	v26 =	vor.u32 $0x6, v9;
	v28 =	vmul.f32 $8.000000000e+00, v28;
	v31 =	vld.idx.msk [tilespmem:v31+s17+$0x0], $0xffff  }
0x88: {  	s7 =	sand.u32 $0x70, s20;
	s16 =	sor.u32 $0x1, s22;
	v49 =	vmov s21;
	v36 =	vor.u32 $0x1, v6;
	v35 =	vld.idx.msk [tilespmem:v14+s17+$0x0], $0xffff;
	[tilespmem:s12+$0x10980] =	vst v11;
	v11 =	vmul.f32 $8.000000000e+00, v12  }
0x89: {  	s20 =	sshll.u32 s16, $0x3;
	v29 =	vor.u32 $0x1, v14;
	v12 =	vmov s7;
	[tilespmem:s11+$0x10880] =	vst v28;
	v28 =	vmul.f32 $8.000000000e+00, v32;
	v48 =	vld.idx.msk [tilespmem:v33+s17+$0x0], $0xffff  }
0x8a: {  	s14 =	sshll.u32 s25, $0xA;
	v12 =	vmul.u32 $0x48, v12;
	v30 =	vld.idx.msk [tilespmem:v30+s17+$0x0], $0xffff;
	[tilespmem:s6+$0x10A80] =	vst v11;
	v11 =	vmov s20;
	v21 =	vmul.f32 $8.000000000e+00, v21  }
0x8b: {  	s31 =	sor.u32 s23, s14;
	v18 =	vld.idx.msk [tilespmem:v18+s17+$0x0], $0xffff;
	[tilespmem:s10+$0x10980] =	vst v28;
	v28 =	vor.u32 $0x5, v15;
	v25 =	vmul.f32 $8.000000000e+00, v25;
	v11 =	vshrl.u32 v11, $0x3  }
0x8c: {  	v26 =	vld.idx.msk [tilespmem:v26+s17+$0x0], $0xffff;
	v12 =	vbroadcast v12, $0x0;
	v11 =	vshll.u32 v11, v1;
	v16 =	vmul.f32 $8.000000000e+00, v31;
	[tilespmem:s31+$0x10800] =	vst v21  }
0x8d: {  	s9 =	sshll.u32 s8, $0xA;
	v27 =	vld.idx.msk [tilespmem:v27+s17+$0x0], $0xffff;
	v31 =	vshrl.u32 v49, $0x3;
	[tilespmem:s1+$0x10A80] =	vst v25;
	v10 =	vbroadcast v11, $0x0;
	v11 =	vmul.f32 $8.000000000e+00, v35  }
0x8e: {  	s14 =	sor.u32 s23, s9;
	v21 =	vld.idx.msk [tilespmem:v36+s17+$0x0], $0xffff;
	v51 =	vadd.s32 v0, v12;
	v9 =	vshll.u32 v31, v1;
	[tilespmem:s13+$0x10900] =	vst v16;
	v12 =	vmul.f32 $8.000000000e+00, v48  }
0x8f: {  	v39 =	vor.u32 $0x6, v15;
	v19 =	vld.idx.msk [tilespmem:v19+s17+$0x0], $0xffff;
	v30 =	vmul.f32 $8.000000000e+00, v30;
	v9 =	vbroadcast v9, $0x0;
	[tilespmem:s14+$0x10800] =	vst v11  }
0x90: {  	v53 =	vor.u32 $0x2, v6;
	v33 =	vmul.f32 $8.000000000e+00, v50;
	v10 =	vadd.s32 v51, v10;
	v31 =	vld.idx.msk [tilespmem:v37+s17+$0x0], $0xffff;
	[tilespmem:s12+$0x10A00] =	vst v12  }
0x91: {  	v34 =	vor.u32 $0x2, v14;
	v29 =	vld.idx.msk [tilespmem:v29+s17+$0x0], $0xffff;
	v26 =	vmul.f32 $8.000000000e+00, v26;
	[tilespmem:s11+$0x10900] =	vst v30;
	v30 =	vadd.s32 v9, v51  }
0x92: {  	s8 =	simm.s32 $0xC;
	v22 =	vor.u32 $0x3, v14;
	v18 =	vmul.f32 $8.000000000e+00, v18;
	[tilespmem:s0+$0x10B00] =	vst v33;
	v16 =	vor.u32 $0x4, v14;
	v28 =	vld.idx.msk [tilespmem:v28+s17+$0x0], $0xffff  }
0x93: {  	s21 =	sand.u32 $0x6, s8;
	v11 =	vor.u32 $0x5, v14;
	v12 =	vor.u32 $0x6, v14;
	v27 =	vmul.f32 $8.000000000e+00, v27;
	v54 =	vld.idx.msk [tilespmem:v20+s17+$0x0], $0xffff;
	[tilespmem:s6+$0x10B00] =	vst v26  }
0x94: {  	s23 =	sshll.u32 s21, $0x3;
	s20 =	sor.u32 $0x1, s21;
	[tilespmem:s3+$0x10B80] =	vst v18;
	v9 =	vor.u32 $0x7, v14;
	v14 =	vmul.f32 $8.000000000e+00, v21;
	v26 =	vor.u32 $0x4, v2;
	v32 =	vld.idx.msk [tilespmem:v52+s17+$0x0], $0xffff  }
0x95: {  	v62 =	vor.u32 $0x7, v15;
	v57 =	vmov s23;
	s25 =	sshll.u32 s20, $0x3;
	[tilespmem:s10+$0x10A00] =	vst v27;
	v27 =	vld.idx.msk [tilespmem:v10+s17+$0x0], $0xffff;
	v31 =	vmul.f32 $8.000000000e+00, v31  }
0x96: {  	s9 =	simm.s32 $0x18;
	v59 =	vshrl.u32 v57, $0x3;
	v58 =	vmov s25;
	[tilespmem:s31+$0x10880] =	vst v14;
	v25 =	vmul.f32 $8.000000000e+00, v29;
	v56 =	vld.idx.msk [tilespmem:v30+s17+$0x0], $0xffff  }
0x97: {  	s15 =	sand.u32 $0x70, s9;
	v36 =	vor.u32 $0x6, v2;
	v40 =	vor.u32 $0x1, v10;
	v29 =	vld.idx.msk [tilespmem:v53+s17+$0x0], $0xffff;
	[tilespmem:s13+$0x10980] =	vst v31;
	v28 =	vmul.f32 $8.000000000e+00, v28  }
0x98: {  	v37 =	vor.u32 $0x2, v10;
	v38 =	vld.idx.msk [tilespmem:v13+s17+$0x0], $0xffff;
	v31 =	vmov s15;
	[tilespmem:s14+$0x10880] =	vst v25;
	v25 =	vmul.f32 $8.000000000e+00, v54  }
0x99: {  	v55 =	vor.u32 $0x1, v30;
	v26 =	vld.idx.msk [tilespmem:v26+s17+$0x0], $0xffff;
	v31 =	vmul.u32 $0x48, v31;
	[tilespmem:s12+$0x10A80] =	vst v28;
	v28 =	vmul.f32 $8.000000000e+00, v32  }
0x9a: {  	s16 =	sshll.u32 s16, $0xA;
	v20 =	vor.u32 $0x3, v30;
	v34 =	vld.idx.msk [tilespmem:v34+s17+$0x0], $0xffff;
	v32 =	vshrl.u32 v58, $0x3;
	v27 =	vmul.f32 $8.000000000e+00, v27;
	[tilespmem:s11+$0x10980] =	vst v25  }
0x9b: {  	s23 =	sshll.u32 s22, $0xA;
	s3 =	sor.u32 s7, s16;
	v25 =	vor.u32 $0x3, v6;
	v39 =	vld.idx.msk [tilespmem:v39+s17+$0x0], $0xffff;
	v31 =	vbroadcast v31, $0x0;
	[tilespmem:s6+$0x10B80] =	vst v28;
	v60 =	vmul.f32 $8.000000000e+00, v56  }
0x9c: {  	v32 =	vshll.u32 v32, v1;
	v23 =	vld.idx.msk [tilespmem:v23+s17+$0x0], $0xffff;
	s6 =	sor.u32 s7, s23;
	[tilespmem:s3+$0x10800] =	vst v27;
	v27 =	vmul.f32 $8.000000000e+00, v29;
	v29 =	vor.u32 $0x5, v2  }
0x9d: {  	v18 =	vor.u32 $0x4, v30;
	v41 =	vmul.f32 $8.000000000e+00, v38;
	v32 =	vbroadcast v32, $0x0;
	v61 =	vld.idx.msk [tilespmem:v40+s17+$0x0], $0xffff;
	[tilespmem:s6+$0x10800] =	vst v60  }
0x9e: {  	v15 =	vor.u32 $0x7, v30;
	v31 =	vadd.s32 v0, v31;
	[tilespmem:s31+$0x10900] =	vst v27;
	v27 =	vmul.f32 $8.000000000e+00, v26;
	v26 =	vld.idx.msk [tilespmem:v17+s17+$0x0], $0xffff  }
0x9f: {  	v28 =	vshll.u32 v59, v1;
	[tilespmem:s10+$0x10A80] =	vst v41;
	v17 =	vadd.s32 v31, v32;
	v63 =	vmul.f32 $8.000000000e+00, v34;
	v35 =	vld.idx.msk [tilespmem:v55+s17+$0x0], $0xffff  }
0xa0: {  	v21 =	vor.u32 $0x2, v30;
	v28 =	vbroadcast v28, $0x0;
	v42 =	vld.idx.msk [tilespmem:v25+s17+$0x0], $0xffff;
	v25 =	vmul.f32 $8.000000000e+00, v39;
	[tilespmem:s13+$0x10A00] =	vst v27  }
0xa1: {  	v13 =	vor.u32 $0x6, v30;
	v14 =	vor.u32 $0x5, v30;
	v41 =	vmul.f32 $8.000000000e+00, v19;
	[tilespmem:s14+$0x10900] =	vst v63;
	v33 =	vld.idx.msk [tilespmem:v29+s17+$0x0], $0xffff  }
0xa2: {  	v38 =	vadd.s32 v28, v31;
	v34 =	vor.u32 $0x4, v6;
	v28 =	vmul.f32 $8.000000000e+00, v23;
	v31 =	vld.idx.msk [tilespmem:v22+s17+$0x0], $0xffff;
	[tilespmem:s12+$0x10B00] =	vst v25  }
0xa3: {  	v32 =	vor.u32 $0x2, v38;
	v19 =	vor.u32 $0x7, v38;
	v29 =	vmul.f32 $8.000000000e+00, v61;
	v30 =	vld.idx.msk [tilespmem:v62+s17+$0x0], $0xffff  }
0xa4: {  	s25 =	sshll.u32 s21, $0xA;
	v27 =	vor.u32 $0x1, v38;
	v23 =	vor.u32 $0x3, v38;
	v25 =	vor.u32 $0x4, v38;
	[tilespmem:s11+$0x10A00] =	vst v28;
	v39 =	vld.idx.msk [tilespmem:v17+s17+$0x0], $0xffff  }
0xa5: {  	s7 =	sor.u32 s15, s25;
	v22 =	vor.u32 $0x6, v38;
	v28 =	vor.u32 $0x5, v38;
	v24 =	vld.idx.msk [tilespmem:v24+s17+$0x0], $0xffff;
	[tilespmem:s3+$0x10880] =	vst v29;
	v40 =	vmul.f32 $8.000000000e+00, v42  }
.LBB2_5:
0xa6: {  	s8 =	sadd.s32 $0x2, s8;
	s9 =	sadd.s32 $0x4, s9;
	v35 =	vmul.f32 $8.000000000e+00, v35;
	v37 =	vld.idx.msk [tilespmem:v37+s17+$0x0], $0xffff;
	[tilespmem:s1+$0x10B00] =	vst v41;
	v26 =	vmul.f32 $8.000000000e+00, v26;
	v29 =	vmov v28  }
0xa7: {  	v33 =	vmul.f32 $8.000000000e+00, v33;
	s16 =	sand.u32 $0x6, s8;
	s21 =	sand.u32 $0x70, s9;
	p0 =	slt.u32 s8, $0x3E;
	v28 =	vld.idx.msk [tilespmem:v38+s17+$0x0], $0xffff;
	[tilespmem:s31+$0x10980] =	vst v40  }
0xa8: {  	v40 =	vor.u32 $0x1, v17;
	v31 =	vmul.f32 $8.000000000e+00, v31;
	v38 =	vmov s21;
	s22 =	sshll.u32 s16, $0x3;
	s23 =	sshll.u32 s16, $0xA;
	s16 =	sor.u32 $0x1, s16;
	[tilespmem:s6+$0x10880] =	vst v35;
	v34 =	vld.idx.msk [tilespmem:v34+s17+$0x0], $0xffff  }
0xa9: {  	v30 =	vmul.f32 $8.000000000e+00, v30;
	v35 =	vmov s22;
	v38 =	vmul.u32 $0x48, v38;
	s22 =	sor.u32 s21, s23;
	s23 =	sshll.u32 s16, $0x3;
	v41 =	vld.idx.msk [tilespmem:v21+s17+$0x0], $0xffff;
	[tilespmem:s13+$0x10A80] =	vst v33;
	v21 =	vmovc v32  }
0xaa: {  	v33 =	vmul.f32 $8.000000000e+00, v39;
	v39 =	vor.u32 $0x3, v10;
	v32 =	vmov s23;
	s23 =	sshll.u32 s20, $0xA;
	[tilespmem:s14+$0x10980] =	vst v31;
	v31 =	vld.idx.msk [tilespmem:v36+s17+$0x0], $0xffff;
	s20 =	smov.u32 s16  }
0xab: {  	v35 =	vshrl.u32 v35, $0x3;
	v36 =	vbroadcast v38, $0x0;
	v32 =	vshrl.u32 v32, $0x3;
	s16 =	sor.u32 s15, s23;
	v42 =	vld.idx.msk [tilespmem:v16+s17+$0x0], $0xffff;
	[tilespmem:s12+$0x10B80] =	vst v30;
	v16 =	vmovc v18;
	v18 =	vmovc v25;
	s15 =	smov.u32 s21;
	s12 =	smov.u32 s13  }
0xac: {  	v30 =	vmul.f32 $8.000000000e+00, v37;
	s13 =	smov.u32 s31;
	s31 =	smov.u32 s3;
	v25 =	vshll.u32 v32, v1;
	[tilespmem:s16+$0x10800] =	vst v33;
	v32 =	vor.u32 $0x5, v6;
	v43 =	vld.idx.msk [tilespmem:v8+s17+$0x0], $0xffff;
	v8 =	vmovc v7;
	s3 =	smov.u32 s16  }
0xad: {  	v33 =	vshll.u32 v35, v1;
	v28 =	vmul.f32 $8.000000000e+00, v28;
	v7 =	vmovc v12;
	v25 =	vbroadcast v25, $0x0;
	v40 =	vld.idx.msk [tilespmem:v40+s17+$0x0], $0xffff;
	[tilespmem:s0+$0x10B80] =	vst v26;
	s0 =	smov.u32 s1;
	s1 =	smov.u32 s10;
	s10 =	smov.u32 s11  }
0xae: {  	v36 =	vadd.s32 v0, v36;
	v34 =	vmul.f32 $8.000000000e+00, v34;
	s11 =	smov.u32 s14;
	s14 =	smov.u32 s6;
	s6 =	smov.u32 s7;
	[tilespmem:s31+$0x10900] =	vst v30;
	v30 =	vor.u32 $0x7, v2;
	v26 =	vld.idx.msk [tilespmem:v3+s17+$0x0], $0xffff;
	v2 =	vmovc v6  }
0xaf: {  	v46 =	vbroadcast v33, $0x0;
	s7 =	smov.u32 s22;
	v6 =	vmovc v10;
	v44 =	vadd.s32 v36, v25;
	[tilespmem:s6+$0x10800] =	vst v28;
	v25 =	vmul.f32 $8.000000000e+00, v41;
	v45 =	vld.idx.msk [tilespmem:v39+s17+$0x0], $0xffff  }
0xb0: {  	v24 =	vmul.f32 $8.000000000e+00, v24;
	v12 =	vmovc v13;
	v10 =	vmovc v17;
	v28 =	vmul.f32 $8.000000000e+00, v31;
	v35 =	vld.idx.msk [tilespmem:v27+s17+$0x0], $0xffff;
	[tilespmem:s13+$0x10A00] =	vst v34;
	v17 =	vmov v44  }
.Ltmp1:
0xb1: {  	v13 =	vmovc v22;
	v38 =	vadd.s32 v46, v36;
	v37 =	vor.u32 $0x2, v10;
	v36 =	vmul.f32 $8.000000000e+00, v42;
	[tilespmem:s14+$0x10900] =	vst v25;
	v33 =	vld.idx.msk [tilespmem:v32+s17+$0x0], $0xffff;
	(pc) =	sbr.rel @p0 .LBB2_5-.Ltmp1, $4  }
0xb2: {  	v3 =	vmovc v4;
	v27 =	vor.u32 $0x1, v38;
	v32 =	vor.u32 $0x2, v38;
	v31 =	vld.idx.msk [tilespmem:v20+s17+$0x0], $0xffff;
	[tilespmem:s12+$0x10B00] =	vst v28;
	v20 =	vmovc v23;
	v23 =	vor.u32 $0x3, v38  }
0xb3: {  	v4 =	vmovc v5;
	v5 =	vmovc v9;
	v34 =	vor.u32 $0x4, v6;
	v25 =	vor.u32 $0x4, v38;
	v40 =	vmul.f32 $8.000000000e+00, v40;
	[tilespmem:s11+$0x10A00] =	vst v36;
	v30 =	vld.idx.msk [tilespmem:v30+s17+$0x0], $0xffff  }
0xb4: {  	v9 =	vmovc v15;
	v15 =	vmovc v19;
	v22 =	vor.u32 $0x6, v38;
	v41 =	vmul.f32 $8.000000000e+00, v43;
	v28 =	vor.u32 $0x5, v38;
	v39 =	vld.idx.msk [tilespmem:v44+s17+$0x0], $0xffff;
	[tilespmem:s10+$0x10A80] =	vst v24  }
0xb5: {  	v19 =	vor.u32 $0x7, v38;
	v36 =	vor.u32 $0x6, v2;
	[tilespmem:s3+$0x10880] =	vst v40;
	v40 =	vmul.f32 $8.000000000e+00, v45;
	v24 =	vld.idx.msk [tilespmem:v11+s17+$0x0], $0xffff;
	v11 =	vmovc v14;
	v14 =	vmovc v29  }
0xb6: {  	_ =	sdelay $0x3  }
0xb7: {  	v29 =	vld.idx.msk [tilespmem:v38+s17+$0x0], $0xffff;
	v56 =	vor.u32 $0x1, v17;
	_ =	sdelay $0x1  }
0xb8: {  	s8 =	sshll.u32 s20, $0xA;
	v39 =	vmul.f32 $8.000000000e+00, v39  }
0xb9: {  	s8 =	sor.u32 s15, s8  }
0xba: {  	[tilespmem:s8+$0x10800] =	vst v39  }
0xbb: {  	v29 =	vmul.f32 $8.000000000e+00, v29;
	v38 =	vld.idx.msk [tilespmem:v56+s17+$0x0], $0xffff;
	_ =	sdelay $0x1  }
0xbc: {  	[tilespmem:s7+$0x10800] =	vst v29  }
0xbd: {  	v57 =	vor.u32 $0x2, v17;
	v27 =	vld.idx.msk [tilespmem:v27+s17+$0x0], $0xffff;
	_ =	sdelay $0x1  }
0xbe: {  	v38 =	vmul.f32 $8.000000000e+00, v38  }
0xbf: {  	v37 =	vld.idx.msk [tilespmem:v37+s17+$0x0], $0xffff  }
0xc0: {  	v35 =	vmul.f32 $8.000000000e+00, v35;
	[tilespmem:s8+$0x10880] =	vst v38  }
0xc1: {  	v27 =	vmul.f32 $8.000000000e+00, v27;
	v29 =	vld.idx.msk [tilespmem:v57+s17+$0x0], $0xffff  }
0xc2: {  	v58 =	vor.u32 $0x3, v10;
	[tilespmem:s6+$0x10880] =	vst v35  }
0xc3: {  	v21 =	vld.idx.msk [tilespmem:v21+s17+$0x0], $0xffff;
	[tilespmem:s7+$0x10880] =	vst v27  }
0xc4: {  	v60 =	vor.u32 $0x3, v17;
	v59 =	vmul.f32 $8.000000000e+00, v37;
	v32 =	vld.idx.msk [tilespmem:v32+s17+$0x0], $0xffff;
	_ =	sdelay $0x1  }
0xc5: {  	[tilespmem:s3+$0x10900] =	vst v59;
	v61 =	vmul.f32 $8.000000000e+00, v29  }
0xc6: {  	[tilespmem:s1+$0x10B00] =	vst v41;
	v62 =	vld.idx.msk [tilespmem:v58+s17+$0x0], $0xffff  }
0xc7: {  	v21 =	vmul.f32 $8.000000000e+00, v21;
	[tilespmem:s8+$0x10900] =	vst v61  }
0xc8: {  	[tilespmem:s31+$0x10980] =	vst v40;
	v63 =	vmul.f32 $8.000000000e+00, v32;
	v37 =	vld.idx.msk [tilespmem:v60+s17+$0x0], $0xffff  }
0xc9: {  	v33 =	vmul.f32 $8.000000000e+00, v33;
	[tilespmem:s6+$0x10900] =	vst v21;
	v38 =	vor.u32 $0x4, v10  }
0xca: {  	v26 =	vmul.f32 $8.000000000e+00, v26;
	v20 =	vld.idx.msk [tilespmem:v20+s17+$0x0], $0xffff;
	[tilespmem:s7+$0x10900] =	vst v63  }
0xcb: {  	v40 =	vor.u32 $0x4, v17;
	[tilespmem:s13+$0x10A80] =	vst v33;
	v39 =	vmul.f32 $8.000000000e+00, v62;
	v23 =	vld.idx.msk [tilespmem:v23+s17+$0x0], $0xffff  }
0xcc: {  	v31 =	vmul.f32 $8.000000000e+00, v31;
	v41 =	vld.idx.msk [tilespmem:v34+s17+$0x0], $0xffff;
	[tilespmem:s0+$0x10B80] =	vst v26  }
0xcd: {  	[tilespmem:s3+$0x10980] =	vst v39;
	v43 =	vmul.f32 $8.000000000e+00, v37  }
0xce: {  	v30 =	vmul.f32 $8.000000000e+00, v30;
	[tilespmem:s14+$0x10980] =	vst v31;
	v21 =	vld.idx.msk [tilespmem:v38+s17+$0x0], $0xffff  }
0xcf: {  	v44 =	vor.u32 $0x5, v6;
	v42 =	vld.idx.msk [tilespmem:v36+s17+$0x0], $0xffff;
	v20 =	vmul.f32 $8.000000000e+00, v20;
	[tilespmem:s8+$0x10980] =	vst v43  }
0xd0: {  	[tilespmem:s12+$0x10B80] =	vst v30;
	v23 =	vmul.f32 $8.000000000e+00, v23;
	v45 =	vld.idx.msk [tilespmem:v40+s17+$0x0], $0xffff  }
0xd1: {  	v47 =	vor.u32 $0x5, v10;
	v16 =	vld.idx.msk [tilespmem:v16+s17+$0x0], $0xffff;
	v46 =	vmul.f32 $8.000000000e+00, v41;
	[tilespmem:s6+$0x10980] =	vst v20  }
0xd2: {  	v2 =	vor.u32 $0x7, v2;
	v24 =	vmul.f32 $8.000000000e+00, v24;
	v18 =	vld.idx.msk [tilespmem:v18+s17+$0x0], $0xffff;
	[tilespmem:s7+$0x10980] =	vst v23  }
0xd3: {  	v49 =	vor.u32 $0x5, v17;
	[tilespmem:s31+$0x10A00] =	vst v46;
	v21 =	vmul.f32 $8.000000000e+00, v21;
	v23 =	vld.idx.msk [tilespmem:v25+s17+$0x0], $0xffff  }
0xd4: {  	[tilespmem:s11+$0x10A80] =	vst v24;
	v48 =	vmul.f32 $8.000000000e+00, v42;
	v27 =	vld.idx.msk [tilespmem:v44+s17+$0x0], $0xffff  }
0xd5: {  	v8 =	vld.idx.msk [tilespmem:v8+s17+$0x0], $0xffff;
	[tilespmem:s3+$0x10A00] =	vst v21;
	v50 =	vmul.f32 $8.000000000e+00, v45  }
0xd6: {  	v16 =	vmul.f32 $8.000000000e+00, v16;
	[tilespmem:s13+$0x10B00] =	vst v48;
	v51 =	vld.idx.msk [tilespmem:v47+s17+$0x0], $0xffff  }
0xd7: {  	v52 =	vor.u32 $0x6, v6;
	v2 =	vld.idx.msk [tilespmem:v2+s17+$0x0], $0xffff;
	v18 =	vmul.f32 $8.000000000e+00, v18;
	[tilespmem:s8+$0x10A00] =	vst v50  }
0xd8: {  	[tilespmem:s14+$0x10A00] =	vst v16;
	v53 =	vmul.f32 $8.000000000e+00, v23;
	v54 =	vld.idx.msk [tilespmem:v49+s17+$0x0], $0xffff  }
0xd9: {  	v56 =	vor.u32 $0x6, v10;
	v11 =	vld.idx.msk [tilespmem:v11+s17+$0x0], $0xffff;
	v55 =	vmul.f32 $8.000000000e+00, v27;
	[tilespmem:s6+$0x10A00] =	vst v18  }
0xda: {  	v8 =	vmul.f32 $8.000000000e+00, v8;
	v14 =	vld.idx.msk [tilespmem:v14+s17+$0x0], $0xffff;
	[tilespmem:s7+$0x10A00] =	vst v53  }
0xdb: {  	v57 =	vor.u32 $0x6, v17;
	[tilespmem:s31+$0x10A80] =	vst v55;
	v16 =	vmul.f32 $8.000000000e+00, v51;
	v21 =	vld.idx.msk [tilespmem:v28+s17+$0x0], $0xffff  }
0xdc: {  	[tilespmem:s10+$0x10B00] =	vst v8;
	v2 =	vmul.f32 $8.000000000e+00, v2;
	v8 =	vld.idx.msk [tilespmem:v52+s17+$0x0], $0xffff  }
0xdd: {  	v3 =	vld.idx.msk [tilespmem:v3+s17+$0x0], $0xffff;
	[tilespmem:s3+$0x10A80] =	vst v16;
	v58 =	vmul.f32 $8.000000000e+00, v54  }
0xde: {  	[tilespmem:s13+$0x10B80] =	vst v2;
	v2 =	vmul.f32 $8.000000000e+00, v11;
	v59 =	vld.idx.msk [tilespmem:v56+s17+$0x0], $0xffff  }
0xdf: {  	v6 =	vor.u32 $0x7, v6;
	v7 =	vld.idx.msk [tilespmem:v7+s17+$0x0], $0xffff;
	v14 =	vmul.f32 $8.000000000e+00, v14;
	[tilespmem:s8+$0x10A80] =	vst v58  }
0xe0: {  	[tilespmem:s14+$0x10A80] =	vst v2;
	v60 =	vmul.f32 $8.000000000e+00, v21;
	v2 =	vld.idx.msk [tilespmem:v57+s17+$0x0], $0xffff  }
0xe1: {  	v12 =	vld.idx.msk [tilespmem:v12+s17+$0x0], $0xffff;
	v61 =	vor.u32 $0x7, v10;
	v8 =	vmul.f32 $8.000000000e+00, v8;
	[tilespmem:s6+$0x10A80] =	vst v14  }
0xe2: {  	v3 =	vmul.f32 $8.000000000e+00, v3;
	v13 =	vld.idx.msk [tilespmem:v13+s17+$0x0], $0xffff;
	[tilespmem:s7+$0x10A80] =	vst v60  }
0xe3: {  	v62 =	vor.u32 $0x7, v17;
	[tilespmem:s31+$0x10B00] =	vst v8;
	v8 =	vmul.f32 $8.000000000e+00, v59;
	v63 =	vld.idx.msk [tilespmem:v22+s17+$0x0], $0xffff  }
0xe4: {  	[tilespmem:s1+$0x10B80] =	vst v3;
	v3 =	vld.idx.msk [tilespmem:v6+s17+$0x0], $0xffff;
	v6 =	vmul.f32 $8.000000000e+00, v7  }
0xe5: {  	v4 =	vld.idx.msk [tilespmem:v4+s17+$0x0], $0xffff;
	[tilespmem:s3+$0x10B00] =	vst v8;
	v2 =	vmul.f32 $8.000000000e+00, v2  }
0xe6: {  	v7 =	vmul.f32 $8.000000000e+00, v12;
	[tilespmem:s11+$0x10B00] =	vst v6;
	v6 =	vld.idx.msk [tilespmem:v61+s17+$0x0], $0xffff  }
0xe7: {  	v5 =	vld.idx.msk [tilespmem:v5+s17+$0x0], $0xffff;
	[tilespmem:s8+$0x10B00] =	vst v2;
	v2 =	vmul.f32 $8.000000000e+00, v13  }
0xe8: {  	[tilespmem:s14+$0x10B00] =	vst v7;
	v8 =	vmul.f32 $8.000000000e+00, v63;
	v7 =	vld.idx.msk [tilespmem:v62+s17+$0x0], $0xffff  }
0xe9: {  	v9 =	vld.idx.msk [tilespmem:v9+s17+$0x0], $0xffff;
	v3 =	vmul.f32 $8.000000000e+00, v3;
	[tilespmem:s6+$0x10B00] =	vst v2  }
0xea: {  	v2 =	vmul.f32 $8.000000000e+00, v4;
	[tilespmem:s7+$0x10B00] =	vst v8;
	v4 =	vld.idx.msk [tilespmem:v15+s17+$0x0], $0xffff  }
0xeb: {  	[tilespmem:s31+$0x10B80] =	vst v3;
	v3 =	vmul.f32 $8.000000000e+00, v6;
	v6 =	vld.idx.msk [tilespmem:v19+s17+$0x0], $0xffff  }
0xec: {  	[tilespmem:s10+$0x10B80] =	vst v2;
	v2 =	vmul.f32 $8.000000000e+00, v5  }
0xed: {  	[tilespmem:s3+$0x10B80] =	vst v3;
	v3 =	vmul.f32 $8.000000000e+00, v7  }
0xee: {  	[tilespmem:s11+$0x10B80] =	vst v2;
	v2 =	vmul.f32 $8.000000000e+00, v9  }
0xef: {  	p0 =	seq.s32 s29, $0x31;
	[tilespmem:s8+$0x10B80] =	vst v3;
	v3 =	vmul.f32 $8.000000000e+00, v4  }
0xf0: {  	s22 =	sadd.s32 s5, s30;
	s0 =	sshll.u32 @!p0 s29, $0x9;
	[tilespmem:s14+$0x10B80] =	vst v2;
	v2 =	vmul.f32 $8.000000000e+00, v6  }
0xf1: {  	s23 =	sshll.u32 s22, $0x7;
	s31 =	sand.u32 @!p0 $0x3FFFFE00, s0;
	[tilespmem:s6+$0x10B80] =	vst v3  }
0xf2: {  	s1 =	simm.s32 @!p0 $0x80;
	s0 =	sadd.s32 @!p0 $0x200, s31;
	s3 =	simm.s32 @!p0 $0x6400;
	[tilespmem:s7+$0x10B80] =	vst v2  }
0xf3: {  	[tilespmem:s3], [sflag:$0x1] =	stream.indirect.gather @!p0 [hbm4b:s4+s1], $0x40, s0, s1, $0xb8;
	[tilespmem:$0x14800] =	vst v63  }
0xf4: {  	s0 =	sshll.u32 s22, $0xA;
	s1 =	sand.u32 $0xE00, s23  }
0xf5: {  	s0 =	sand.u32 $0xFFF8000, s0;
	s1 =	sadd.s32 s2, s1  }
0xf6: {  	s25 =	simm.s32 $0x2;
	s0 =	sadd.s32 s0, s1  }
0xf7: {  	[hbm4b:s0+s18] =	stream.strided.scatter [tilespmem:s28], [sflag:$0x5], $0x2000, s19, s18, $0x38;
	[tilespmem:$0x14800] =	vst v63  }
0xf8: {  	_ =	swait.ge [sflag:s25], $0x2000  }
0xf9: {  	[sflag:s25] =	ssyncset.done $0x0  }
0xfa: {  	s0 =	simm.s32 @!p1 $0x6;
	[sflag:s25] =	ssyncadd.s32 $0xFFFFE000  }
0xfb: {  	_ =	swait.ge @!p1 [sflag:s0], $0x2000  }
0xfc: {  	[sflag:s0] =	ssyncset.done @!p1 $0x0  }
0xfd: {  	s28 =	simm.s32 $0x8470;
	[sflag:s0] =	ssyncadd.s32 @!p1 $0xFFFFE000  }
0xfe: {  	v2 =	vld [tilespmem:s28+$0xFFFFFFD0]  }
0xff: {  	v3 =	vld [tilespmem:s28+$0xFFFFFF90];
	_ =	sdelay $0x2  }
0x100: {  	s0 =	simm.s32 $0xE448  }
0x101: {  	[tilespmem:s0+$0x0] =	vst v2  }
0x102: {  	[tilespmem:s0+$0xFFFFFFB8] =	vst v3;
	v2 =	vld [tilespmem:s28+$0xFFFFFFE0]  }
0x103: {  	s6 =	simm.s32 $0x84F0;
	v3 =	vld [tilespmem:s28+$0xFFFFFFA0]  }
0x104: {  	v4 =	vld [tilespmem:s6+$0xFFFFFFD0]  }
0x105: {  	v5 =	vld [tilespmem:s6+$0xFFFFFF90];
	_ =	sdelay $0x1  }
0x106: {  	[tilespmem:s0+$0x10] =	vst v2  }
0x107: {  	s3 =	simm.s32 $0xE4D8;
	[tilespmem:s0+$0xFFFFFFC8] =	vst v3;
	v2 =	vld [tilespmem:s28+$0xFFFFFFF0]  }
0x108: {  	[tilespmem:s3+$0x0] =	vst v4;
	v3 =	vld [tilespmem:s28+$0xFFFFFFB0]  }
0x109: {  	[tilespmem:s3+$0xFFFFFFB8] =	vst v5;
	v4 =	vld [tilespmem:s6+$0xFFFFFFE0]  }
0x10a: {  	s8 =	simm.s32 $0x8570;
	v5 =	vld [tilespmem:s6+$0xFFFFFFA0]  }
0x10b: {  	v6 =	vld [tilespmem:s8+$0xFFFFFFD0]  }
0x10c: {  	v7 =	vld [tilespmem:s8+$0xFFFFFF90];
	[tilespmem:s0+$0x20] =	vst v2  }
0x10d: {  	[tilespmem:s0+$0xFFFFFFD8] =	vst v3;
	v8 =	vld [tilespmem:s28+$0x0]  }
0x10e: {  	[tilespmem:s3+$0x10] =	vst v4;
	v2 =	vld [tilespmem:s28+$0xFFFFFFC0]  }
0x10f: {  	s7 =	simm.s32 $0xE568;
	[tilespmem:s3+$0xFFFFFFC8] =	vst v5;
	v3 =	vld [tilespmem:s6+$0xFFFFFFF0]  }
0x110: {  	[tilespmem:s7+$0x0] =	vst v6;
	v4 =	vld [tilespmem:s6+$0xFFFFFFB0]  }
0x111: {  	s9 =	simm.s32 $0x2;
	s12 =	simm.s32 $0x85F0;
	[tilespmem:s7+$0xFFFFFFB8] =	vst v7;
	v6 =	vld [tilespmem:s8+$0xFFFFFFE0]  }
0x112: {  	s10 =	simm.s32 $0x0;
	s11 =	simm.s32 $0x4;
	s1 =	sor.u32 $0x1, s30;
	v5 =	vld [tilespmem:s8+$0xFFFFFFA0];
	[tilespmem:s0+$0x30] =	vst v8  }
.LBB2_7:
0x113: {  	v7 =	vld [tilespmem:s12+$0xFFFFFFD0];
	s11 =	sadd.s32 $0x2, s11;
	[tilespmem:s0+$0xFFFFFFE8] =	vst v2;
	s0 =	smov.u32 s3;
	s3 =	smov.u32 s7  }
0x114: {  	v8 =	vld [tilespmem:s12+$0xFFFFFF90];
	p1 =	slt.u32 s11, $0x7E;
	[tilespmem:s0+$0x20] =	vst v3  }
0x115: {  	[tilespmem:s0+$0xFFFFFFD8] =	vst v4;
	v9 =	vld [tilespmem:s6+$0x0]  }
.Ltmp2:
0x116: {  	[tilespmem:s7+$0x10] =	vst v6;
	v2 =	vld [tilespmem:s6+$0xFFFFFFC0];
	s6 =	smov.u32 s8;
	s8 =	smov.u32 s12;
	(pc) =	sbr.rel @p1 .LBB2_7-.Ltmp2, $4  }
0x117: {  	s7 =	sadd.s32 $0x90, s7;
	[tilespmem:s3+$0xFFFFFFC8] =	vst v5;
	v3 =	vld [tilespmem:s6+$0xFFFFFFF0]  }
0x118: {  	[tilespmem:s7+$0x0] =	vst v7;
	v4 =	vld [tilespmem:s6+$0xFFFFFFB0]  }
0x119: {  	[tilespmem:s7+$0xFFFFFFB8] =	vst v8;
	v6 =	vld [tilespmem:s12+$0xFFFFFFE0]  }
0x11a: {  	s12 =	sadd.s32 $0x80, s12;
	v5 =	vld [tilespmem:s8+$0xFFFFFFA0];
	[tilespmem:s0+$0x30] =	vst v9  }
0x11b: {  	_ =	sdelay $0x2  }
0x11c: {  	[tilespmem:s7+$0x10] =	vst v6  }
0x11d: {  	s11 =	simm.s32 $0x0;
	s10 =	sand.u32 $0x6, s10;
	[tilespmem:s7+$0xFFFFFFC8] =	vst v5;
	v5 =	vld [tilespmem:s8+$0xFFFFFFF0]  }
0x11e: {  	s11 =	sand.u32 $0x70, s11;
	s12 =	sor.u32 $0x1, s10;
	v6 =	vld [tilespmem:s8+$0xFFFFFFB0]  }
0x11f: {  	v7 =	vmov s11;
	s13 =	sshll.u32 s12, $0x3  }
0x120: {  	[tilespmem:s3+$0x20] =	vst v3;
	v3 =	vmul.u32 $0x48, v7;
	v7 =	vmov s13  }
0x121: {  	[tilespmem:s3+$0xFFFFFFD8] =	vst v4;
	v8 =	vld [tilespmem:s6+$0x0];
	v4 =	vshrl.u32 v7, $0x3  }
0x122: {  	s25 =	sshll.u32 s10, $0x3;
	v7 =	vld [tilespmem:s6+$0xFFFFFFC0];
	v3 =	vbroadcast v3, $0x0;
	v4 =	vshll.u32 v4, v1;
	[tilespmem:s7+$0x20] =	vst v5  }
0x123: {  	v4 =	vbroadcast v4, $0x0;
	[tilespmem:s7+$0xFFFFFFD8] =	vst v6;
	v5 =	vld [tilespmem:s8+$0x0];
	v6 =	vmov s25  }
0x124: {  	v3 =	vadd.s32 v0, v3;
	v9 =	vld [tilespmem:s8+$0xFFFFFFC0];
	v6 =	vshrl.u32 v6, $0x3  }
0x125: {  	[tilespmem:s0+$0xFFFFFFE8] =	vst v2;
	v4 =	vadd.s32 v3, v4;
	v2 =	vshll.u32 v6, v1  }
0x126: {  	[tilespmem:s3+$0x30] =	vst v8;
	v2 =	vbroadcast v2, $0x0  }
0x127: {  	[tilespmem:s3+$0xFFFFFFE8] =	vst v7  }
0x128: {  	[tilespmem:s7+$0x30] =	vst v5;
	v3 =	vadd.s32 v2, v3  }
0x129: {  	[tilespmem:s7+$0xFFFFFFE8] =	vst v9  }
0x12a: {  	v2 =	vld.idx.msk [tilespmem:v4+s17+$0x0], $0xffff  }
0x12b: {  	s8 =	sand.u32 $0x6, s9;
	s7 =	simm.s32 $0x4  }
0x12c: {  	s13 =	sor.u32 $0x1, s8;
	s0 =	sand.u32 $0x70, s7  }
0x12d: {  	v7 =	vor.u32 $0x1, v4;
	s14 =	sshll.u32 s13, $0x3;
	v6 =	vmov s0;
	v5 =	vld.idx.msk [tilespmem:v3+s17+$0x0], $0xffff  }
0x12e: {  	v8 =	vmov s14;
	v6 =	vmul.u32 $0x48, v6  }
0x12f: {  	s15 =	sshll.u32 s12, $0xA;
	v8 =	vshrl.u32 v8, $0x3;
	v2 =	vmul.f32 $8.000000000e+00, v2  }
0x130: {  	s6 =	sor.u32 s11, s15;
	s9 =	sshll.u32 s8, $0x3;
	v10 =	vor.u32 $0x1, v3;
	v8 =	vshll.u32 v8, v1;
	v6 =	vbroadcast v6, $0x0  }
0x131: {  	v9 =	vmov s9;
	[tilespmem:s6+$0x12800] =	vst v2;
	v2 =	vbroadcast v8, $0x0  }
0x132: {  	s16 =	sshll.u32 s10, $0xA;
	v6 =	vadd.s32 v0, v6;
	v8 =	vshrl.u32 v9, $0x3;
	v5 =	vmul.f32 $8.000000000e+00, v5;
	v7 =	vld.idx.msk [tilespmem:v7+s17+$0x0], $0xffff  }
0x133: {  	s10 =	sor.u32 s11, s16;
	v8 =	vshll.u32 v8, v1;
	v9 =	vadd.s32 v6, v2  }
0x134: {  	v2 =	vbroadcast v8, $0x0;
	[tilespmem:s10+$0x12800] =	vst v5  }
0x135: {  	v8 =	vor.u32 $0x2, v4;
	v5 =	vld.idx.msk [tilespmem:v10+s17+$0x0], $0xffff  }
0x136: {  	v6 =	vadd.s32 v2, v6  }
0x137: {  	v2 =	vmul.f32 $8.000000000e+00, v7  }
0x138: {  	v10 =	vld.idx.msk [tilespmem:v9+s17+$0x0], $0xffff  }
0x139: {  	s20 =	simm.s32 $0x4;
	v7 =	vor.u32 $0x2, v3;
	[tilespmem:s6+$0x12880] =	vst v2  }
0x13a: {  	s21 =	simm.s32 $0x8;
	s22 =	sand.u32 $0x6, s20;
	v2 =	vmul.f32 $8.000000000e+00, v5;
	v5 =	vld.idx.msk [tilespmem:v8+s17+$0x0], $0xffff  }
0x13b: {  	s23 =	sand.u32 $0x70, s21;
	s25 =	sor.u32 $0x1, s22;
	v12 =	vor.u32 $0x1, v9;
	v8 =	vld.idx.msk [tilespmem:v6+s17+$0x0], $0xffff  }
0x13c: {  	v11 =	vmov s23;
	v14 =	vor.u32 $0x3, v4;
	s14 =	sshll.u32 s25, $0x3  }
0x13d: {  	s15 =	sshll.u32 s22, $0x3;
	s7 =	sshll.u32 s13, $0xA;
	[tilespmem:s10+$0x12880] =	vst v2;
	v2 =	vmul.u32 $0x48, v11;
	v11 =	vmov s14;
	v10 =	vmul.f32 $8.000000000e+00, v10  }
0x13e: {  	v15 =	vmov s15;
	s7 =	sor.u32 s0, s7;
	v16 =	vor.u32 $0x1, v6;
	v7 =	vld.idx.msk [tilespmem:v7+s17+$0x0], $0xffff;
	v11 =	vshrl.u32 v11, $0x3  }
0x13f: {  	v2 =	vbroadcast v2, $0x0;
	v11 =	vshll.u32 v11, v1;
	[tilespmem:s7+$0x12800] =	vst v10;
	v5 =	vmul.f32 $8.000000000e+00, v5  }
0x140: {  	s8 =	sshll.u32 s8, $0xA;
	v10 =	vbroadcast v11, $0x0;
	v11 =	vshrl.u32 v15, $0x3;
	v8 =	vmul.f32 $8.000000000e+00, v8;
	v12 =	vld.idx.msk [tilespmem:v12+s17+$0x0], $0xffff  }
0x141: {  	v13 =	vor.u32 $0x3, v3;
	s0 =	sor.u32 s0, s8;
	v2 =	vadd.s32 v0, v2;
	v11 =	vshll.u32 v11, v1;
	[tilespmem:s6+$0x12900] =	vst v5  }
0x142: {  	v15 =	vadd.s32 v2, v10;
	v5 =	vbroadcast v11, $0x0;
	[tilespmem:s0+$0x12800] =	vst v8;
	v8 =	vld.idx.msk [tilespmem:v14+s17+$0x0], $0xffff  }
0x143: {  	v11 =	vor.u32 $0x2, v9;
	v7 =	vmul.f32 $8.000000000e+00, v7;
	v10 =	vld.idx.msk [tilespmem:v16+s17+$0x0], $0xffff  }
0x144: {  	v5 =	vadd.s32 v5, v2  }
0x145: {  	[tilespmem:s10+$0x12900] =	vst v7;
	v7 =	vmul.f32 $8.000000000e+00, v12;
	v12 =	vor.u32 $0x4, v4  }
0x146: {  	s16 =	simm.s32 $0x6;
	v2 =	vld.idx.msk [tilespmem:v13+s17+$0x0], $0xffff;
	v13 =	vor.u32 $0x2, v6  }
0x147: {  	s12 =	sand.u32 $0x6, s16;
	v14 =	vld.idx.msk [tilespmem:v15+s17+$0x0], $0xffff;
	[tilespmem:s7+$0x12880] =	vst v7;
	v7 =	vmul.f32 $8.000000000e+00, v8  }
0x148: {  	s20 =	simm.s32 $0xC;
	s15 =	sshll.u32 s12, $0x3;
	v10 =	vmul.f32 $8.000000000e+00, v10;
	v11 =	vld.idx.msk [tilespmem:v11+s17+$0x0], $0xffff  }
0x149: {  	v22 =	vmov s15;
	s8 =	sand.u32 $0x70, s20;
	v21 =	vor.u32 $0x3, v9;
	s14 =	sor.u32 $0x1, s12;
	v8 =	vor.u32 $0x4, v3;
	v17 =	vld.idx.msk [tilespmem:v5+s17+$0x0], $0xffff;
	[tilespmem:s6+$0x12980] =	vst v7  }
0x14a: {  	v18 =	vor.u32 $0x3, v6;
	s21 =	sshll.u32 s14, $0x3;
	v19 =	vor.u32 $0x1, v15;
	v7 =	vmov s8;
	[tilespmem:s0+$0x12880] =	vst v10;
	v10 =	vld.idx.msk [tilespmem:v12+s17+$0x0], $0xffff  }
0x14b: {  	v2 =	vmul.f32 $8.000000000e+00, v2;
	v7 =	vmul.u32 $0x48, v7;
	v12 =	vld.idx.msk [tilespmem:v13+s17+$0x0], $0xffff;
	v13 =	vmov s21  }
0x14c: {  	s11 =	sshll.u32 s25, $0xA;
	v20 =	vor.u32 $0x1, v5;
	v14 =	vmul.f32 $8.000000000e+00, v14;
	v13 =	vshrl.u32 v13, $0x3  }
0x14d: {  	s13 =	sor.u32 s23, s11;
	v7 =	vbroadcast v7, $0x0;
	v13 =	vshll.u32 v13, v1;
	[tilespmem:s10+$0x12980] =	vst v2;
	v2 =	vshrl.u32 v22, $0x3  }
0x14e: {  	[tilespmem:s13+$0x12800] =	vst v14;
	v11 =	vmul.f32 $8.000000000e+00, v11;
	v14 =	vor.u32 $0x5, v4;
	v13 =	vbroadcast v13, $0x0;
	v8 =	vld.idx.msk [tilespmem:v8+s17+$0x0], $0xffff  }
0x14f: {  	s9 =	sshll.u32 s22, $0xA;
	v17 =	vmul.f32 $8.000000000e+00, v17;
	v2 =	vshll.u32 v2, v1;
	v22 =	vld.idx.msk [tilespmem:v19+s17+$0x0], $0xffff;
	v7 =	vadd.s32 v0, v7  }
0x150: {  	s11 =	sor.u32 s23, s9;
	v19 =	vbroadcast v2, $0x0;
	[tilespmem:s7+$0x12900] =	vst v11;
	v11 =	vmul.f32 $8.000000000e+00, v10;
	v2 =	vadd.s32 v7, v13  }
0x151: {  	v16 =	vor.u32 $0x5, v3;
	[tilespmem:s11+$0x12800] =	vst v17;
	v12 =	vmul.f32 $8.000000000e+00, v12;
	v13 =	vld.idx.msk [tilespmem:v21+s17+$0x0], $0xffff  }
0x152: {  	v25 =	vor.u32 $0x5, v6;
	v10 =	vor.u32 $0x6, v3;
	v20 =	vld.idx.msk [tilespmem:v20+s17+$0x0], $0xffff;
	[tilespmem:s6+$0x12A00] =	vst v11;
	v11 =	vor.u32 $0x2, v15  }
0x153: {  	v17 =	vor.u32 $0x7, v3;
	v26 =	vadd.s32 v19, v7;
	[tilespmem:s0+$0x12900] =	vst v12;
	v7 =	vld.idx.msk [tilespmem:v14+s17+$0x0], $0xffff;
	v8 =	vmul.f32 $8.000000000e+00, v8  }
0x154: {  	v3 =	vor.u32 $0x7, v6;
	v12 =	vld.idx.msk [tilespmem:v18+s17+$0x0], $0xffff;
	v18 =	vor.u32 $0x4, v9;
	v14 =	vmul.f32 $8.000000000e+00, v22  }
0x155: {  	v21 =	vor.u32 $0x4, v6;
	v19 =	vor.u32 $0x6, v6;
	v6 =	vor.u32 $0x2, v5;
	v23 =	vld.idx.msk [tilespmem:v2+s17+$0x0], $0xffff;
	[tilespmem:s10+$0x12A00] =	vst v8  }
0x156: {  	v24 =	vor.u32 $0x6, v4;
	s22 =	simm.s32 $0x8;
	v52 =	vor.u32 $0x7, v9;
	[tilespmem:s13+$0x12880] =	vst v14;
	v14 =	vmul.f32 $8.000000000e+00, v13;
	v16 =	vld.idx.msk [tilespmem:v16+s17+$0x0], $0xffff  }
0x157: {  	s23 =	simm.s32 $0x10;
	s9 =	sand.u32 $0x6, s22;
	v33 =	vor.u32 $0x4, v15;
	v30 =	vor.u32 $0x1, v2;
	v20 =	vmul.f32 $8.000000000e+00, v20;
	v11 =	vld.idx.msk [tilespmem:v11+s17+$0x0], $0xffff  }
0x158: {  	s3 =	sand.u32 $0x70, s23;
	s25 =	sor.u32 $0x1, s9;
	s16 =	sshll.u32 s9, $0x3;
	v28 =	vor.u32 $0x1, v26;
	v22 =	vor.u32 $0x3, v5;
	v29 =	vld.idx.msk [tilespmem:v26+s17+$0x0], $0xffff;
	[tilespmem:s7+$0x12980] =	vst v14;
	v7 =	vmul.f32 $8.000000000e+00, v7  }
0x159: {  	s20 =	sshll.u32 s25, $0x3;
	v14 =	vmov s3;
	[tilespmem:s11+$0x12880] =	vst v20;
	v12 =	vmul.f32 $8.000000000e+00, v12;
	v20 =	vmov s16;
	v18 =	vld.idx.msk [tilespmem:v18+s17+$0x0], $0xffff  }
0x15a: {  	s14 =	sshll.u32 s14, $0xA;
	v14 =	vmul.u32 $0x48, v14;
	v31 =	vld.idx.msk [tilespmem:v6+s17+$0x0], $0xffff;
	v6 =	vmov s20;
	[tilespmem:s6+$0x12A80] =	vst v7;
	v8 =	vmul.f32 $8.000000000e+00, v23  }
0x15b: {  	s14 =	sor.u32 s8, s14;
	v7 =	vor.u32 $0x3, v15;
	v6 =	vshrl.u32 v6, $0x3;
	[tilespmem:s0+$0x12980] =	vst v12;
	v16 =	vmul.f32 $8.000000000e+00, v16  }
0x15c: {  	v23 =	vld.idx.msk [tilespmem:v24+s17+$0x0], $0xffff;
	v14 =	vbroadcast v14, $0x0;
	v6 =	vshll.u32 v6, v1;
	v11 =	vmul.f32 $8.000000000e+00, v11;
	[tilespmem:s14+$0x12800] =	vst v8  }
0x15d: {  	v20 =	vshrl.u32 v20, $0x3;
	v12 =	vor.u32 $0x5, v9;
	v21 =	vld.idx.msk [tilespmem:v21+s17+$0x0], $0xffff;
	v6 =	vbroadcast v6, $0x0;
	[tilespmem:s10+$0x12A80] =	vst v16  }
0x15e: {  	s12 =	sshll.u32 s12, $0xA;
	v8 =	vmul.f32 $8.000000000e+00, v29;
	v24 =	vld.idx.msk [tilespmem:v30+s17+$0x0], $0xffff;
	v14 =	vadd.s32 v0, v14;
	[tilespmem:s13+$0x12900] =	vst v11;
	v11 =	vmul.f32 $8.000000000e+00, v18  }
0x15f: {  	s12 =	sor.u32 s8, s12;
	v18 =	vor.u32 $0x7, v4;
	v4 =	vshll.u32 v20, v1;
	v6 =	vadd.s32 v14, v6;
	v50 =	vld.idx.msk [tilespmem:v10+s17+$0x0], $0xffff  }
0x160: {  	v27 =	vor.u32 $0x4, v5;
	[tilespmem:s12+$0x12800] =	vst v8;
	v20 =	vmul.f32 $8.000000000e+00, v31;
	v29 =	vld.idx.msk [tilespmem:v7+s17+$0x0], $0xffff;
	v7 =	vbroadcast v4, $0x0  }
0x161: {  	v37 =	vor.u32 $0x3, v2;
	v31 =	vor.u32 $0x2, v2;
	v28 =	vld.idx.msk [tilespmem:v28+s17+$0x0], $0xffff;
	[tilespmem:s7+$0x12A00] =	vst v11;
	v11 =	vmul.f32 $8.000000000e+00, v23  }
0x162: {  	v13 =	vor.u32 $0x5, v5;
	[tilespmem:s11+$0x12900] =	vst v20;
	v21 =	vmul.f32 $8.000000000e+00, v21;
	v12 =	vld.idx.msk [tilespmem:v12+s17+$0x0], $0xffff;
	v14 =	vadd.s32 v7, v14  }
0x163: {  	v30 =	vor.u32 $0x2, v26;
	v8 =	vor.u32 $0x6, v5;
	v32 =	vld.idx.msk [tilespmem:v22+s17+$0x0], $0xffff;
	[tilespmem:s6+$0x12B00] =	vst v11;
	v11 =	vmul.f32 $8.000000000e+00, v24  }
0x164: {  	s21 =	simm.s32 $0xA;
	v4 =	vor.u32 $0x7, v5;
	v5 =	vor.u32 $0x7, v26;
	v20 =	vor.u32 $0x3, v26;
	[tilespmem:s0+$0x12A00] =	vst v21;
	v21 =	vld.idx.msk [tilespmem:v6+s17+$0x0], $0xffff  }
0x165: {  	s16 =	sand.u32 $0x6, s21;
	v23 =	vor.u32 $0x4, v26;
	v7 =	vor.u32 $0x6, v26;
	v25 =	vld.idx.msk [tilespmem:v25+s17+$0x0], $0xffff;
	[tilespmem:s14+$0x12880] =	vst v11;
	v11 =	vmul.f32 $8.000000000e+00, v29  }
0x166: {  	s22 =	simm.s32 $0x14;
	s23 =	sshll.u32 s16, $0x3;
	v24 =	vor.u32 $0x5, v26;
	v26 =	vor.u32 $0x6, v9;
	v28 =	vmul.f32 $8.000000000e+00, v28;
	v31 =	vld.idx.msk [tilespmem:v31+s17+$0x0], $0xffff  }
0x167: {  	s8 =	sand.u32 $0x70, s22;
	s21 =	sor.u32 $0x1, s16;
	v49 =	vmov s23;
	v36 =	vor.u32 $0x1, v6;
	v35 =	vld.idx.msk [tilespmem:v14+s17+$0x0], $0xffff;
	[tilespmem:s13+$0x12980] =	vst v11;
	v11 =	vmul.f32 $8.000000000e+00, v12  }
0x168: {  	s22 =	sshll.u32 s21, $0x3;
	v29 =	vor.u32 $0x1, v14;
	v12 =	vmov s8;
	[tilespmem:s12+$0x12880] =	vst v28;
	v28 =	vmul.f32 $8.000000000e+00, v32;
	v48 =	vld.idx.msk [tilespmem:v33+s17+$0x0], $0xffff  }
0x169: {  	s15 =	sshll.u32 s25, $0xA;
	v12 =	vmul.u32 $0x48, v12;
	v30 =	vld.idx.msk [tilespmem:v30+s17+$0x0], $0xffff;
	[tilespmem:s7+$0x12A80] =	vst v11;
	v11 =	vmov s22;
	v21 =	vmul.f32 $8.000000000e+00, v21  }
0x16a: {  	s15 =	sor.u32 s3, s15;
	v18 =	vld.idx.msk [tilespmem:v18+s17+$0x0], $0xffff;
	[tilespmem:s11+$0x12980] =	vst v28;
	v28 =	vor.u32 $0x5, v15;
	v25 =	vmul.f32 $8.000000000e+00, v25;
	v11 =	vshrl.u32 v11, $0x3  }
0x16b: {  	v26 =	vld.idx.msk [tilespmem:v26+s17+$0x0], $0xffff;
	v12 =	vbroadcast v12, $0x0;
	v11 =	vshll.u32 v11, v1;
	v16 =	vmul.f32 $8.000000000e+00, v31;
	[tilespmem:s15+$0x12800] =	vst v21  }
0x16c: {  	s9 =	sshll.u32 s9, $0xA;
	v27 =	vld.idx.msk [tilespmem:v27+s17+$0x0], $0xffff;
	v31 =	vshrl.u32 v49, $0x3;
	[tilespmem:s0+$0x12A80] =	vst v25;
	v10 =	vbroadcast v11, $0x0;
	v11 =	vmul.f32 $8.000000000e+00, v35  }
0x16d: {  	s3 =	sor.u32 s3, s9;
	v21 =	vld.idx.msk [tilespmem:v36+s17+$0x0], $0xffff;
	v51 =	vadd.s32 v0, v12;
	v9 =	vshll.u32 v31, v1;
	[tilespmem:s14+$0x12900] =	vst v16;
	v12 =	vmul.f32 $8.000000000e+00, v48  }
0x16e: {  	v39 =	vor.u32 $0x6, v15;
	v19 =	vld.idx.msk [tilespmem:v19+s17+$0x0], $0xffff;
	v30 =	vmul.f32 $8.000000000e+00, v30;
	v9 =	vbroadcast v9, $0x0;
	[tilespmem:s3+$0x12800] =	vst v11  }
0x16f: {  	v53 =	vor.u32 $0x2, v6;
	v33 =	vmul.f32 $8.000000000e+00, v50;
	v10 =	vadd.s32 v51, v10;
	v31 =	vld.idx.msk [tilespmem:v37+s17+$0x0], $0xffff;
	[tilespmem:s13+$0x12A00] =	vst v12  }
0x170: {  	v34 =	vor.u32 $0x2, v14;
	v29 =	vld.idx.msk [tilespmem:v29+s17+$0x0], $0xffff;
	v26 =	vmul.f32 $8.000000000e+00, v26;
	[tilespmem:s12+$0x12900] =	vst v30;
	v30 =	vadd.s32 v9, v51  }
0x171: {  	s9 =	simm.s32 $0xC;
	v22 =	vor.u32 $0x3, v14;
	v18 =	vmul.f32 $8.000000000e+00, v18;
	[tilespmem:s10+$0x12B00] =	vst v33;
	v16 =	vor.u32 $0x4, v14;
	v28 =	vld.idx.msk [tilespmem:v28+s17+$0x0], $0xffff  }
0x172: {  	s23 =	sand.u32 $0x6, s9;
	v11 =	vor.u32 $0x5, v14;
	v12 =	vor.u32 $0x6, v14;
	v27 =	vmul.f32 $8.000000000e+00, v27;
	v54 =	vld.idx.msk [tilespmem:v20+s17+$0x0], $0xffff;
	[tilespmem:s7+$0x12B00] =	vst v26  }
0x173: {  	s25 =	sshll.u32 s23, $0x3;
	s22 =	sor.u32 $0x1, s23;
	[tilespmem:s6+$0x12B80] =	vst v18;
	v9 =	vor.u32 $0x7, v14;
	v14 =	vmul.f32 $8.000000000e+00, v21;
	v26 =	vor.u32 $0x4, v2;
	v32 =	vld.idx.msk [tilespmem:v52+s17+$0x0], $0xffff  }
0x174: {  	v62 =	vor.u32 $0x7, v15;
	v57 =	vmov s25;
	s25 =	sshll.u32 s22, $0x3;
	[tilespmem:s11+$0x12A00] =	vst v27;
	v27 =	vld.idx.msk [tilespmem:v10+s17+$0x0], $0xffff;
	v31 =	vmul.f32 $8.000000000e+00, v31  }
0x175: {  	s28 =	simm.s32 $0x18;
	v59 =	vshrl.u32 v57, $0x3;
	v58 =	vmov s25;
	[tilespmem:s15+$0x12880] =	vst v14;
	v25 =	vmul.f32 $8.000000000e+00, v29;
	v56 =	vld.idx.msk [tilespmem:v30+s17+$0x0], $0xffff  }
0x176: {  	s20 =	sand.u32 $0x70, s28;
	v36 =	vor.u32 $0x6, v2;
	v40 =	vor.u32 $0x1, v10;
	v29 =	vld.idx.msk [tilespmem:v53+s17+$0x0], $0xffff;
	[tilespmem:s14+$0x12980] =	vst v31;
	v28 =	vmul.f32 $8.000000000e+00, v28  }
0x177: {  	v37 =	vor.u32 $0x2, v10;
	v38 =	vld.idx.msk [tilespmem:v13+s17+$0x0], $0xffff;
	v31 =	vmov s20;
	[tilespmem:s3+$0x12880] =	vst v25;
	v25 =	vmul.f32 $8.000000000e+00, v54  }
0x178: {  	v55 =	vor.u32 $0x1, v30;
	v26 =	vld.idx.msk [tilespmem:v26+s17+$0x0], $0xffff;
	v31 =	vmul.u32 $0x48, v31;
	[tilespmem:s13+$0x12A80] =	vst v28;
	v28 =	vmul.f32 $8.000000000e+00, v32  }
0x179: {  	s21 =	sshll.u32 s21, $0xA;
	v20 =	vor.u32 $0x3, v30;
	v34 =	vld.idx.msk [tilespmem:v34+s17+$0x0], $0xffff;
	v32 =	vshrl.u32 v58, $0x3;
	v27 =	vmul.f32 $8.000000000e+00, v27;
	[tilespmem:s12+$0x12980] =	vst v25  }
0x17a: {  	s16 =	sshll.u32 s16, $0xA;
	s6 =	sor.u32 s8, s21;
	v25 =	vor.u32 $0x3, v6;
	v39 =	vld.idx.msk [tilespmem:v39+s17+$0x0], $0xffff;
	v31 =	vbroadcast v31, $0x0;
	[tilespmem:s7+$0x12B80] =	vst v28;
	v60 =	vmul.f32 $8.000000000e+00, v56  }
0x17b: {  	v32 =	vshll.u32 v32, v1;
	v23 =	vld.idx.msk [tilespmem:v23+s17+$0x0], $0xffff;
	s7 =	sor.u32 s8, s16;
	[tilespmem:s6+$0x12800] =	vst v27;
	v27 =	vmul.f32 $8.000000000e+00, v29;
	v29 =	vor.u32 $0x5, v2  }
0x17c: {  	v18 =	vor.u32 $0x4, v30;
	v41 =	vmul.f32 $8.000000000e+00, v38;
	v32 =	vbroadcast v32, $0x0;
	v61 =	vld.idx.msk [tilespmem:v40+s17+$0x0], $0xffff;
	[tilespmem:s7+$0x12800] =	vst v60  }
0x17d: {  	v15 =	vor.u32 $0x7, v30;
	v31 =	vadd.s32 v0, v31;
	[tilespmem:s15+$0x12900] =	vst v27;
	v27 =	vmul.f32 $8.000000000e+00, v26;
	v26 =	vld.idx.msk [tilespmem:v17+s17+$0x0], $0xffff  }
0x17e: {  	v28 =	vshll.u32 v59, v1;
	[tilespmem:s11+$0x12A80] =	vst v41;
	v17 =	vadd.s32 v31, v32;
	v63 =	vmul.f32 $8.000000000e+00, v34;
	v35 =	vld.idx.msk [tilespmem:v55+s17+$0x0], $0xffff  }
0x17f: {  	v21 =	vor.u32 $0x2, v30;
	v28 =	vbroadcast v28, $0x0;
	v42 =	vld.idx.msk [tilespmem:v25+s17+$0x0], $0xffff;
	v25 =	vmul.f32 $8.000000000e+00, v39;
	[tilespmem:s14+$0x12A00] =	vst v27  }
0x180: {  	v13 =	vor.u32 $0x6, v30;
	v14 =	vor.u32 $0x5, v30;
	v41 =	vmul.f32 $8.000000000e+00, v19;
	[tilespmem:s3+$0x12900] =	vst v63;
	v33 =	vld.idx.msk [tilespmem:v29+s17+$0x0], $0xffff  }
0x181: {  	v38 =	vadd.s32 v28, v31;
	v34 =	vor.u32 $0x4, v6;
	v28 =	vmul.f32 $8.000000000e+00, v23;
	v31 =	vld.idx.msk [tilespmem:v22+s17+$0x0], $0xffff;
	[tilespmem:s13+$0x12B00] =	vst v25  }
0x182: {  	v32 =	vor.u32 $0x2, v38;
	v19 =	vor.u32 $0x7, v38;
	v29 =	vmul.f32 $8.000000000e+00, v61;
	v30 =	vld.idx.msk [tilespmem:v62+s17+$0x0], $0xffff  }
0x183: {  	s25 =	sshll.u32 s23, $0xA;
	v27 =	vor.u32 $0x1, v38;
	v23 =	vor.u32 $0x3, v38;
	v25 =	vor.u32 $0x4, v38;
	[tilespmem:s12+$0x12A00] =	vst v28;
	v39 =	vld.idx.msk [tilespmem:v17+s17+$0x0], $0xffff  }
0x184: {  	s8 =	sor.u32 s20, s25;
	v22 =	vor.u32 $0x6, v38;
	v28 =	vor.u32 $0x5, v38;
	v24 =	vld.idx.msk [tilespmem:v24+s17+$0x0], $0xffff;
	[tilespmem:s6+$0x12880] =	vst v29;
	v40 =	vmul.f32 $8.000000000e+00, v42  }
.LBB2_9:
0x185: {  	s9 =	sadd.s32 $0x2, s9;
	s28 =	sadd.s32 $0x4, s28;
	v35 =	vmul.f32 $8.000000000e+00, v35;
	v37 =	vld.idx.msk [tilespmem:v37+s17+$0x0], $0xffff;
	[tilespmem:s0+$0x12B00] =	vst v41;
	v26 =	vmul.f32 $8.000000000e+00, v26;
	v29 =	vmov v28  }
0x186: {  	v33 =	vmul.f32 $8.000000000e+00, v33;
	s16 =	sand.u32 $0x6, s9;
	s21 =	sand.u32 $0x70, s28;
	p1 =	slt.u32 s9, $0x3E;
	v28 =	vld.idx.msk [tilespmem:v38+s17+$0x0], $0xffff;
	[tilespmem:s15+$0x12980] =	vst v40  }
0x187: {  	v40 =	vor.u32 $0x1, v17;
	v31 =	vmul.f32 $8.000000000e+00, v31;
	v38 =	vmov s21;
	s23 =	sshll.u32 s16, $0x3;
	s25 =	sshll.u32 s16, $0xA;
	s16 =	sor.u32 $0x1, s16;
	[tilespmem:s7+$0x12880] =	vst v35;
	v34 =	vld.idx.msk [tilespmem:v34+s17+$0x0], $0xffff  }
0x188: {  	v30 =	vmul.f32 $8.000000000e+00, v30;
	v35 =	vmov s23;
	v38 =	vmul.u32 $0x48, v38;
	s23 =	sor.u32 s21, s25;
	s25 =	sshll.u32 s16, $0x3;
	v41 =	vld.idx.msk [tilespmem:v21+s17+$0x0], $0xffff;
	[tilespmem:s14+$0x12A80] =	vst v33;
	v21 =	vmovc v32  }
0x189: {  	v33 =	vmul.f32 $8.000000000e+00, v39;
	v39 =	vor.u32 $0x3, v10;
	v32 =	vmov s25;
	s25 =	sshll.u32 s22, $0xA;
	[tilespmem:s3+$0x12980] =	vst v31;
	v31 =	vld.idx.msk [tilespmem:v36+s17+$0x0], $0xffff;
	s22 =	smov.u32 s16  }
0x18a: {  	v35 =	vshrl.u32 v35, $0x3;
	v36 =	vbroadcast v38, $0x0;
	v32 =	vshrl.u32 v32, $0x3;
	s16 =	sor.u32 s20, s25;
	v42 =	vld.idx.msk [tilespmem:v16+s17+$0x0], $0xffff;
	[tilespmem:s13+$0x12B80] =	vst v30;
	v16 =	vmovc v18;
	v18 =	vmovc v25;
	s20 =	smov.u32 s21;
	s13 =	smov.u32 s14  }
0x18b: {  	v30 =	vmul.f32 $8.000000000e+00, v37;
	s14 =	smov.u32 s15;
	s15 =	smov.u32 s6;
	v25 =	vshll.u32 v32, v1;
	[tilespmem:s16+$0x12800] =	vst v33;
	v32 =	vor.u32 $0x5, v6;
	v43 =	vld.idx.msk [tilespmem:v8+s17+$0x0], $0xffff;
	v8 =	vmovc v7;
	s6 =	smov.u32 s16  }
0x18c: {  	v33 =	vshll.u32 v35, v1;
	v28 =	vmul.f32 $8.000000000e+00, v28;
	v7 =	vmovc v12;
	v25 =	vbroadcast v25, $0x0;
	v40 =	vld.idx.msk [tilespmem:v40+s17+$0x0], $0xffff;
	[tilespmem:s10+$0x12B80] =	vst v26;
	s10 =	smov.u32 s0;
	s0 =	smov.u32 s11;
	s11 =	smov.u32 s12  }
0x18d: {  	v36 =	vadd.s32 v0, v36;
	v34 =	vmul.f32 $8.000000000e+00, v34;
	s12 =	smov.u32 s3;
	s3 =	smov.u32 s7;
	s7 =	smov.u32 s8;
	[tilespmem:s15+$0x12900] =	vst v30;
	v30 =	vor.u32 $0x7, v2;
	v26 =	vld.idx.msk [tilespmem:v3+s17+$0x0], $0xffff;
	v2 =	vmovc v6  }
0x18e: {  	v46 =	vbroadcast v33, $0x0;
	s8 =	smov.u32 s23;
	v6 =	vmovc v10;
	v44 =	vadd.s32 v36, v25;
	[tilespmem:s7+$0x12800] =	vst v28;
	v25 =	vmul.f32 $8.000000000e+00, v41;
	v45 =	vld.idx.msk [tilespmem:v39+s17+$0x0], $0xffff  }
0x18f: {  	v24 =	vmul.f32 $8.000000000e+00, v24;
	v12 =	vmovc v13;
	v10 =	vmovc v17;
	v28 =	vmul.f32 $8.000000000e+00, v31;
	v35 =	vld.idx.msk [tilespmem:v27+s17+$0x0], $0xffff;
	[tilespmem:s14+$0x12A00] =	vst v34;
	v17 =	vmov v44  }
.Ltmp3:
0x190: {  	v13 =	vmovc v22;
	v38 =	vadd.s32 v46, v36;
	v37 =	vor.u32 $0x2, v10;
	v36 =	vmul.f32 $8.000000000e+00, v42;
	[tilespmem:s3+$0x12900] =	vst v25;
	v33 =	vld.idx.msk [tilespmem:v32+s17+$0x0], $0xffff;
	(pc) =	sbr.rel @p1 .LBB2_9-.Ltmp3, $4  }
0x191: {  	v3 =	vmovc v4;
	v27 =	vor.u32 $0x1, v38;
	v32 =	vor.u32 $0x2, v38;
	v31 =	vld.idx.msk [tilespmem:v20+s17+$0x0], $0xffff;
	[tilespmem:s13+$0x12B00] =	vst v28;
	v20 =	vmovc v23;
	v23 =	vor.u32 $0x3, v38  }
0x192: {  	v4 =	vmovc v5;
	v5 =	vmovc v9;
	v34 =	vor.u32 $0x4, v6;
	v25 =	vor.u32 $0x4, v38;
	v40 =	vmul.f32 $8.000000000e+00, v40;
	[tilespmem:s12+$0x12A00] =	vst v36;
	v30 =	vld.idx.msk [tilespmem:v30+s17+$0x0], $0xffff  }
0x193: {  	v9 =	vmovc v15;
	v15 =	vmovc v19;
	v22 =	vor.u32 $0x6, v38;
	v41 =	vmul.f32 $8.000000000e+00, v43;
	v28 =	vor.u32 $0x5, v38;
	v39 =	vld.idx.msk [tilespmem:v44+s17+$0x0], $0xffff;
	[tilespmem:s11+$0x12A80] =	vst v24  }
0x194: {  	v19 =	vor.u32 $0x7, v38;
	v36 =	vor.u32 $0x6, v2;
	[tilespmem:s6+$0x12880] =	vst v40;
	v40 =	vmul.f32 $8.000000000e+00, v45;
	v24 =	vld.idx.msk [tilespmem:v11+s17+$0x0], $0xffff;
	v11 =	vmovc v14;
	v14 =	vmovc v29  }
0x195: {  	_ =	sdelay $0x3  }
0x196: {  	v29 =	vld.idx.msk [tilespmem:v38+s17+$0x0], $0xffff;
	v56 =	vor.u32 $0x1, v17;
	_ =	sdelay $0x1  }
0x197: {  	s9 =	sshll.u32 s22, $0xA;
	v39 =	vmul.f32 $8.000000000e+00, v39  }
0x198: {  	s9 =	sor.u32 s20, s9  }
0x199: {  	[tilespmem:s9+$0x12800] =	vst v39  }
0x19a: {  	v29 =	vmul.f32 $8.000000000e+00, v29;
	v38 =	vld.idx.msk [tilespmem:v56+s17+$0x0], $0xffff;
	_ =	sdelay $0x1  }
0x19b: {  	[tilespmem:s8+$0x12800] =	vst v29  }
0x19c: {  	v57 =	vor.u32 $0x2, v17;
	v27 =	vld.idx.msk [tilespmem:v27+s17+$0x0], $0xffff;
	_ =	sdelay $0x1  }
0x19d: {  	v38 =	vmul.f32 $8.000000000e+00, v38  }
0x19e: {  	v37 =	vld.idx.msk [tilespmem:v37+s17+$0x0], $0xffff  }
0x19f: {  	v35 =	vmul.f32 $8.000000000e+00, v35;
	[tilespmem:s9+$0x12880] =	vst v38  }
0x1a0: {  	v27 =	vmul.f32 $8.000000000e+00, v27;
	v29 =	vld.idx.msk [tilespmem:v57+s17+$0x0], $0xffff  }
0x1a1: {  	v58 =	vor.u32 $0x3, v10;
	[tilespmem:s7+$0x12880] =	vst v35  }
0x1a2: {  	v21 =	vld.idx.msk [tilespmem:v21+s17+$0x0], $0xffff;
	[tilespmem:s8+$0x12880] =	vst v27  }
0x1a3: {  	v60 =	vor.u32 $0x3, v17;
	v59 =	vmul.f32 $8.000000000e+00, v37;
	v32 =	vld.idx.msk [tilespmem:v32+s17+$0x0], $0xffff;
	_ =	sdelay $0x1  }
0x1a4: {  	[tilespmem:s6+$0x12900] =	vst v59;
	v61 =	vmul.f32 $8.000000000e+00, v29  }
0x1a5: {  	[tilespmem:s0+$0x12B00] =	vst v41;
	v62 =	vld.idx.msk [tilespmem:v58+s17+$0x0], $0xffff  }
0x1a6: {  	v21 =	vmul.f32 $8.000000000e+00, v21;
	[tilespmem:s9+$0x12900] =	vst v61  }
0x1a7: {  	[tilespmem:s15+$0x12980] =	vst v40;
	v63 =	vmul.f32 $8.000000000e+00, v32;
	v37 =	vld.idx.msk [tilespmem:v60+s17+$0x0], $0xffff  }
0x1a8: {  	v33 =	vmul.f32 $8.000000000e+00, v33;
	[tilespmem:s7+$0x12900] =	vst v21;
	v38 =	vor.u32 $0x4, v10  }
0x1a9: {  	v26 =	vmul.f32 $8.000000000e+00, v26;
	v20 =	vld.idx.msk [tilespmem:v20+s17+$0x0], $0xffff;
	[tilespmem:s8+$0x12900] =	vst v63  }
0x1aa: {  	v40 =	vor.u32 $0x4, v17;
	[tilespmem:s14+$0x12A80] =	vst v33;
	v39 =	vmul.f32 $8.000000000e+00, v62;
	v23 =	vld.idx.msk [tilespmem:v23+s17+$0x0], $0xffff  }
0x1ab: {  	v31 =	vmul.f32 $8.000000000e+00, v31;
	v41 =	vld.idx.msk [tilespmem:v34+s17+$0x0], $0xffff;
	[tilespmem:s10+$0x12B80] =	vst v26  }
0x1ac: {  	[tilespmem:s6+$0x12980] =	vst v39;
	v43 =	vmul.f32 $8.000000000e+00, v37  }
0x1ad: {  	v30 =	vmul.f32 $8.000000000e+00, v30;
	[tilespmem:s3+$0x12980] =	vst v31;
	v21 =	vld.idx.msk [tilespmem:v38+s17+$0x0], $0xffff  }
0x1ae: {  	v44 =	vor.u32 $0x5, v6;
	v42 =	vld.idx.msk [tilespmem:v36+s17+$0x0], $0xffff;
	v20 =	vmul.f32 $8.000000000e+00, v20;
	[tilespmem:s9+$0x12980] =	vst v43  }
0x1af: {  	[tilespmem:s13+$0x12B80] =	vst v30;
	v23 =	vmul.f32 $8.000000000e+00, v23;
	v45 =	vld.idx.msk [tilespmem:v40+s17+$0x0], $0xffff  }
0x1b0: {  	v47 =	vor.u32 $0x5, v10;
	v16 =	vld.idx.msk [tilespmem:v16+s17+$0x0], $0xffff;
	v46 =	vmul.f32 $8.000000000e+00, v41;
	[tilespmem:s7+$0x12980] =	vst v20  }
0x1b1: {  	v2 =	vor.u32 $0x7, v2;
	v24 =	vmul.f32 $8.000000000e+00, v24;
	v18 =	vld.idx.msk [tilespmem:v18+s17+$0x0], $0xffff;
	[tilespmem:s8+$0x12980] =	vst v23  }
0x1b2: {  	v49 =	vor.u32 $0x5, v17;
	[tilespmem:s15+$0x12A00] =	vst v46;
	v21 =	vmul.f32 $8.000000000e+00, v21;
	v23 =	vld.idx.msk [tilespmem:v25+s17+$0x0], $0xffff  }
0x1b3: {  	[tilespmem:s12+$0x12A80] =	vst v24;
	v48 =	vmul.f32 $8.000000000e+00, v42;
	v27 =	vld.idx.msk [tilespmem:v44+s17+$0x0], $0xffff  }
0x1b4: {  	v8 =	vld.idx.msk [tilespmem:v8+s17+$0x0], $0xffff;
	[tilespmem:s6+$0x12A00] =	vst v21;
	v50 =	vmul.f32 $8.000000000e+00, v45  }
0x1b5: {  	v16 =	vmul.f32 $8.000000000e+00, v16;
	[tilespmem:s14+$0x12B00] =	vst v48;
	v51 =	vld.idx.msk [tilespmem:v47+s17+$0x0], $0xffff  }
0x1b6: {  	v52 =	vor.u32 $0x6, v6;
	v2 =	vld.idx.msk [tilespmem:v2+s17+$0x0], $0xffff;
	v18 =	vmul.f32 $8.000000000e+00, v18;
	[tilespmem:s9+$0x12A00] =	vst v50  }
0x1b7: {  	[tilespmem:s3+$0x12A00] =	vst v16;
	v53 =	vmul.f32 $8.000000000e+00, v23;
	v54 =	vld.idx.msk [tilespmem:v49+s17+$0x0], $0xffff  }
0x1b8: {  	v56 =	vor.u32 $0x6, v10;
	v11 =	vld.idx.msk [tilespmem:v11+s17+$0x0], $0xffff;
	v55 =	vmul.f32 $8.000000000e+00, v27;
	[tilespmem:s7+$0x12A00] =	vst v18  }
0x1b9: {  	v8 =	vmul.f32 $8.000000000e+00, v8;
	v14 =	vld.idx.msk [tilespmem:v14+s17+$0x0], $0xffff;
	[tilespmem:s8+$0x12A00] =	vst v53  }
0x1ba: {  	v57 =	vor.u32 $0x6, v17;
	[tilespmem:s15+$0x12A80] =	vst v55;
	v16 =	vmul.f32 $8.000000000e+00, v51;
	v21 =	vld.idx.msk [tilespmem:v28+s17+$0x0], $0xffff  }
0x1bb: {  	[tilespmem:s11+$0x12B00] =	vst v8;
	v2 =	vmul.f32 $8.000000000e+00, v2;
	v8 =	vld.idx.msk [tilespmem:v52+s17+$0x0], $0xffff  }
0x1bc: {  	v3 =	vld.idx.msk [tilespmem:v3+s17+$0x0], $0xffff;
	[tilespmem:s6+$0x12A80] =	vst v16;
	v58 =	vmul.f32 $8.000000000e+00, v54  }
0x1bd: {  	[tilespmem:s14+$0x12B80] =	vst v2;
	v2 =	vmul.f32 $8.000000000e+00, v11;
	v59 =	vld.idx.msk [tilespmem:v56+s17+$0x0], $0xffff  }
0x1be: {  	v6 =	vor.u32 $0x7, v6;
	v7 =	vld.idx.msk [tilespmem:v7+s17+$0x0], $0xffff;
	v14 =	vmul.f32 $8.000000000e+00, v14;
	[tilespmem:s9+$0x12A80] =	vst v58  }
0x1bf: {  	[tilespmem:s3+$0x12A80] =	vst v2;
	v60 =	vmul.f32 $8.000000000e+00, v21;
	v2 =	vld.idx.msk [tilespmem:v57+s17+$0x0], $0xffff  }
0x1c0: {  	v12 =	vld.idx.msk [tilespmem:v12+s17+$0x0], $0xffff;
	v61 =	vor.u32 $0x7, v10;
	v8 =	vmul.f32 $8.000000000e+00, v8;
	[tilespmem:s7+$0x12A80] =	vst v14  }
0x1c1: {  	v3 =	vmul.f32 $8.000000000e+00, v3;
	v13 =	vld.idx.msk [tilespmem:v13+s17+$0x0], $0xffff;
	[tilespmem:s8+$0x12A80] =	vst v60  }
0x1c2: {  	v62 =	vor.u32 $0x7, v17;
	[tilespmem:s15+$0x12B00] =	vst v8;
	v8 =	vmul.f32 $8.000000000e+00, v59;
	v63 =	vld.idx.msk [tilespmem:v22+s17+$0x0], $0xffff  }
0x1c3: {  	[tilespmem:s0+$0x12B80] =	vst v3;
	v3 =	vld.idx.msk [tilespmem:v6+s17+$0x0], $0xffff;
	v6 =	vmul.f32 $8.000000000e+00, v7  }
0x1c4: {  	v4 =	vld.idx.msk [tilespmem:v4+s17+$0x0], $0xffff;
	[tilespmem:s6+$0x12B00] =	vst v8;
	v2 =	vmul.f32 $8.000000000e+00, v2  }
0x1c5: {  	v7 =	vmul.f32 $8.000000000e+00, v12;
	[tilespmem:s12+$0x12B00] =	vst v6;
	v6 =	vld.idx.msk [tilespmem:v61+s17+$0x0], $0xffff  }
0x1c6: {  	v5 =	vld.idx.msk [tilespmem:v5+s17+$0x0], $0xffff;
	[tilespmem:s9+$0x12B00] =	vst v2;
	v2 =	vmul.f32 $8.000000000e+00, v13  }
0x1c7: {  	[tilespmem:s3+$0x12B00] =	vst v7;
	v8 =	vmul.f32 $8.000000000e+00, v63;
	v7 =	vld.idx.msk [tilespmem:v62+s17+$0x0], $0xffff  }
0x1c8: {  	v9 =	vld.idx.msk [tilespmem:v9+s17+$0x0], $0xffff;
	v3 =	vmul.f32 $8.000000000e+00, v3;
	[tilespmem:s7+$0x12B00] =	vst v2  }
0x1c9: {  	v2 =	vmul.f32 $8.000000000e+00, v4;
	[tilespmem:s8+$0x12B00] =	vst v8;
	v4 =	vld.idx.msk [tilespmem:v15+s17+$0x0], $0xffff  }
0x1ca: {  	[tilespmem:s15+$0x12B80] =	vst v3;
	v3 =	vmul.f32 $8.000000000e+00, v6;
	v6 =	vld.idx.msk [tilespmem:v19+s17+$0x0], $0xffff  }
0x1cb: {  	[tilespmem:s11+$0x12B80] =	vst v2;
	v2 =	vmul.f32 $8.000000000e+00, v5  }
0x1cc: {  	[tilespmem:s6+$0x12B80] =	vst v3;
	v3 =	vmul.f32 $8.000000000e+00, v7  }
0x1cd: {  	[tilespmem:s12+$0x12B80] =	vst v2;
	v2 =	vmul.f32 $8.000000000e+00, v9  }
0x1ce: {  	[tilespmem:s9+$0x12B80] =	vst v3;
	v3 =	vmul.f32 $8.000000000e+00, v4  }
0x1cf: {  	s22 =	sadd.s32 s5, s1;
	[tilespmem:s3+$0x12B80] =	vst v2;
	v2 =	vmul.f32 $8.000000000e+00, v6  }
0x1d0: {  	s1 =	sshll.u32 s22, $0x7;
	[tilespmem:s7+$0x12B80] =	vst v3  }
0x1d1: {  	s0 =	sadd.s32 @!p0 $0x280, s31;
	s6 =	simm.s32 @!p0 $0x8400;
	s3 =	simm.s32 @!p0 $0x80;
	[tilespmem:s8+$0x12B80] =	vst v2  }
0x1d2: {  	[tilespmem:s6], [sflag:$0x2] =	stream.indirect.gather @!p0 [hbm4b:s4+s3], $0x40, s0, s3, $0xb8;
	[tilespmem:$0x14800] =	vst v63  }
0x1d3: {  	s1 =	sand.u32 $0xE80, s1;
	s0 =	sshll.u32 s22, $0xA  }
0x1d4: {  	s1 =	sadd.s32 s2, s1;
	s0 =	sand.u32 $0xFFF8000, s0  }
0x1d5: {  	s23 =	simm.s32 $0x12800;
	s25 =	simm.s32 $0x3;
	s0 =	sadd.s32 s0, s1  }
0x1d6: {  	[hbm4b:s0+s18] =	stream.strided.scatter [tilespmem:s23], [sflag:$0x6], $0x2000, s19, s18, $0x38;
	[tilespmem:$0x14800] =	vst v63  }
0x1d7: {  	_ =	swait.ge [sflag:s25], $0x2000  }
0x1d8: {  	[sflag:s25] =	ssyncset.done $0x0  }
0x1d9: {  	[sflag:s25] =	ssyncadd.s32 $0xFFFFE000  }
0x1da: {  	_ =	swait.ge [sflag:s24], $0x2000  }
0x1db: {  	[sflag:s24] =	ssyncset.done $0x0  }
0x1dc: {  	s28 =	simm.s32 $0xA470;
	[sflag:s24] =	ssyncadd.s32 $0xFFFFE000  }
0x1dd: {  	v2 =	vld [tilespmem:s28+$0xFFFFFFD0]  }
0x1de: {  	v3 =	vld [tilespmem:s28+$0xFFFFFF90];
	_ =	sdelay $0x2  }
0x1df: {  	s0 =	simm.s32 $0xE448  }
0x1e0: {  	[tilespmem:s0+$0x0] =	vst v2  }
0x1e1: {  	[tilespmem:s0+$0xFFFFFFB8] =	vst v3;
	v2 =	vld [tilespmem:s28+$0xFFFFFFE0]  }
0x1e2: {  	s3 =	simm.s32 $0xA4F0;
	v3 =	vld [tilespmem:s28+$0xFFFFFFA0]  }
0x1e3: {  	v4 =	vld [tilespmem:s3+$0xFFFFFFD0]  }
0x1e4: {  	v5 =	vld [tilespmem:s3+$0xFFFFFF90];
	_ =	sdelay $0x1  }
0x1e5: {  	[tilespmem:s0+$0x10] =	vst v2  }
0x1e6: {  	s1 =	simm.s32 $0xE4D8;
	[tilespmem:s0+$0xFFFFFFC8] =	vst v3;
	v2 =	vld [tilespmem:s28+$0xFFFFFFF0]  }
0x1e7: {  	[tilespmem:s1+$0x0] =	vst v4;
	v3 =	vld [tilespmem:s28+$0xFFFFFFB0]  }
0x1e8: {  	[tilespmem:s1+$0xFFFFFFB8] =	vst v5;
	v4 =	vld [tilespmem:s3+$0xFFFFFFE0]  }
0x1e9: {  	s7 =	simm.s32 $0xA570;
	v5 =	vld [tilespmem:s3+$0xFFFFFFA0]  }
0x1ea: {  	v6 =	vld [tilespmem:s7+$0xFFFFFFD0]  }
0x1eb: {  	v7 =	vld [tilespmem:s7+$0xFFFFFF90];
	[tilespmem:s0+$0x20] =	vst v2  }
0x1ec: {  	[tilespmem:s0+$0xFFFFFFD8] =	vst v3;
	v8 =	vld [tilespmem:s28+$0x0]  }
0x1ed: {  	[tilespmem:s1+$0x10] =	vst v4;
	v2 =	vld [tilespmem:s28+$0xFFFFFFC0]  }
0x1ee: {  	s6 =	simm.s32 $0xE568;
	[tilespmem:s1+$0xFFFFFFC8] =	vst v5;
	v3 =	vld [tilespmem:s3+$0xFFFFFFF0]  }
0x1ef: {  	[tilespmem:s6+$0x0] =	vst v6;
	v4 =	vld [tilespmem:s3+$0xFFFFFFB0]  }
0x1f0: {  	s10 =	simm.s32 $0x4;
	[tilespmem:s6+$0xFFFFFFB8] =	vst v7;
	v6 =	vld [tilespmem:s7+$0xFFFFFFE0]  }
0x1f1: {  	s11 =	simm.s32 $0xA5F0;
	s9 =	simm.s32 $0x0;
	s8 =	simm.s32 $0x2;
	v5 =	vld [tilespmem:s7+$0xFFFFFFA0];
	[tilespmem:s0+$0x30] =	vst v8  }
.LBB2_11:
0x1f2: {  	v7 =	vld [tilespmem:s11+$0xFFFFFFD0];
	s10 =	sadd.s32 $0x2, s10;
	[tilespmem:s0+$0xFFFFFFE8] =	vst v2;
	s0 =	smov.u32 s1;
	s1 =	smov.u32 s6  }
0x1f3: {  	v8 =	vld [tilespmem:s11+$0xFFFFFF90];
	p1 =	slt.u32 s10, $0x7E;
	[tilespmem:s0+$0x20] =	vst v3  }
0x1f4: {  	[tilespmem:s0+$0xFFFFFFD8] =	vst v4;
	v9 =	vld [tilespmem:s3+$0x0]  }
.Ltmp4:
0x1f5: {  	[tilespmem:s6+$0x10] =	vst v6;
	v2 =	vld [tilespmem:s3+$0xFFFFFFC0];
	s3 =	smov.u32 s7;
	s7 =	smov.u32 s11;
	(pc) =	sbr.rel @p1 .LBB2_11-.Ltmp4, $4  }
0x1f6: {  	s6 =	sadd.s32 $0x90, s6;
	[tilespmem:s1+$0xFFFFFFC8] =	vst v5;
	v3 =	vld [tilespmem:s3+$0xFFFFFFF0]  }
0x1f7: {  	[tilespmem:s6+$0x0] =	vst v7;
	v4 =	vld [tilespmem:s3+$0xFFFFFFB0]  }
0x1f8: {  	[tilespmem:s6+$0xFFFFFFB8] =	vst v8;
	v6 =	vld [tilespmem:s11+$0xFFFFFFE0]  }
0x1f9: {  	s11 =	sadd.s32 $0x80, s11;
	v5 =	vld [tilespmem:s7+$0xFFFFFFA0];
	[tilespmem:s0+$0x30] =	vst v9  }
0x1fa: {  	_ =	sdelay $0x2  }
0x1fb: {  	[tilespmem:s6+$0x10] =	vst v6  }
0x1fc: {  	s10 =	simm.s32 $0x0;
	s9 =	sand.u32 $0x6, s9;
	[tilespmem:s6+$0xFFFFFFC8] =	vst v5;
	v5 =	vld [tilespmem:s7+$0xFFFFFFF0]  }
0x1fd: {  	s10 =	sand.u32 $0x70, s10;
	s11 =	sor.u32 $0x1, s9;
	v6 =	vld [tilespmem:s7+$0xFFFFFFB0]  }
0x1fe: {  	v7 =	vmov s10;
	s12 =	sshll.u32 s11, $0x3  }
0x1ff: {  	[tilespmem:s1+$0x20] =	vst v3;
	v3 =	vmul.u32 $0x48, v7;
	v7 =	vmov s12  }
0x200: {  	[tilespmem:s1+$0xFFFFFFD8] =	vst v4;
	v8 =	vld [tilespmem:s3+$0x0];
	v4 =	vshrl.u32 v7, $0x3  }
0x201: {  	s25 =	sshll.u32 s9, $0x3;
	v7 =	vld [tilespmem:s3+$0xFFFFFFC0];
	v3 =	vbroadcast v3, $0x0;
	v4 =	vshll.u32 v4, v1;
	[tilespmem:s6+$0x20] =	vst v5  }
0x202: {  	v4 =	vbroadcast v4, $0x0;
	[tilespmem:s6+$0xFFFFFFD8] =	vst v6;
	v5 =	vld [tilespmem:s7+$0x0];
	v6 =	vmov s25  }
0x203: {  	v3 =	vadd.s32 v0, v3;
	v9 =	vld [tilespmem:s7+$0xFFFFFFC0];
	v6 =	vshrl.u32 v6, $0x3  }
0x204: {  	[tilespmem:s0+$0xFFFFFFE8] =	vst v2;
	v4 =	vadd.s32 v3, v4;
	v2 =	vshll.u32 v6, v1  }
0x205: {  	[tilespmem:s1+$0x30] =	vst v8;
	v2 =	vbroadcast v2, $0x0  }
0x206: {  	[tilespmem:s1+$0xFFFFFFE8] =	vst v7  }
0x207: {  	[tilespmem:s6+$0x30] =	vst v5;
	v3 =	vadd.s32 v2, v3  }
0x208: {  	[tilespmem:s6+$0xFFFFFFE8] =	vst v9  }
0x209: {  	v2 =	vld.idx.msk [tilespmem:v4+s17+$0x0], $0xffff  }
0x20a: {  	s13 =	sand.u32 $0x6, s8;
	s12 =	simm.s32 $0x4  }
0x20b: {  	s14 =	sor.u32 $0x1, s13;
	s0 =	sand.u32 $0x70, s12  }
0x20c: {  	s20 =	sshll.u32 s14, $0x3;
	v7 =	vor.u32 $0x1, v4;
	v6 =	vmov s0;
	v5 =	vld.idx.msk [tilespmem:v3+s17+$0x0], $0xffff  }
0x20d: {  	v8 =	vmov s20;
	v6 =	vmul.u32 $0x48, v6  }
0x20e: {  	s21 =	sshll.u32 s11, $0xA;
	v8 =	vshrl.u32 v8, $0x3;
	v2 =	vmul.f32 $8.000000000e+00, v2  }
0x20f: {  	s8 =	sshll.u32 s13, $0x3;
	v8 =	vshll.u32 v8, v1;
	v6 =	vbroadcast v6, $0x0;
	v10 =	vor.u32 $0x1, v3;
	s6 =	sor.u32 s10, s21  }
0x210: {  	v9 =	vmov s8;
	[tilespmem:s6+$0x10800] =	vst v2;
	v2 =	vbroadcast v8, $0x0  }
0x211: {  	s22 =	sshll.u32 s9, $0xA;
	v6 =	vadd.s32 v0, v6;
	v8 =	vshrl.u32 v9, $0x3;
	v5 =	vmul.f32 $8.000000000e+00, v5;
	v7 =	vld.idx.msk [tilespmem:v7+s17+$0x0], $0xffff  }
0x212: {  	s1 =	sor.u32 s10, s22;
	v8 =	vshll.u32 v8, v1;
	v9 =	vadd.s32 v6, v2  }
0x213: {  	v2 =	vbroadcast v8, $0x0;
	[tilespmem:s1+$0x10800] =	vst v5  }
0x214: {  	v8 =	vor.u32 $0x2, v4;
	v5 =	vld.idx.msk [tilespmem:v10+s17+$0x0], $0xffff  }
0x215: {  	v6 =	vadd.s32 v2, v6  }
0x216: {  	v2 =	vmul.f32 $8.000000000e+00, v7  }
0x217: {  	v10 =	vld.idx.msk [tilespmem:v9+s17+$0x0], $0xffff  }
0x218: {  	s23 =	simm.s32 $0x4;
	v7 =	vor.u32 $0x2, v3;
	[tilespmem:s6+$0x10880] =	vst v2  }
0x219: {  	s25 =	simm.s32 $0x8;
	s8 =	sand.u32 $0x6, s23;
	v2 =	vmul.f32 $8.000000000e+00, v5;
	v5 =	vld.idx.msk [tilespmem:v8+s17+$0x0], $0xffff  }
0x21a: {  	s15 =	sand.u32 $0x70, s25;
	s16 =	sor.u32 $0x1, s8;
	v12 =	vor.u32 $0x1, v9;
	v8 =	vld.idx.msk [tilespmem:v6+s17+$0x0], $0xffff  }
0x21b: {  	v14 =	vor.u32 $0x3, v4;
	v11 =	vmov s15;
	s21 =	sshll.u32 s16, $0x3  }
0x21c: {  	s7 =	sshll.u32 s14, $0xA;
	s22 =	sshll.u32 s8, $0x3;
	[tilespmem:s1+$0x10880] =	vst v2;
	v2 =	vmul.u32 $0x48, v11;
	v11 =	vmov s21;
	v10 =	vmul.f32 $8.000000000e+00, v10  }
0x21d: {  	s7 =	sor.u32 s0, s7;
	v15 =	vmov s22;
	v16 =	vor.u32 $0x1, v6;
	v7 =	vld.idx.msk [tilespmem:v7+s17+$0x0], $0xffff;
	v11 =	vshrl.u32 v11, $0x3  }
0x21e: {  	v2 =	vbroadcast v2, $0x0;
	v11 =	vshll.u32 v11, v1;
	[tilespmem:s7+$0x10800] =	vst v10;
	v5 =	vmul.f32 $8.000000000e+00, v5  }
0x21f: {  	s3 =	sshll.u32 s13, $0xA;
	v10 =	vbroadcast v11, $0x0;
	v11 =	vshrl.u32 v15, $0x3;
	v8 =	vmul.f32 $8.000000000e+00, v8;
	v12 =	vld.idx.msk [tilespmem:v12+s17+$0x0], $0xffff  }
0x220: {  	s0 =	sor.u32 s0, s3;
	v13 =	vor.u32 $0x3, v3;
	v2 =	vadd.s32 v0, v2;
	v11 =	vshll.u32 v11, v1;
	[tilespmem:s6+$0x10900] =	vst v5  }
0x221: {  	v15 =	vadd.s32 v2, v10;
	v5 =	vbroadcast v11, $0x0;
	[tilespmem:s0+$0x10800] =	vst v8;
	v8 =	vld.idx.msk [tilespmem:v14+s17+$0x0], $0xffff  }
0x222: {  	v11 =	vor.u32 $0x2, v9;
	v7 =	vmul.f32 $8.000000000e+00, v7;
	v10 =	vld.idx.msk [tilespmem:v16+s17+$0x0], $0xffff  }
0x223: {  	v5 =	vadd.s32 v5, v2  }
0x224: {  	[tilespmem:s1+$0x10900] =	vst v7;
	v7 =	vmul.f32 $8.000000000e+00, v12;
	v12 =	vor.u32 $0x4, v4  }
0x225: {  	s23 =	simm.s32 $0x6;
	v2 =	vld.idx.msk [tilespmem:v13+s17+$0x0], $0xffff;
	v13 =	vor.u32 $0x2, v6  }
0x226: {  	s3 =	sand.u32 $0x6, s23;
	v14 =	vld.idx.msk [tilespmem:v15+s17+$0x0], $0xffff;
	[tilespmem:s7+$0x10880] =	vst v7;
	v7 =	vmul.f32 $8.000000000e+00, v8  }
0x227: {  	s25 =	simm.s32 $0xC;
	s14 =	sshll.u32 s3, $0x3;
	v10 =	vmul.f32 $8.000000000e+00, v10;
	v11 =	vld.idx.msk [tilespmem:v11+s17+$0x0], $0xffff  }
0x228: {  	s20 =	sand.u32 $0x70, s25;
	s13 =	sor.u32 $0x1, s3;
	v22 =	vmov s14;
	v21 =	vor.u32 $0x3, v9;
	v8 =	vor.u32 $0x4, v3;
	v17 =	vld.idx.msk [tilespmem:v5+s17+$0x0], $0xffff;
	[tilespmem:s6+$0x10980] =	vst v7  }
0x229: {  	v18 =	vor.u32 $0x3, v6;
	s21 =	sshll.u32 s13, $0x3;
	v19 =	vor.u32 $0x1, v15;
	v7 =	vmov s20;
	[tilespmem:s0+$0x10880] =	vst v10;
	v10 =	vld.idx.msk [tilespmem:v12+s17+$0x0], $0xffff  }
0x22a: {  	v2 =	vmul.f32 $8.000000000e+00, v2;
	v7 =	vmul.u32 $0x48, v7;
	v12 =	vld.idx.msk [tilespmem:v13+s17+$0x0], $0xffff;
	v13 =	vmov s21  }
0x22b: {  	s10 =	sshll.u32 s16, $0xA;
	v20 =	vor.u32 $0x1, v5;
	v14 =	vmul.f32 $8.000000000e+00, v14;
	v13 =	vshrl.u32 v13, $0x3  }
0x22c: {  	s12 =	sor.u32 s15, s10;
	v7 =	vbroadcast v7, $0x0;
	v13 =	vshll.u32 v13, v1;
	[tilespmem:s1+$0x10980] =	vst v2;
	v2 =	vshrl.u32 v22, $0x3  }
0x22d: {  	[tilespmem:s12+$0x10800] =	vst v14;
	v11 =	vmul.f32 $8.000000000e+00, v11;
	v14 =	vor.u32 $0x5, v4;
	v13 =	vbroadcast v13, $0x0;
	v8 =	vld.idx.msk [tilespmem:v8+s17+$0x0], $0xffff  }
0x22e: {  	s9 =	sshll.u32 s8, $0xA;
	v17 =	vmul.f32 $8.000000000e+00, v17;
	v2 =	vshll.u32 v2, v1;
	v22 =	vld.idx.msk [tilespmem:v19+s17+$0x0], $0xffff;
	v7 =	vadd.s32 v0, v7  }
0x22f: {  	s10 =	sor.u32 s15, s9;
	v19 =	vbroadcast v2, $0x0;
	[tilespmem:s7+$0x10900] =	vst v11;
	v11 =	vmul.f32 $8.000000000e+00, v10;
	v2 =	vadd.s32 v7, v13  }
0x230: {  	v16 =	vor.u32 $0x5, v3;
	[tilespmem:s10+$0x10800] =	vst v17;
	v12 =	vmul.f32 $8.000000000e+00, v12;
	v13 =	vld.idx.msk [tilespmem:v21+s17+$0x0], $0xffff  }
0x231: {  	v25 =	vor.u32 $0x5, v6;
	v10 =	vor.u32 $0x6, v3;
	v20 =	vld.idx.msk [tilespmem:v20+s17+$0x0], $0xffff;
	[tilespmem:s6+$0x10A00] =	vst v11;
	v11 =	vor.u32 $0x2, v15  }
0x232: {  	v17 =	vor.u32 $0x7, v3;
	v26 =	vadd.s32 v19, v7;
	[tilespmem:s0+$0x10900] =	vst v12;
	v7 =	vld.idx.msk [tilespmem:v14+s17+$0x0], $0xffff;
	v8 =	vmul.f32 $8.000000000e+00, v8  }
0x233: {  	v3 =	vor.u32 $0x7, v6;
	v12 =	vld.idx.msk [tilespmem:v18+s17+$0x0], $0xffff;
	v18 =	vor.u32 $0x4, v9;
	v14 =	vmul.f32 $8.000000000e+00, v22  }
0x234: {  	v21 =	vor.u32 $0x4, v6;
	v19 =	vor.u32 $0x6, v6;
	v6 =	vor.u32 $0x2, v5;
	v23 =	vld.idx.msk [tilespmem:v2+s17+$0x0], $0xffff;
	[tilespmem:s1+$0x10A00] =	vst v8  }
0x235: {  	v24 =	vor.u32 $0x6, v4;
	s22 =	simm.s32 $0x8;
	v52 =	vor.u32 $0x7, v9;
	[tilespmem:s12+$0x10880] =	vst v14;
	v14 =	vmul.f32 $8.000000000e+00, v13;
	v16 =	vld.idx.msk [tilespmem:v16+s17+$0x0], $0xffff  }
0x236: {  	s23 =	simm.s32 $0x10;
	s9 =	sand.u32 $0x6, s22;
	v33 =	vor.u32 $0x4, v15;
	v30 =	vor.u32 $0x1, v2;
	v20 =	vmul.f32 $8.000000000e+00, v20;
	v11 =	vld.idx.msk [tilespmem:v11+s17+$0x0], $0xffff  }
0x237: {  	s8 =	sand.u32 $0x70, s23;
	s25 =	sor.u32 $0x1, s9;
	s15 =	sshll.u32 s9, $0x3;
	v28 =	vor.u32 $0x1, v26;
	v22 =	vor.u32 $0x3, v5;
	v29 =	vld.idx.msk [tilespmem:v26+s17+$0x0], $0xffff;
	[tilespmem:s7+$0x10980] =	vst v14;
	v7 =	vmul.f32 $8.000000000e+00, v7  }
0x238: {  	s16 =	sshll.u32 s25, $0x3;
	v14 =	vmov s8;
	[tilespmem:s10+$0x10880] =	vst v20;
	v12 =	vmul.f32 $8.000000000e+00, v12;
	v20 =	vmov s15;
	v18 =	vld.idx.msk [tilespmem:v18+s17+$0x0], $0xffff  }
0x239: {  	s13 =	sshll.u32 s13, $0xA;
	v14 =	vmul.u32 $0x48, v14;
	v31 =	vld.idx.msk [tilespmem:v6+s17+$0x0], $0xffff;
	v6 =	vmov s16;
	[tilespmem:s6+$0x10A80] =	vst v7;
	v8 =	vmul.f32 $8.000000000e+00, v23  }
0x23a: {  	s13 =	sor.u32 s20, s13;
	v7 =	vor.u32 $0x3, v15;
	v6 =	vshrl.u32 v6, $0x3;
	[tilespmem:s0+$0x10980] =	vst v12;
	v16 =	vmul.f32 $8.000000000e+00, v16  }
0x23b: {  	v23 =	vld.idx.msk [tilespmem:v24+s17+$0x0], $0xffff;
	v14 =	vbroadcast v14, $0x0;
	v6 =	vshll.u32 v6, v1;
	v11 =	vmul.f32 $8.000000000e+00, v11;
	[tilespmem:s13+$0x10800] =	vst v8  }
0x23c: {  	v20 =	vshrl.u32 v20, $0x3;
	v12 =	vor.u32 $0x5, v9;
	v21 =	vld.idx.msk [tilespmem:v21+s17+$0x0], $0xffff;
	v6 =	vbroadcast v6, $0x0;
	[tilespmem:s1+$0x10A80] =	vst v16  }
0x23d: {  	s11 =	sshll.u32 s3, $0xA;
	v8 =	vmul.f32 $8.000000000e+00, v29;
	v24 =	vld.idx.msk [tilespmem:v30+s17+$0x0], $0xffff;
	v14 =	vadd.s32 v0, v14;
	[tilespmem:s12+$0x10900] =	vst v11;
	v11 =	vmul.f32 $8.000000000e+00, v18  }
0x23e: {  	s11 =	sor.u32 s20, s11;
	v18 =	vor.u32 $0x7, v4;
	v4 =	vshll.u32 v20, v1;
	v6 =	vadd.s32 v14, v6;
	v50 =	vld.idx.msk [tilespmem:v10+s17+$0x0], $0xffff  }
0x23f: {  	v27 =	vor.u32 $0x4, v5;
	[tilespmem:s11+$0x10800] =	vst v8;
	v20 =	vmul.f32 $8.000000000e+00, v31;
	v29 =	vld.idx.msk [tilespmem:v7+s17+$0x0], $0xffff;
	v7 =	vbroadcast v4, $0x0  }
0x240: {  	v37 =	vor.u32 $0x3, v2;
	v31 =	vor.u32 $0x2, v2;
	v28 =	vld.idx.msk [tilespmem:v28+s17+$0x0], $0xffff;
	[tilespmem:s7+$0x10A00] =	vst v11;
	v11 =	vmul.f32 $8.000000000e+00, v23  }
0x241: {  	v13 =	vor.u32 $0x5, v5;
	[tilespmem:s10+$0x10900] =	vst v20;
	v21 =	vmul.f32 $8.000000000e+00, v21;
	v12 =	vld.idx.msk [tilespmem:v12+s17+$0x0], $0xffff;
	v14 =	vadd.s32 v7, v14  }
0x242: {  	v30 =	vor.u32 $0x2, v26;
	v8 =	vor.u32 $0x6, v5;
	v32 =	vld.idx.msk [tilespmem:v22+s17+$0x0], $0xffff;
	[tilespmem:s6+$0x10B00] =	vst v11;
	v11 =	vmul.f32 $8.000000000e+00, v24  }
0x243: {  	s21 =	simm.s32 $0xA;
	v4 =	vor.u32 $0x7, v5;
	v5 =	vor.u32 $0x7, v26;
	v20 =	vor.u32 $0x3, v26;
	[tilespmem:s0+$0x10A00] =	vst v21;
	v21 =	vld.idx.msk [tilespmem:v6+s17+$0x0], $0xffff  }
0x244: {  	s16 =	sand.u32 $0x6, s21;
	v23 =	vor.u32 $0x4, v26;
	v7 =	vor.u32 $0x6, v26;
	v25 =	vld.idx.msk [tilespmem:v25+s17+$0x0], $0xffff;
	[tilespmem:s13+$0x10880] =	vst v11;
	v11 =	vmul.f32 $8.000000000e+00, v29  }
0x245: {  	s22 =	simm.s32 $0x14;
	s3 =	sshll.u32 s16, $0x3;
	v24 =	vor.u32 $0x5, v26;
	v26 =	vor.u32 $0x6, v9;
	v28 =	vmul.f32 $8.000000000e+00, v28;
	v31 =	vld.idx.msk [tilespmem:v31+s17+$0x0], $0xffff  }
0x246: {  	s15 =	sand.u32 $0x70, s22;
	s21 =	sor.u32 $0x1, s16;
	v49 =	vmov s3;
	v36 =	vor.u32 $0x1, v6;
	v35 =	vld.idx.msk [tilespmem:v14+s17+$0x0], $0xffff;
	[tilespmem:s12+$0x10980] =	vst v11;
	v11 =	vmul.f32 $8.000000000e+00, v12  }
0x247: {  	s20 =	sshll.u32 s21, $0x3;
	v29 =	vor.u32 $0x1, v14;
	v12 =	vmov s15;
	[tilespmem:s11+$0x10880] =	vst v28;
	v28 =	vmul.f32 $8.000000000e+00, v32;
	v48 =	vld.idx.msk [tilespmem:v33+s17+$0x0], $0xffff  }
0x248: {  	s23 =	sshll.u32 s25, $0xA;
	v12 =	vmul.u32 $0x48, v12;
	v30 =	vld.idx.msk [tilespmem:v30+s17+$0x0], $0xffff;
	[tilespmem:s7+$0x10A80] =	vst v11;
	v11 =	vmov s20;
	v21 =	vmul.f32 $8.000000000e+00, v21  }
0x249: {  	s3 =	sor.u32 s8, s23;
	v18 =	vld.idx.msk [tilespmem:v18+s17+$0x0], $0xffff;
	[tilespmem:s10+$0x10980] =	vst v28;
	v28 =	vor.u32 $0x5, v15;
	v25 =	vmul.f32 $8.000000000e+00, v25;
	v11 =	vshrl.u32 v11, $0x3  }
0x24a: {  	v26 =	vld.idx.msk [tilespmem:v26+s17+$0x0], $0xffff;
	v12 =	vbroadcast v12, $0x0;
	v11 =	vshll.u32 v11, v1;
	v16 =	vmul.f32 $8.000000000e+00, v31;
	[tilespmem:s3+$0x10800] =	vst v21  }
0x24b: {  	s9 =	sshll.u32 s9, $0xA;
	v27 =	vld.idx.msk [tilespmem:v27+s17+$0x0], $0xffff;
	v31 =	vshrl.u32 v49, $0x3;
	[tilespmem:s0+$0x10A80] =	vst v25;
	v10 =	vbroadcast v11, $0x0;
	v11 =	vmul.f32 $8.000000000e+00, v35  }
0x24c: {  	s14 =	sor.u32 s8, s9;
	v21 =	vld.idx.msk [tilespmem:v36+s17+$0x0], $0xffff;
	v51 =	vadd.s32 v0, v12;
	v9 =	vshll.u32 v31, v1;
	[tilespmem:s13+$0x10900] =	vst v16;
	v12 =	vmul.f32 $8.000000000e+00, v48  }
0x24d: {  	v39 =	vor.u32 $0x6, v15;
	v19 =	vld.idx.msk [tilespmem:v19+s17+$0x0], $0xffff;
	v30 =	vmul.f32 $8.000000000e+00, v30;
	v9 =	vbroadcast v9, $0x0;
	[tilespmem:s14+$0x10800] =	vst v11  }
0x24e: {  	v53 =	vor.u32 $0x2, v6;
	v33 =	vmul.f32 $8.000000000e+00, v50;
	v10 =	vadd.s32 v51, v10;
	v31 =	vld.idx.msk [tilespmem:v37+s17+$0x0], $0xffff;
	[tilespmem:s12+$0x10A00] =	vst v12  }
0x24f: {  	v34 =	vor.u32 $0x2, v14;
	v29 =	vld.idx.msk [tilespmem:v29+s17+$0x0], $0xffff;
	v26 =	vmul.f32 $8.000000000e+00, v26;
	[tilespmem:s11+$0x10900] =	vst v30;
	v30 =	vadd.s32 v9, v51  }
0x250: {  	s8 =	simm.s32 $0xC;
	v22 =	vor.u32 $0x3, v14;
	v18 =	vmul.f32 $8.000000000e+00, v18;
	[tilespmem:s1+$0x10B00] =	vst v33;
	v16 =	vor.u32 $0x4, v14;
	v28 =	vld.idx.msk [tilespmem:v28+s17+$0x0], $0xffff  }
0x251: {  	s23 =	sand.u32 $0x6, s8;
	v11 =	vor.u32 $0x5, v14;
	v12 =	vor.u32 $0x6, v14;
	v27 =	vmul.f32 $8.000000000e+00, v27;
	v54 =	vld.idx.msk [tilespmem:v20+s17+$0x0], $0xffff;
	[tilespmem:s7+$0x10B00] =	vst v26  }
0x252: {  	s25 =	sshll.u32 s23, $0x3;
	s22 =	sor.u32 $0x1, s23;
	[tilespmem:s6+$0x10B80] =	vst v18;
	v9 =	vor.u32 $0x7, v14;
	v14 =	vmul.f32 $8.000000000e+00, v21;
	v26 =	vor.u32 $0x4, v2;
	v32 =	vld.idx.msk [tilespmem:v52+s17+$0x0], $0xffff  }
0x253: {  	v62 =	vor.u32 $0x7, v15;
	v57 =	vmov s25;
	s25 =	sshll.u32 s22, $0x3;
	[tilespmem:s10+$0x10A00] =	vst v27;
	v27 =	vld.idx.msk [tilespmem:v10+s17+$0x0], $0xffff;
	v31 =	vmul.f32 $8.000000000e+00, v31  }
0x254: {  	s9 =	simm.s32 $0x18;
	v58 =	vmov s25;
	v59 =	vshrl.u32 v57, $0x3;
	[tilespmem:s3+$0x10880] =	vst v14;
	v25 =	vmul.f32 $8.000000000e+00, v29;
	v56 =	vld.idx.msk [tilespmem:v30+s17+$0x0], $0xffff  }
0x255: {  	s20 =	sand.u32 $0x70, s9;
	v36 =	vor.u32 $0x6, v2;
	v40 =	vor.u32 $0x1, v10;
	v29 =	vld.idx.msk [tilespmem:v53+s17+$0x0], $0xffff;
	[tilespmem:s13+$0x10980] =	vst v31;
	v28 =	vmul.f32 $8.000000000e+00, v28  }
0x256: {  	v37 =	vor.u32 $0x2, v10;
	v38 =	vld.idx.msk [tilespmem:v13+s17+$0x0], $0xffff;
	v31 =	vmov s20;
	[tilespmem:s14+$0x10880] =	vst v25;
	v25 =	vmul.f32 $8.000000000e+00, v54  }
0x257: {  	v55 =	vor.u32 $0x1, v30;
	v26 =	vld.idx.msk [tilespmem:v26+s17+$0x0], $0xffff;
	v31 =	vmul.u32 $0x48, v31;
	[tilespmem:s12+$0x10A80] =	vst v28;
	v28 =	vmul.f32 $8.000000000e+00, v32  }
0x258: {  	s21 =	sshll.u32 s21, $0xA;
	v20 =	vor.u32 $0x3, v30;
	v34 =	vld.idx.msk [tilespmem:v34+s17+$0x0], $0xffff;
	v32 =	vshrl.u32 v58, $0x3;
	v27 =	vmul.f32 $8.000000000e+00, v27;
	[tilespmem:s11+$0x10980] =	vst v25  }
0x259: {  	s16 =	sshll.u32 s16, $0xA;
	s6 =	sor.u32 s15, s21;
	v25 =	vor.u32 $0x3, v6;
	v39 =	vld.idx.msk [tilespmem:v39+s17+$0x0], $0xffff;
	v31 =	vbroadcast v31, $0x0;
	[tilespmem:s7+$0x10B80] =	vst v28;
	v60 =	vmul.f32 $8.000000000e+00, v56  }
0x25a: {  	v32 =	vshll.u32 v32, v1;
	v23 =	vld.idx.msk [tilespmem:v23+s17+$0x0], $0xffff;
	s7 =	sor.u32 s15, s16;
	[tilespmem:s6+$0x10800] =	vst v27;
	v27 =	vmul.f32 $8.000000000e+00, v29;
	v29 =	vor.u32 $0x5, v2  }
0x25b: {  	v18 =	vor.u32 $0x4, v30;
	v41 =	vmul.f32 $8.000000000e+00, v38;
	v32 =	vbroadcast v32, $0x0;
	v61 =	vld.idx.msk [tilespmem:v40+s17+$0x0], $0xffff;
	[tilespmem:s7+$0x10800] =	vst v60  }
0x25c: {  	v15 =	vor.u32 $0x7, v30;
	v31 =	vadd.s32 v0, v31;
	[tilespmem:s3+$0x10900] =	vst v27;
	v27 =	vmul.f32 $8.000000000e+00, v26;
	v26 =	vld.idx.msk [tilespmem:v17+s17+$0x0], $0xffff  }
0x25d: {  	v28 =	vshll.u32 v59, v1;
	[tilespmem:s10+$0x10A80] =	vst v41;
	v17 =	vadd.s32 v31, v32;
	v63 =	vmul.f32 $8.000000000e+00, v34;
	v35 =	vld.idx.msk [tilespmem:v55+s17+$0x0], $0xffff  }
0x25e: {  	v21 =	vor.u32 $0x2, v30;
	v28 =	vbroadcast v28, $0x0;
	v42 =	vld.idx.msk [tilespmem:v25+s17+$0x0], $0xffff;
	v25 =	vmul.f32 $8.000000000e+00, v39;
	[tilespmem:s13+$0x10A00] =	vst v27  }
0x25f: {  	v13 =	vor.u32 $0x6, v30;
	v14 =	vor.u32 $0x5, v30;
	v41 =	vmul.f32 $8.000000000e+00, v19;
	[tilespmem:s14+$0x10900] =	vst v63;
	v33 =	vld.idx.msk [tilespmem:v29+s17+$0x0], $0xffff  }
0x260: {  	v38 =	vadd.s32 v28, v31;
	v34 =	vor.u32 $0x4, v6;
	v28 =	vmul.f32 $8.000000000e+00, v23;
	v31 =	vld.idx.msk [tilespmem:v22+s17+$0x0], $0xffff;
	[tilespmem:s12+$0x10B00] =	vst v25  }
0x261: {  	v32 =	vor.u32 $0x2, v38;
	v19 =	vor.u32 $0x7, v38;
	v29 =	vmul.f32 $8.000000000e+00, v61;
	v30 =	vld.idx.msk [tilespmem:v62+s17+$0x0], $0xffff  }
0x262: {  	s25 =	sshll.u32 s23, $0xA;
	v27 =	vor.u32 $0x1, v38;
	v23 =	vor.u32 $0x3, v38;
	v25 =	vor.u32 $0x4, v38;
	[tilespmem:s11+$0x10A00] =	vst v28;
	v39 =	vld.idx.msk [tilespmem:v17+s17+$0x0], $0xffff  }
0x263: {  	s28 =	simm.s32 $0x10800;
	s15 =	sor.u32 s20, s25;
	v22 =	vor.u32 $0x6, v38;
	v28 =	vor.u32 $0x5, v38;
	v24 =	vld.idx.msk [tilespmem:v24+s17+$0x0], $0xffff;
	[tilespmem:s6+$0x10880] =	vst v29;
	v40 =	vmul.f32 $8.000000000e+00, v42  }
.LBB2_13:
0x264: {  	s8 =	sadd.s32 $0x2, s8;
	s9 =	sadd.s32 $0x4, s9;
	v35 =	vmul.f32 $8.000000000e+00, v35;
	v37 =	vld.idx.msk [tilespmem:v37+s17+$0x0], $0xffff;
	[tilespmem:s0+$0x10B00] =	vst v41;
	v26 =	vmul.f32 $8.000000000e+00, v26;
	v29 =	vmov v28  }
0x265: {  	v33 =	vmul.f32 $8.000000000e+00, v33;
	s16 =	sand.u32 $0x6, s8;
	s21 =	sand.u32 $0x70, s9;
	p1 =	slt.u32 s8, $0x3E;
	v28 =	vld.idx.msk [tilespmem:v38+s17+$0x0], $0xffff;
	[tilespmem:s3+$0x10980] =	vst v40  }
0x266: {  	v40 =	vor.u32 $0x1, v17;
	v31 =	vmul.f32 $8.000000000e+00, v31;
	v38 =	vmov s21;
	s23 =	sshll.u32 s16, $0x3;
	s25 =	sshll.u32 s16, $0xA;
	s16 =	sor.u32 $0x1, s16;
	[tilespmem:s7+$0x10880] =	vst v35;
	v34 =	vld.idx.msk [tilespmem:v34+s17+$0x0], $0xffff  }
0x267: {  	v30 =	vmul.f32 $8.000000000e+00, v30;
	v35 =	vmov s23;
	v38 =	vmul.u32 $0x48, v38;
	s23 =	sor.u32 s21, s25;
	s25 =	sshll.u32 s16, $0x3;
	v41 =	vld.idx.msk [tilespmem:v21+s17+$0x0], $0xffff;
	[tilespmem:s13+$0x10A80] =	vst v33;
	v21 =	vmovc v32  }
0x268: {  	v33 =	vmul.f32 $8.000000000e+00, v39;
	v39 =	vor.u32 $0x3, v10;
	v32 =	vmov s25;
	s25 =	sshll.u32 s22, $0xA;
	[tilespmem:s14+$0x10980] =	vst v31;
	v31 =	vld.idx.msk [tilespmem:v36+s17+$0x0], $0xffff;
	s22 =	smov.u32 s16  }
0x269: {  	v35 =	vshrl.u32 v35, $0x3;
	v36 =	vbroadcast v38, $0x0;
	v32 =	vshrl.u32 v32, $0x3;
	s16 =	sor.u32 s20, s25;
	v42 =	vld.idx.msk [tilespmem:v16+s17+$0x0], $0xffff;
	[tilespmem:s12+$0x10B80] =	vst v30;
	v16 =	vmovc v18;
	v18 =	vmovc v25;
	s20 =	smov.u32 s21;
	s12 =	smov.u32 s13  }
0x26a: {  	v30 =	vmul.f32 $8.000000000e+00, v37;
	s13 =	smov.u32 s3;
	s3 =	smov.u32 s6;
	v25 =	vshll.u32 v32, v1;
	[tilespmem:s16+$0x10800] =	vst v33;
	v32 =	vor.u32 $0x5, v6;
	v43 =	vld.idx.msk [tilespmem:v8+s17+$0x0], $0xffff;
	v8 =	vmovc v7;
	s6 =	smov.u32 s16  }
0x26b: {  	v33 =	vshll.u32 v35, v1;
	v28 =	vmul.f32 $8.000000000e+00, v28;
	v7 =	vmovc v12;
	v25 =	vbroadcast v25, $0x0;
	v40 =	vld.idx.msk [tilespmem:v40+s17+$0x0], $0xffff;
	[tilespmem:s1+$0x10B80] =	vst v26;
	s1 =	smov.u32 s0;
	s0 =	smov.u32 s10;
	s10 =	smov.u32 s11  }
0x26c: {  	v36 =	vadd.s32 v0, v36;
	v34 =	vmul.f32 $8.000000000e+00, v34;
	s11 =	smov.u32 s14;
	s14 =	smov.u32 s7;
	s7 =	smov.u32 s15;
	[tilespmem:s3+$0x10900] =	vst v30;
	v30 =	vor.u32 $0x7, v2;
	v26 =	vld.idx.msk [tilespmem:v3+s17+$0x0], $0xffff;
	v2 =	vmovc v6  }
0x26d: {  	v46 =	vbroadcast v33, $0x0;
	s15 =	smov.u32 s23;
	v6 =	vmovc v10;
	v44 =	vadd.s32 v36, v25;
	[tilespmem:s7+$0x10800] =	vst v28;
	v25 =	vmul.f32 $8.000000000e+00, v41;
	v45 =	vld.idx.msk [tilespmem:v39+s17+$0x0], $0xffff  }
0x26e: {  	v24 =	vmul.f32 $8.000000000e+00, v24;
	v12 =	vmovc v13;
	v10 =	vmovc v17;
	v28 =	vmul.f32 $8.000000000e+00, v31;
	v35 =	vld.idx.msk [tilespmem:v27+s17+$0x0], $0xffff;
	[tilespmem:s13+$0x10A00] =	vst v34;
	v17 =	vmov v44  }
.Ltmp5:
0x26f: {  	v13 =	vmovc v22;
	v38 =	vadd.s32 v46, v36;
	v37 =	vor.u32 $0x2, v10;
	v36 =	vmul.f32 $8.000000000e+00, v42;
	[tilespmem:s14+$0x10900] =	vst v25;
	v33 =	vld.idx.msk [tilespmem:v32+s17+$0x0], $0xffff;
	(pc) =	sbr.rel @p1 .LBB2_13-.Ltmp5, $4  }
0x270: {  	v3 =	vmovc v4;
	v27 =	vor.u32 $0x1, v38;
	v32 =	vor.u32 $0x2, v38;
	v31 =	vld.idx.msk [tilespmem:v20+s17+$0x0], $0xffff;
	[tilespmem:s12+$0x10B00] =	vst v28;
	v20 =	vmovc v23;
	v23 =	vor.u32 $0x3, v38  }
0x271: {  	v4 =	vmovc v5;
	v5 =	vmovc v9;
	v34 =	vor.u32 $0x4, v6;
	v25 =	vor.u32 $0x4, v38;
	v40 =	vmul.f32 $8.000000000e+00, v40;
	[tilespmem:s11+$0x10A00] =	vst v36;
	v30 =	vld.idx.msk [tilespmem:v30+s17+$0x0], $0xffff  }
0x272: {  	v9 =	vmovc v15;
	v15 =	vmovc v19;
	v22 =	vor.u32 $0x6, v38;
	v41 =	vmul.f32 $8.000000000e+00, v43;
	v28 =	vor.u32 $0x5, v38;
	v39 =	vld.idx.msk [tilespmem:v44+s17+$0x0], $0xffff;
	[tilespmem:s10+$0x10A80] =	vst v24  }
0x273: {  	v19 =	vor.u32 $0x7, v38;
	v36 =	vor.u32 $0x6, v2;
	[tilespmem:s6+$0x10880] =	vst v40;
	v40 =	vmul.f32 $8.000000000e+00, v45;
	v24 =	vld.idx.msk [tilespmem:v11+s17+$0x0], $0xffff;
	v11 =	vmovc v14;
	v14 =	vmovc v29  }
0x274: {  	_ =	sdelay $0x3  }
0x275: {  	v29 =	vld.idx.msk [tilespmem:v38+s17+$0x0], $0xffff;
	v56 =	vor.u32 $0x1, v17;
	_ =	sdelay $0x1  }
0x276: {  	s8 =	sshll.u32 s22, $0xA;
	v39 =	vmul.f32 $8.000000000e+00, v39  }
0x277: {  	s8 =	sor.u32 s20, s8  }
0x278: {  	[tilespmem:s8+$0x10800] =	vst v39  }
0x279: {  	v29 =	vmul.f32 $8.000000000e+00, v29;
	v38 =	vld.idx.msk [tilespmem:v56+s17+$0x0], $0xffff;
	_ =	sdelay $0x1  }
0x27a: {  	[tilespmem:s15+$0x10800] =	vst v29  }
0x27b: {  	v57 =	vor.u32 $0x2, v17;
	v27 =	vld.idx.msk [tilespmem:v27+s17+$0x0], $0xffff;
	_ =	sdelay $0x1  }
0x27c: {  	v38 =	vmul.f32 $8.000000000e+00, v38  }
0x27d: {  	v37 =	vld.idx.msk [tilespmem:v37+s17+$0x0], $0xffff  }
0x27e: {  	v35 =	vmul.f32 $8.000000000e+00, v35;
	[tilespmem:s8+$0x10880] =	vst v38  }
0x27f: {  	v27 =	vmul.f32 $8.000000000e+00, v27;
	v29 =	vld.idx.msk [tilespmem:v57+s17+$0x0], $0xffff  }
0x280: {  	v58 =	vor.u32 $0x3, v10;
	[tilespmem:s7+$0x10880] =	vst v35  }
0x281: {  	v21 =	vld.idx.msk [tilespmem:v21+s17+$0x0], $0xffff;
	[tilespmem:s15+$0x10880] =	vst v27  }
0x282: {  	v60 =	vor.u32 $0x3, v17;
	v59 =	vmul.f32 $8.000000000e+00, v37;
	v32 =	vld.idx.msk [tilespmem:v32+s17+$0x0], $0xffff;
	_ =	sdelay $0x1  }
0x283: {  	[tilespmem:s6+$0x10900] =	vst v59;
	v61 =	vmul.f32 $8.000000000e+00, v29  }
0x284: {  	[tilespmem:s0+$0x10B00] =	vst v41;
	v62 =	vld.idx.msk [tilespmem:v58+s17+$0x0], $0xffff  }
0x285: {  	v21 =	vmul.f32 $8.000000000e+00, v21;
	[tilespmem:s8+$0x10900] =	vst v61  }
0x286: {  	[tilespmem:s3+$0x10980] =	vst v40;
	v63 =	vmul.f32 $8.000000000e+00, v32;
	v37 =	vld.idx.msk [tilespmem:v60+s17+$0x0], $0xffff  }
0x287: {  	v33 =	vmul.f32 $8.000000000e+00, v33;
	[tilespmem:s7+$0x10900] =	vst v21;
	v38 =	vor.u32 $0x4, v10  }
0x288: {  	v26 =	vmul.f32 $8.000000000e+00, v26;
	v20 =	vld.idx.msk [tilespmem:v20+s17+$0x0], $0xffff;
	[tilespmem:s15+$0x10900] =	vst v63  }
0x289: {  	v40 =	vor.u32 $0x4, v17;
	[tilespmem:s13+$0x10A80] =	vst v33;
	v39 =	vmul.f32 $8.000000000e+00, v62;
	v23 =	vld.idx.msk [tilespmem:v23+s17+$0x0], $0xffff  }
0x28a: {  	v31 =	vmul.f32 $8.000000000e+00, v31;
	v41 =	vld.idx.msk [tilespmem:v34+s17+$0x0], $0xffff;
	[tilespmem:s1+$0x10B80] =	vst v26  }
0x28b: {  	[tilespmem:s6+$0x10980] =	vst v39;
	v43 =	vmul.f32 $8.000000000e+00, v37  }
0x28c: {  	v30 =	vmul.f32 $8.000000000e+00, v30;
	[tilespmem:s14+$0x10980] =	vst v31;
	v21 =	vld.idx.msk [tilespmem:v38+s17+$0x0], $0xffff  }
0x28d: {  	v44 =	vor.u32 $0x5, v6;
	v42 =	vld.idx.msk [tilespmem:v36+s17+$0x0], $0xffff;
	v20 =	vmul.f32 $8.000000000e+00, v20;
	[tilespmem:s8+$0x10980] =	vst v43  }
0x28e: {  	[tilespmem:s12+$0x10B80] =	vst v30;
	v23 =	vmul.f32 $8.000000000e+00, v23;
	v45 =	vld.idx.msk [tilespmem:v40+s17+$0x0], $0xffff  }
0x28f: {  	v47 =	vor.u32 $0x5, v10;
	v16 =	vld.idx.msk [tilespmem:v16+s17+$0x0], $0xffff;
	v46 =	vmul.f32 $8.000000000e+00, v41;
	[tilespmem:s7+$0x10980] =	vst v20  }
0x290: {  	v2 =	vor.u32 $0x7, v2;
	v24 =	vmul.f32 $8.000000000e+00, v24;
	v18 =	vld.idx.msk [tilespmem:v18+s17+$0x0], $0xffff;
	[tilespmem:s15+$0x10980] =	vst v23  }
0x291: {  	v49 =	vor.u32 $0x5, v17;
	[tilespmem:s3+$0x10A00] =	vst v46;
	v21 =	vmul.f32 $8.000000000e+00, v21;
	v23 =	vld.idx.msk [tilespmem:v25+s17+$0x0], $0xffff  }
0x292: {  	[tilespmem:s11+$0x10A80] =	vst v24;
	v48 =	vmul.f32 $8.000000000e+00, v42;
	v27 =	vld.idx.msk [tilespmem:v44+s17+$0x0], $0xffff  }
0x293: {  	v8 =	vld.idx.msk [tilespmem:v8+s17+$0x0], $0xffff;
	[tilespmem:s6+$0x10A00] =	vst v21;
	v50 =	vmul.f32 $8.000000000e+00, v45  }
0x294: {  	v16 =	vmul.f32 $8.000000000e+00, v16;
	[tilespmem:s13+$0x10B00] =	vst v48;
	v51 =	vld.idx.msk [tilespmem:v47+s17+$0x0], $0xffff  }
0x295: {  	v52 =	vor.u32 $0x6, v6;
	v2 =	vld.idx.msk [tilespmem:v2+s17+$0x0], $0xffff;
	v18 =	vmul.f32 $8.000000000e+00, v18;
	[tilespmem:s8+$0x10A00] =	vst v50  }
0x296: {  	[tilespmem:s14+$0x10A00] =	vst v16;
	v53 =	vmul.f32 $8.000000000e+00, v23;
	v54 =	vld.idx.msk [tilespmem:v49+s17+$0x0], $0xffff  }
0x297: {  	v56 =	vor.u32 $0x6, v10;
	v11 =	vld.idx.msk [tilespmem:v11+s17+$0x0], $0xffff;
	v55 =	vmul.f32 $8.000000000e+00, v27;
	[tilespmem:s7+$0x10A00] =	vst v18  }
0x298: {  	v8 =	vmul.f32 $8.000000000e+00, v8;
	v14 =	vld.idx.msk [tilespmem:v14+s17+$0x0], $0xffff;
	[tilespmem:s15+$0x10A00] =	vst v53  }
0x299: {  	v57 =	vor.u32 $0x6, v17;
	[tilespmem:s3+$0x10A80] =	vst v55;
	v16 =	vmul.f32 $8.000000000e+00, v51;
	v21 =	vld.idx.msk [tilespmem:v28+s17+$0x0], $0xffff  }
0x29a: {  	[tilespmem:s10+$0x10B00] =	vst v8;
	v2 =	vmul.f32 $8.000000000e+00, v2;
	v8 =	vld.idx.msk [tilespmem:v52+s17+$0x0], $0xffff  }
0x29b: {  	v3 =	vld.idx.msk [tilespmem:v3+s17+$0x0], $0xffff;
	[tilespmem:s6+$0x10A80] =	vst v16;
	v58 =	vmul.f32 $8.000000000e+00, v54  }
0x29c: {  	[tilespmem:s13+$0x10B80] =	vst v2;
	v2 =	vmul.f32 $8.000000000e+00, v11;
	v59 =	vld.idx.msk [tilespmem:v56+s17+$0x0], $0xffff  }
0x29d: {  	v6 =	vor.u32 $0x7, v6;
	v7 =	vld.idx.msk [tilespmem:v7+s17+$0x0], $0xffff;
	v14 =	vmul.f32 $8.000000000e+00, v14;
	[tilespmem:s8+$0x10A80] =	vst v58  }
0x29e: {  	[tilespmem:s14+$0x10A80] =	vst v2;
	v60 =	vmul.f32 $8.000000000e+00, v21;
	v2 =	vld.idx.msk [tilespmem:v57+s17+$0x0], $0xffff  }
0x29f: {  	v12 =	vld.idx.msk [tilespmem:v12+s17+$0x0], $0xffff;
	v61 =	vor.u32 $0x7, v10;
	v8 =	vmul.f32 $8.000000000e+00, v8;
	[tilespmem:s7+$0x10A80] =	vst v14  }
0x2a0: {  	v3 =	vmul.f32 $8.000000000e+00, v3;
	v13 =	vld.idx.msk [tilespmem:v13+s17+$0x0], $0xffff;
	[tilespmem:s15+$0x10A80] =	vst v60  }
0x2a1: {  	v62 =	vor.u32 $0x7, v17;
	[tilespmem:s3+$0x10B00] =	vst v8;
	v8 =	vmul.f32 $8.000000000e+00, v59;
	v63 =	vld.idx.msk [tilespmem:v22+s17+$0x0], $0xffff  }
0x2a2: {  	[tilespmem:s0+$0x10B80] =	vst v3;
	v3 =	vld.idx.msk [tilespmem:v6+s17+$0x0], $0xffff;
	v6 =	vmul.f32 $8.000000000e+00, v7  }
0x2a3: {  	v4 =	vld.idx.msk [tilespmem:v4+s17+$0x0], $0xffff;
	[tilespmem:s6+$0x10B00] =	vst v8;
	v2 =	vmul.f32 $8.000000000e+00, v2  }
0x2a4: {  	v7 =	vmul.f32 $8.000000000e+00, v12;
	[tilespmem:s11+$0x10B00] =	vst v6;
	v6 =	vld.idx.msk [tilespmem:v61+s17+$0x0], $0xffff  }
0x2a5: {  	v5 =	vld.idx.msk [tilespmem:v5+s17+$0x0], $0xffff;
	[tilespmem:s8+$0x10B00] =	vst v2;
	v2 =	vmul.f32 $8.000000000e+00, v13  }
0x2a6: {  	[tilespmem:s14+$0x10B00] =	vst v7;
	v8 =	vmul.f32 $8.000000000e+00, v63;
	v7 =	vld.idx.msk [tilespmem:v62+s17+$0x0], $0xffff  }
0x2a7: {  	v9 =	vld.idx.msk [tilespmem:v9+s17+$0x0], $0xffff;
	v3 =	vmul.f32 $8.000000000e+00, v3;
	[tilespmem:s7+$0x10B00] =	vst v2  }
0x2a8: {  	v2 =	vmul.f32 $8.000000000e+00, v4;
	[tilespmem:s15+$0x10B00] =	vst v8;
	v4 =	vld.idx.msk [tilespmem:v15+s17+$0x0], $0xffff  }
0x2a9: {  	[tilespmem:s3+$0x10B80] =	vst v3;
	v3 =	vmul.f32 $8.000000000e+00, v6;
	v6 =	vld.idx.msk [tilespmem:v19+s17+$0x0], $0xffff  }
0x2aa: {  	[tilespmem:s10+$0x10B80] =	vst v2;
	v2 =	vmul.f32 $8.000000000e+00, v5  }
0x2ab: {  	[tilespmem:s6+$0x10B80] =	vst v3;
	v3 =	vmul.f32 $8.000000000e+00, v7  }
0x2ac: {  	[tilespmem:s11+$0x10B80] =	vst v2;
	v2 =	vmul.f32 $8.000000000e+00, v9  }
0x2ad: {  	[tilespmem:s8+$0x10B80] =	vst v3;
	v3 =	vmul.f32 $8.000000000e+00, v4  }
0x2ae: {  	s21 =	sor.u32 $0x2, s30;
	[tilespmem:s14+$0x10B80] =	vst v2;
	v2 =	vmul.f32 $8.000000000e+00, v6  }
0x2af: {  	s1 =	sadd.s32 @!p0 $0x300, s31;
	s0 =	sadd.s32 s5, s21;
	[tilespmem:s7+$0x10B80] =	vst v3  }
0x2b0: {  	s22 =	sshll.u32 s0, $0x7;
	s3 =	simm.s32 @!p0 $0x80;
	s6 =	simm.s32 @!p0 $0xA400;
	[tilespmem:s15+$0x10B80] =	vst v2  }
0x2b1: {  	[tilespmem:s6], [sflag:$0x3] =	stream.indirect.gather @!p0 [hbm4b:s4+s3], $0x40, s1, s3, $0xb8;
	[tilespmem:$0x14800] =	vst v63  }
0x2b2: {  	s0 =	sshll.u32 s0, $0xA;
	s1 =	sand.u32 $0xF00, s22  }
0x2b3: {  	s0 =	sand.u32 $0xFFF8000, s0;
	s1 =	sadd.s32 s2, s1  }
0x2b4: {  	s23 =	simm.s32 $0x4;
	s0 =	sadd.s32 s0, s1  }
0x2b5: {  	[hbm4b:s0+s18] =	stream.strided.scatter [tilespmem:s28], [sflag:$0x5], $0x2000, s19, s18, $0x38;
	[tilespmem:$0x14800] =	vst v63  }
0x2b6: {  	_ =	swait.ge [sflag:s23], $0x2000  }
0x2b7: {  	[sflag:s23] =	ssyncset.done $0x0  }
0x2b8: {  	[sflag:s23] =	ssyncadd.s32 $0xFFFFE000  }
0x2b9: {  	_ =	swait.ge [sflag:s26], $0x2000  }
0x2ba: {  	[sflag:s26] =	ssyncset.done $0x0  }
0x2bb: {  	s25 =	simm.s32 $0xC470;
	[sflag:s26] =	ssyncadd.s32 $0xFFFFE000  }
0x2bc: {  	v2 =	vld [tilespmem:s25+$0xFFFFFFD0]  }
0x2bd: {  	v3 =	vld [tilespmem:s25+$0xFFFFFF90];
	_ =	sdelay $0x2  }
0x2be: {  	s0 =	simm.s32 $0xE448  }
0x2bf: {  	[tilespmem:s0+$0x0] =	vst v2  }
0x2c0: {  	[tilespmem:s0+$0xFFFFFFB8] =	vst v3;
	v2 =	vld [tilespmem:s25+$0xFFFFFFE0]  }
0x2c1: {  	s3 =	simm.s32 $0xC4F0;
	v3 =	vld [tilespmem:s25+$0xFFFFFFA0]  }
0x2c2: {  	v4 =	vld [tilespmem:s3+$0xFFFFFFD0]  }
0x2c3: {  	v5 =	vld [tilespmem:s3+$0xFFFFFF90];
	_ =	sdelay $0x1  }
0x2c4: {  	[tilespmem:s0+$0x10] =	vst v2  }
0x2c5: {  	s1 =	simm.s32 $0xE4D8;
	[tilespmem:s0+$0xFFFFFFC8] =	vst v3;
	v2 =	vld [tilespmem:s25+$0xFFFFFFF0]  }
0x2c6: {  	[tilespmem:s1+$0x0] =	vst v4;
	v3 =	vld [tilespmem:s25+$0xFFFFFFB0]  }
0x2c7: {  	[tilespmem:s1+$0xFFFFFFB8] =	vst v5;
	v4 =	vld [tilespmem:s3+$0xFFFFFFE0]  }
0x2c8: {  	s7 =	simm.s32 $0xC570;
	v5 =	vld [tilespmem:s3+$0xFFFFFFA0]  }
0x2c9: {  	v6 =	vld [tilespmem:s7+$0xFFFFFFD0]  }
0x2ca: {  	v7 =	vld [tilespmem:s7+$0xFFFFFF90];
	[tilespmem:s0+$0x20] =	vst v2  }
0x2cb: {  	[tilespmem:s0+$0xFFFFFFD8] =	vst v3;
	v8 =	vld [tilespmem:s25+$0x0]  }
0x2cc: {  	[tilespmem:s1+$0x10] =	vst v4;
	v2 =	vld [tilespmem:s25+$0xFFFFFFC0]  }
0x2cd: {  	s6 =	simm.s32 $0xE568;
	[tilespmem:s1+$0xFFFFFFC8] =	vst v5;
	v3 =	vld [tilespmem:s3+$0xFFFFFFF0]  }
0x2ce: {  	[tilespmem:s6+$0x0] =	vst v6;
	v4 =	vld [tilespmem:s3+$0xFFFFFFB0]  }
0x2cf: {  	s9 =	simm.s32 $0x0;
	[tilespmem:s6+$0xFFFFFFB8] =	vst v7;
	v6 =	vld [tilespmem:s7+$0xFFFFFFE0]  }
0x2d0: {  	s10 =	simm.s32 $0x4;
	s11 =	simm.s32 $0xC5F0;
	s8 =	simm.s32 $0x2;
	v5 =	vld [tilespmem:s7+$0xFFFFFFA0];
	[tilespmem:s0+$0x30] =	vst v8  }
.LBB2_15:
0x2d1: {  	v7 =	vld [tilespmem:s11+$0xFFFFFFD0];
	s10 =	sadd.s32 $0x2, s10;
	[tilespmem:s0+$0xFFFFFFE8] =	vst v2;
	s0 =	smov.u32 s1;
	s1 =	smov.u32 s6  }
0x2d2: {  	v8 =	vld [tilespmem:s11+$0xFFFFFF90];
	p1 =	slt.u32 s10, $0x7E;
	[tilespmem:s0+$0x20] =	vst v3  }
0x2d3: {  	[tilespmem:s0+$0xFFFFFFD8] =	vst v4;
	v9 =	vld [tilespmem:s3+$0x0]  }
.Ltmp6:
0x2d4: {  	[tilespmem:s6+$0x10] =	vst v6;
	v2 =	vld [tilespmem:s3+$0xFFFFFFC0];
	s3 =	smov.u32 s7;
	s7 =	smov.u32 s11;
	(pc) =	sbr.rel @p1 .LBB2_15-.Ltmp6, $4  }
0x2d5: {  	s6 =	sadd.s32 $0x90, s6;
	[tilespmem:s1+$0xFFFFFFC8] =	vst v5;
	v3 =	vld [tilespmem:s3+$0xFFFFFFF0]  }
0x2d6: {  	[tilespmem:s6+$0x0] =	vst v7;
	v4 =	vld [tilespmem:s3+$0xFFFFFFB0]  }
0x2d7: {  	[tilespmem:s6+$0xFFFFFFB8] =	vst v8;
	v6 =	vld [tilespmem:s11+$0xFFFFFFE0]  }
0x2d8: {  	s11 =	sadd.s32 $0x80, s11;
	v5 =	vld [tilespmem:s7+$0xFFFFFFA0];
	[tilespmem:s0+$0x30] =	vst v9  }
0x2d9: {  	_ =	sdelay $0x2  }
0x2da: {  	[tilespmem:s6+$0x10] =	vst v6  }
0x2db: {  	s10 =	simm.s32 $0x0;
	s9 =	sand.u32 $0x6, s9;
	[tilespmem:s6+$0xFFFFFFC8] =	vst v5;
	v5 =	vld [tilespmem:s7+$0xFFFFFFF0]  }
0x2dc: {  	s10 =	sand.u32 $0x70, s10;
	s11 =	sor.u32 $0x1, s9;
	v6 =	vld [tilespmem:s7+$0xFFFFFFB0]  }
0x2dd: {  	v7 =	vmov s10;
	s12 =	sshll.u32 s11, $0x3  }
0x2de: {  	[tilespmem:s1+$0x20] =	vst v3;
	v3 =	vmul.u32 $0x48, v7;
	v7 =	vmov s12  }
0x2df: {  	[tilespmem:s1+$0xFFFFFFD8] =	vst v4;
	v8 =	vld [tilespmem:s3+$0x0];
	v4 =	vshrl.u32 v7, $0x3  }
0x2e0: {  	s25 =	sshll.u32 s9, $0x3;
	v7 =	vld [tilespmem:s3+$0xFFFFFFC0];
	v3 =	vbroadcast v3, $0x0;
	v4 =	vshll.u32 v4, v1;
	[tilespmem:s6+$0x20] =	vst v5  }
0x2e1: {  	v4 =	vbroadcast v4, $0x0;
	[tilespmem:s6+$0xFFFFFFD8] =	vst v6;
	v5 =	vld [tilespmem:s7+$0x0];
	v6 =	vmov s25  }
0x2e2: {  	v3 =	vadd.s32 v0, v3;
	v9 =	vld [tilespmem:s7+$0xFFFFFFC0];
	v6 =	vshrl.u32 v6, $0x3  }
0x2e3: {  	[tilespmem:s0+$0xFFFFFFE8] =	vst v2;
	v4 =	vadd.s32 v3, v4;
	v2 =	vshll.u32 v6, v1  }
0x2e4: {  	[tilespmem:s1+$0x30] =	vst v8;
	v2 =	vbroadcast v2, $0x0  }
0x2e5: {  	[tilespmem:s1+$0xFFFFFFE8] =	vst v7  }
0x2e6: {  	[tilespmem:s6+$0x30] =	vst v5;
	v3 =	vadd.s32 v2, v3  }
0x2e7: {  	[tilespmem:s6+$0xFFFFFFE8] =	vst v9  }
0x2e8: {  	v2 =	vld.idx.msk [tilespmem:v4+s17+$0x0], $0xffff  }
0x2e9: {  	s13 =	sand.u32 $0x6, s8;
	s12 =	simm.s32 $0x4  }
0x2ea: {  	s14 =	sor.u32 $0x1, s13;
	s0 =	sand.u32 $0x70, s12  }
0x2eb: {  	s20 =	sshll.u32 s14, $0x3;
	v7 =	vor.u32 $0x1, v4;
	v6 =	vmov s0;
	v5 =	vld.idx.msk [tilespmem:v3+s17+$0x0], $0xffff  }
0x2ec: {  	v8 =	vmov s20;
	v6 =	vmul.u32 $0x48, v6  }
0x2ed: {  	s21 =	sshll.u32 s11, $0xA;
	v8 =	vshrl.u32 v8, $0x3;
	v2 =	vmul.f32 $8.000000000e+00, v2  }
0x2ee: {  	s8 =	sshll.u32 s13, $0x3;
	v8 =	vshll.u32 v8, v1;
	v6 =	vbroadcast v6, $0x0;
	v10 =	vor.u32 $0x1, v3;
	s6 =	sor.u32 s10, s21  }
0x2ef: {  	v9 =	vmov s8;
	[tilespmem:s6+$0x12800] =	vst v2;
	v2 =	vbroadcast v8, $0x0  }
0x2f0: {  	s22 =	sshll.u32 s9, $0xA;
	v6 =	vadd.s32 v0, v6;
	v8 =	vshrl.u32 v9, $0x3;
	v5 =	vmul.f32 $8.000000000e+00, v5;
	v7 =	vld.idx.msk [tilespmem:v7+s17+$0x0], $0xffff  }
0x2f1: {  	s1 =	sor.u32 s10, s22;
	v8 =	vshll.u32 v8, v1;
	v9 =	vadd.s32 v6, v2  }
0x2f2: {  	v2 =	vbroadcast v8, $0x0;
	[tilespmem:s1+$0x12800] =	vst v5  }
0x2f3: {  	v8 =	vor.u32 $0x2, v4;
	v5 =	vld.idx.msk [tilespmem:v10+s17+$0x0], $0xffff  }
0x2f4: {  	v6 =	vadd.s32 v2, v6  }
0x2f5: {  	v2 =	vmul.f32 $8.000000000e+00, v7  }
0x2f6: {  	v10 =	vld.idx.msk [tilespmem:v9+s17+$0x0], $0xffff  }
0x2f7: {  	s23 =	simm.s32 $0x4;
	v7 =	vor.u32 $0x2, v3;
	[tilespmem:s6+$0x12880] =	vst v2  }
0x2f8: {  	s25 =	simm.s32 $0x8;
	s8 =	sand.u32 $0x6, s23;
	v2 =	vmul.f32 $8.000000000e+00, v5;
	v5 =	vld.idx.msk [tilespmem:v8+s17+$0x0], $0xffff  }
0x2f9: {  	s15 =	sand.u32 $0x70, s25;
	s16 =	sor.u32 $0x1, s8;
	v12 =	vor.u32 $0x1, v9;
	v8 =	vld.idx.msk [tilespmem:v6+s17+$0x0], $0xffff  }
0x2fa: {  	v14 =	vor.u32 $0x3, v4;
	v11 =	vmov s15;
	s21 =	sshll.u32 s16, $0x3  }
0x2fb: {  	s7 =	sshll.u32 s14, $0xA;
	s22 =	sshll.u32 s8, $0x3;
	[tilespmem:s1+$0x12880] =	vst v2;
	v2 =	vmul.u32 $0x48, v11;
	v11 =	vmov s21;
	v10 =	vmul.f32 $8.000000000e+00, v10  }
0x2fc: {  	s7 =	sor.u32 s0, s7;
	v15 =	vmov s22;
	v16 =	vor.u32 $0x1, v6;
	v7 =	vld.idx.msk [tilespmem:v7+s17+$0x0], $0xffff;
	v11 =	vshrl.u32 v11, $0x3  }
0x2fd: {  	v2 =	vbroadcast v2, $0x0;
	v11 =	vshll.u32 v11, v1;
	[tilespmem:s7+$0x12800] =	vst v10;
	v5 =	vmul.f32 $8.000000000e+00, v5  }
0x2fe: {  	s3 =	sshll.u32 s13, $0xA;
	v10 =	vbroadcast v11, $0x0;
	v11 =	vshrl.u32 v15, $0x3;
	v8 =	vmul.f32 $8.000000000e+00, v8;
	v12 =	vld.idx.msk [tilespmem:v12+s17+$0x0], $0xffff  }
0x2ff: {  	s0 =	sor.u32 s0, s3;
	v13 =	vor.u32 $0x3, v3;
	v2 =	vadd.s32 v0, v2;
	v11 =	vshll.u32 v11, v1;
	[tilespmem:s6+$0x12900] =	vst v5  }
0x300: {  	v15 =	vadd.s32 v2, v10;
	v5 =	vbroadcast v11, $0x0;
	[tilespmem:s0+$0x12800] =	vst v8;
	v8 =	vld.idx.msk [tilespmem:v14+s17+$0x0], $0xffff  }
0x301: {  	v11 =	vor.u32 $0x2, v9;
	v7 =	vmul.f32 $8.000000000e+00, v7;
	v10 =	vld.idx.msk [tilespmem:v16+s17+$0x0], $0xffff  }
0x302: {  	v5 =	vadd.s32 v5, v2  }
0x303: {  	[tilespmem:s1+$0x12900] =	vst v7;
	v7 =	vmul.f32 $8.000000000e+00, v12;
	v12 =	vor.u32 $0x4, v4  }
0x304: {  	s23 =	simm.s32 $0x6;
	v2 =	vld.idx.msk [tilespmem:v13+s17+$0x0], $0xffff;
	v13 =	vor.u32 $0x2, v6  }
0x305: {  	s3 =	sand.u32 $0x6, s23;
	v14 =	vld.idx.msk [tilespmem:v15+s17+$0x0], $0xffff;
	[tilespmem:s7+$0x12880] =	vst v7;
	v7 =	vmul.f32 $8.000000000e+00, v8  }
0x306: {  	s25 =	simm.s32 $0xC;
	s14 =	sshll.u32 s3, $0x3;
	v10 =	vmul.f32 $8.000000000e+00, v10;
	v11 =	vld.idx.msk [tilespmem:v11+s17+$0x0], $0xffff  }
0x307: {  	s20 =	sand.u32 $0x70, s25;
	s13 =	sor.u32 $0x1, s3;
	v22 =	vmov s14;
	v21 =	vor.u32 $0x3, v9;
	v8 =	vor.u32 $0x4, v3;
	v17 =	vld.idx.msk [tilespmem:v5+s17+$0x0], $0xffff;
	[tilespmem:s6+$0x12980] =	vst v7  }
0x308: {  	v18 =	vor.u32 $0x3, v6;
	s21 =	sshll.u32 s13, $0x3;
	v19 =	vor.u32 $0x1, v15;
	v7 =	vmov s20;
	[tilespmem:s0+$0x12880] =	vst v10;
	v10 =	vld.idx.msk [tilespmem:v12+s17+$0x0], $0xffff  }
0x309: {  	v2 =	vmul.f32 $8.000000000e+00, v2;
	v7 =	vmul.u32 $0x48, v7;
	v12 =	vld.idx.msk [tilespmem:v13+s17+$0x0], $0xffff;
	v13 =	vmov s21  }
0x30a: {  	s10 =	sshll.u32 s16, $0xA;
	v20 =	vor.u32 $0x1, v5;
	v14 =	vmul.f32 $8.000000000e+00, v14;
	v13 =	vshrl.u32 v13, $0x3  }
0x30b: {  	s12 =	sor.u32 s15, s10;
	v7 =	vbroadcast v7, $0x0;
	v13 =	vshll.u32 v13, v1;
	[tilespmem:s1+$0x12980] =	vst v2;
	v2 =	vshrl.u32 v22, $0x3  }
0x30c: {  	[tilespmem:s12+$0x12800] =	vst v14;
	v11 =	vmul.f32 $8.000000000e+00, v11;
	v14 =	vor.u32 $0x5, v4;
	v13 =	vbroadcast v13, $0x0;
	v8 =	vld.idx.msk [tilespmem:v8+s17+$0x0], $0xffff  }
0x30d: {  	s9 =	sshll.u32 s8, $0xA;
	v17 =	vmul.f32 $8.000000000e+00, v17;
	v2 =	vshll.u32 v2, v1;
	v22 =	vld.idx.msk [tilespmem:v19+s17+$0x0], $0xffff;
	v7 =	vadd.s32 v0, v7  }
0x30e: {  	s10 =	sor.u32 s15, s9;
	v19 =	vbroadcast v2, $0x0;
	[tilespmem:s7+$0x12900] =	vst v11;
	v11 =	vmul.f32 $8.000000000e+00, v10;
	v2 =	vadd.s32 v7, v13  }
0x30f: {  	v16 =	vor.u32 $0x5, v3;
	[tilespmem:s10+$0x12800] =	vst v17;
	v12 =	vmul.f32 $8.000000000e+00, v12;
	v13 =	vld.idx.msk [tilespmem:v21+s17+$0x0], $0xffff  }
0x310: {  	v25 =	vor.u32 $0x5, v6;
	v10 =	vor.u32 $0x6, v3;
	v20 =	vld.idx.msk [tilespmem:v20+s17+$0x0], $0xffff;
	[tilespmem:s6+$0x12A00] =	vst v11;
	v11 =	vor.u32 $0x2, v15  }
0x311: {  	v17 =	vor.u32 $0x7, v3;
	v26 =	vadd.s32 v19, v7;
	[tilespmem:s0+$0x12900] =	vst v12;
	v7 =	vld.idx.msk [tilespmem:v14+s17+$0x0], $0xffff;
	v8 =	vmul.f32 $8.000000000e+00, v8  }
0x312: {  	v3 =	vor.u32 $0x7, v6;
	v12 =	vld.idx.msk [tilespmem:v18+s17+$0x0], $0xffff;
	v18 =	vor.u32 $0x4, v9;
	v14 =	vmul.f32 $8.000000000e+00, v22  }
0x313: {  	v21 =	vor.u32 $0x4, v6;
	v19 =	vor.u32 $0x6, v6;
	v6 =	vor.u32 $0x2, v5;
	v23 =	vld.idx.msk [tilespmem:v2+s17+$0x0], $0xffff;
	[tilespmem:s1+$0x12A00] =	vst v8  }
0x314: {  	v24 =	vor.u32 $0x6, v4;
	s22 =	simm.s32 $0x8;
	v52 =	vor.u32 $0x7, v9;
	[tilespmem:s12+$0x12880] =	vst v14;
	v14 =	vmul.f32 $8.000000000e+00, v13;
	v16 =	vld.idx.msk [tilespmem:v16+s17+$0x0], $0xffff  }
0x315: {  	s23 =	simm.s32 $0x10;
	s9 =	sand.u32 $0x6, s22;
	v33 =	vor.u32 $0x4, v15;
	v30 =	vor.u32 $0x1, v2;
	v20 =	vmul.f32 $8.000000000e+00, v20;
	v11 =	vld.idx.msk [tilespmem:v11+s17+$0x0], $0xffff  }
0x316: {  	s8 =	sand.u32 $0x70, s23;
	s25 =	sor.u32 $0x1, s9;
	s15 =	sshll.u32 s9, $0x3;
	v28 =	vor.u32 $0x1, v26;
	v22 =	vor.u32 $0x3, v5;
	v29 =	vld.idx.msk [tilespmem:v26+s17+$0x0], $0xffff;
	[tilespmem:s7+$0x12980] =	vst v14;
	v7 =	vmul.f32 $8.000000000e+00, v7  }
0x317: {  	s16 =	sshll.u32 s25, $0x3;
	v14 =	vmov s8;
	[tilespmem:s10+$0x12880] =	vst v20;
	v12 =	vmul.f32 $8.000000000e+00, v12;
	v20 =	vmov s15;
	v18 =	vld.idx.msk [tilespmem:v18+s17+$0x0], $0xffff  }
0x318: {  	s13 =	sshll.u32 s13, $0xA;
	v14 =	vmul.u32 $0x48, v14;
	v31 =	vld.idx.msk [tilespmem:v6+s17+$0x0], $0xffff;
	v6 =	vmov s16;
	[tilespmem:s6+$0x12A80] =	vst v7;
	v8 =	vmul.f32 $8.000000000e+00, v23  }
0x319: {  	s13 =	sor.u32 s20, s13;
	v7 =	vor.u32 $0x3, v15;
	v6 =	vshrl.u32 v6, $0x3;
	[tilespmem:s0+$0x12980] =	vst v12;
	v16 =	vmul.f32 $8.000000000e+00, v16  }
0x31a: {  	v23 =	vld.idx.msk [tilespmem:v24+s17+$0x0], $0xffff;
	v14 =	vbroadcast v14, $0x0;
	v6 =	vshll.u32 v6, v1;
	v11 =	vmul.f32 $8.000000000e+00, v11;
	[tilespmem:s13+$0x12800] =	vst v8  }
0x31b: {  	v20 =	vshrl.u32 v20, $0x3;
	v12 =	vor.u32 $0x5, v9;
	v21 =	vld.idx.msk [tilespmem:v21+s17+$0x0], $0xffff;
	v6 =	vbroadcast v6, $0x0;
	[tilespmem:s1+$0x12A80] =	vst v16  }
0x31c: {  	s11 =	sshll.u32 s3, $0xA;
	v8 =	vmul.f32 $8.000000000e+00, v29;
	v24 =	vld.idx.msk [tilespmem:v30+s17+$0x0], $0xffff;
	v14 =	vadd.s32 v0, v14;
	[tilespmem:s12+$0x12900] =	vst v11;
	v11 =	vmul.f32 $8.000000000e+00, v18  }
0x31d: {  	s11 =	sor.u32 s20, s11;
	v18 =	vor.u32 $0x7, v4;
	v4 =	vshll.u32 v20, v1;
	v6 =	vadd.s32 v14, v6;
	v50 =	vld.idx.msk [tilespmem:v10+s17+$0x0], $0xffff  }
0x31e: {  	v27 =	vor.u32 $0x4, v5;
	[tilespmem:s11+$0x12800] =	vst v8;
	v20 =	vmul.f32 $8.000000000e+00, v31;
	v29 =	vld.idx.msk [tilespmem:v7+s17+$0x0], $0xffff;
	v7 =	vbroadcast v4, $0x0  }
0x31f: {  	v37 =	vor.u32 $0x3, v2;
	v31 =	vor.u32 $0x2, v2;
	v28 =	vld.idx.msk [tilespmem:v28+s17+$0x0], $0xffff;
	[tilespmem:s7+$0x12A00] =	vst v11;
	v11 =	vmul.f32 $8.000000000e+00, v23  }
0x320: {  	v13 =	vor.u32 $0x5, v5;
	[tilespmem:s10+$0x12900] =	vst v20;
	v21 =	vmul.f32 $8.000000000e+00, v21;
	v12 =	vld.idx.msk [tilespmem:v12+s17+$0x0], $0xffff;
	v14 =	vadd.s32 v7, v14  }
0x321: {  	v30 =	vor.u32 $0x2, v26;
	v8 =	vor.u32 $0x6, v5;
	v32 =	vld.idx.msk [tilespmem:v22+s17+$0x0], $0xffff;
	[tilespmem:s6+$0x12B00] =	vst v11;
	v11 =	vmul.f32 $8.000000000e+00, v24  }
0x322: {  	s21 =	simm.s32 $0xA;
	v4 =	vor.u32 $0x7, v5;
	v5 =	vor.u32 $0x7, v26;
	v20 =	vor.u32 $0x3, v26;
	[tilespmem:s0+$0x12A00] =	vst v21;
	v21 =	vld.idx.msk [tilespmem:v6+s17+$0x0], $0xffff  }
0x323: {  	s16 =	sand.u32 $0x6, s21;
	v23 =	vor.u32 $0x4, v26;
	v7 =	vor.u32 $0x6, v26;
	v25 =	vld.idx.msk [tilespmem:v25+s17+$0x0], $0xffff;
	[tilespmem:s13+$0x12880] =	vst v11;
	v11 =	vmul.f32 $8.000000000e+00, v29  }
0x324: {  	s22 =	simm.s32 $0x14;
	s3 =	sshll.u32 s16, $0x3;
	v24 =	vor.u32 $0x5, v26;
	v26 =	vor.u32 $0x6, v9;
	v28 =	vmul.f32 $8.000000000e+00, v28;
	v31 =	vld.idx.msk [tilespmem:v31+s17+$0x0], $0xffff  }
0x325: {  	s15 =	sand.u32 $0x70, s22;
	s21 =	sor.u32 $0x1, s16;
	v49 =	vmov s3;
	v36 =	vor.u32 $0x1, v6;
	v35 =	vld.idx.msk [tilespmem:v14+s17+$0x0], $0xffff;
	[tilespmem:s12+$0x12980] =	vst v11;
	v11 =	vmul.f32 $8.000000000e+00, v12  }
0x326: {  	s20 =	sshll.u32 s21, $0x3;
	v29 =	vor.u32 $0x1, v14;
	v12 =	vmov s15;
	[tilespmem:s11+$0x12880] =	vst v28;
	v28 =	vmul.f32 $8.000000000e+00, v32;
	v48 =	vld.idx.msk [tilespmem:v33+s17+$0x0], $0xffff  }
0x327: {  	s23 =	sshll.u32 s25, $0xA;
	v12 =	vmul.u32 $0x48, v12;
	v30 =	vld.idx.msk [tilespmem:v30+s17+$0x0], $0xffff;
	[tilespmem:s7+$0x12A80] =	vst v11;
	v11 =	vmov s20;
	v21 =	vmul.f32 $8.000000000e+00, v21  }
0x328: {  	s3 =	sor.u32 s8, s23;
	v18 =	vld.idx.msk [tilespmem:v18+s17+$0x0], $0xffff;
	[tilespmem:s10+$0x12980] =	vst v28;
	v28 =	vor.u32 $0x5, v15;
	v25 =	vmul.f32 $8.000000000e+00, v25;
	v11 =	vshrl.u32 v11, $0x3  }
0x329: {  	v26 =	vld.idx.msk [tilespmem:v26+s17+$0x0], $0xffff;
	v12 =	vbroadcast v12, $0x0;
	v11 =	vshll.u32 v11, v1;
	v16 =	vmul.f32 $8.000000000e+00, v31;
	[tilespmem:s3+$0x12800] =	vst v21  }
0x32a: {  	s9 =	sshll.u32 s9, $0xA;
	v27 =	vld.idx.msk [tilespmem:v27+s17+$0x0], $0xffff;
	v31 =	vshrl.u32 v49, $0x3;
	[tilespmem:s0+$0x12A80] =	vst v25;
	v10 =	vbroadcast v11, $0x0;
	v11 =	vmul.f32 $8.000000000e+00, v35  }
0x32b: {  	s14 =	sor.u32 s8, s9;
	v21 =	vld.idx.msk [tilespmem:v36+s17+$0x0], $0xffff;
	v51 =	vadd.s32 v0, v12;
	v9 =	vshll.u32 v31, v1;
	[tilespmem:s13+$0x12900] =	vst v16;
	v12 =	vmul.f32 $8.000000000e+00, v48  }
0x32c: {  	v39 =	vor.u32 $0x6, v15;
	v19 =	vld.idx.msk [tilespmem:v19+s17+$0x0], $0xffff;
	v30 =	vmul.f32 $8.000000000e+00, v30;
	v9 =	vbroadcast v9, $0x0;
	[tilespmem:s14+$0x12800] =	vst v11  }
0x32d: {  	v53 =	vor.u32 $0x2, v6;
	v33 =	vmul.f32 $8.000000000e+00, v50;
	v10 =	vadd.s32 v51, v10;
	v31 =	vld.idx.msk [tilespmem:v37+s17+$0x0], $0xffff;
	[tilespmem:s12+$0x12A00] =	vst v12  }
0x32e: {  	v34 =	vor.u32 $0x2, v14;
	v29 =	vld.idx.msk [tilespmem:v29+s17+$0x0], $0xffff;
	v26 =	vmul.f32 $8.000000000e+00, v26;
	[tilespmem:s11+$0x12900] =	vst v30;
	v30 =	vadd.s32 v9, v51  }
0x32f: {  	s8 =	simm.s32 $0xC;
	v22 =	vor.u32 $0x3, v14;
	v18 =	vmul.f32 $8.000000000e+00, v18;
	[tilespmem:s1+$0x12B00] =	vst v33;
	v16 =	vor.u32 $0x4, v14;
	v28 =	vld.idx.msk [tilespmem:v28+s17+$0x0], $0xffff  }
0x330: {  	s23 =	sand.u32 $0x6, s8;
	v11 =	vor.u32 $0x5, v14;
	v12 =	vor.u32 $0x6, v14;
	v27 =	vmul.f32 $8.000000000e+00, v27;
	v54 =	vld.idx.msk [tilespmem:v20+s17+$0x0], $0xffff;
	[tilespmem:s7+$0x12B00] =	vst v26  }
0x331: {  	s25 =	sshll.u32 s23, $0x3;
	s22 =	sor.u32 $0x1, s23;
	[tilespmem:s6+$0x12B80] =	vst v18;
	v9 =	vor.u32 $0x7, v14;
	v14 =	vmul.f32 $8.000000000e+00, v21;
	v26 =	vor.u32 $0x4, v2;
	v32 =	vld.idx.msk [tilespmem:v52+s17+$0x0], $0xffff  }
0x332: {  	v62 =	vor.u32 $0x7, v15;
	v57 =	vmov s25;
	s25 =	sshll.u32 s22, $0x3;
	[tilespmem:s10+$0x12A00] =	vst v27;
	v27 =	vld.idx.msk [tilespmem:v10+s17+$0x0], $0xffff;
	v31 =	vmul.f32 $8.000000000e+00, v31  }
0x333: {  	s9 =	simm.s32 $0x18;
	v58 =	vmov s25;
	v59 =	vshrl.u32 v57, $0x3;
	[tilespmem:s3+$0x12880] =	vst v14;
	v25 =	vmul.f32 $8.000000000e+00, v29;
	v56 =	vld.idx.msk [tilespmem:v30+s17+$0x0], $0xffff  }
0x334: {  	s20 =	sand.u32 $0x70, s9;
	v36 =	vor.u32 $0x6, v2;
	v40 =	vor.u32 $0x1, v10;
	v29 =	vld.idx.msk [tilespmem:v53+s17+$0x0], $0xffff;
	[tilespmem:s13+$0x12980] =	vst v31;
	v28 =	vmul.f32 $8.000000000e+00, v28  }
0x335: {  	v37 =	vor.u32 $0x2, v10;
	v38 =	vld.idx.msk [tilespmem:v13+s17+$0x0], $0xffff;
	v31 =	vmov s20;
	[tilespmem:s14+$0x12880] =	vst v25;
	v25 =	vmul.f32 $8.000000000e+00, v54  }
0x336: {  	v55 =	vor.u32 $0x1, v30;
	v26 =	vld.idx.msk [tilespmem:v26+s17+$0x0], $0xffff;
	v31 =	vmul.u32 $0x48, v31;
	[tilespmem:s12+$0x12A80] =	vst v28;
	v28 =	vmul.f32 $8.000000000e+00, v32  }
0x337: {  	s21 =	sshll.u32 s21, $0xA;
	v20 =	vor.u32 $0x3, v30;
	v34 =	vld.idx.msk [tilespmem:v34+s17+$0x0], $0xffff;
	v32 =	vshrl.u32 v58, $0x3;
	v27 =	vmul.f32 $8.000000000e+00, v27;
	[tilespmem:s11+$0x12980] =	vst v25  }
0x338: {  	s16 =	sshll.u32 s16, $0xA;
	s6 =	sor.u32 s15, s21;
	v25 =	vor.u32 $0x3, v6;
	v39 =	vld.idx.msk [tilespmem:v39+s17+$0x0], $0xffff;
	v31 =	vbroadcast v31, $0x0;
	[tilespmem:s7+$0x12B80] =	vst v28;
	v60 =	vmul.f32 $8.000000000e+00, v56  }
0x339: {  	v32 =	vshll.u32 v32, v1;
	v23 =	vld.idx.msk [tilespmem:v23+s17+$0x0], $0xffff;
	s7 =	sor.u32 s15, s16;
	[tilespmem:s6+$0x12800] =	vst v27;
	v27 =	vmul.f32 $8.000000000e+00, v29;
	v29 =	vor.u32 $0x5, v2  }
0x33a: {  	v18 =	vor.u32 $0x4, v30;
	v41 =	vmul.f32 $8.000000000e+00, v38;
	v32 =	vbroadcast v32, $0x0;
	v61 =	vld.idx.msk [tilespmem:v40+s17+$0x0], $0xffff;
	[tilespmem:s7+$0x12800] =	vst v60  }
0x33b: {  	v15 =	vor.u32 $0x7, v30;
	v31 =	vadd.s32 v0, v31;
	[tilespmem:s3+$0x12900] =	vst v27;
	v27 =	vmul.f32 $8.000000000e+00, v26;
	v26 =	vld.idx.msk [tilespmem:v17+s17+$0x0], $0xffff  }
0x33c: {  	v28 =	vshll.u32 v59, v1;
	[tilespmem:s10+$0x12A80] =	vst v41;
	v17 =	vadd.s32 v31, v32;
	v63 =	vmul.f32 $8.000000000e+00, v34;
	v35 =	vld.idx.msk [tilespmem:v55+s17+$0x0], $0xffff  }
0x33d: {  	v21 =	vor.u32 $0x2, v30;
	v28 =	vbroadcast v28, $0x0;
	v42 =	vld.idx.msk [tilespmem:v25+s17+$0x0], $0xffff;
	v25 =	vmul.f32 $8.000000000e+00, v39;
	[tilespmem:s13+$0x12A00] =	vst v27  }
0x33e: {  	v13 =	vor.u32 $0x6, v30;
	v14 =	vor.u32 $0x5, v30;
	v41 =	vmul.f32 $8.000000000e+00, v19;
	[tilespmem:s14+$0x12900] =	vst v63;
	v33 =	vld.idx.msk [tilespmem:v29+s17+$0x0], $0xffff  }
0x33f: {  	v38 =	vadd.s32 v28, v31;
	v34 =	vor.u32 $0x4, v6;
	v28 =	vmul.f32 $8.000000000e+00, v23;
	v31 =	vld.idx.msk [tilespmem:v22+s17+$0x0], $0xffff;
	[tilespmem:s12+$0x12B00] =	vst v25  }
0x340: {  	v32 =	vor.u32 $0x2, v38;
	v19 =	vor.u32 $0x7, v38;
	v29 =	vmul.f32 $8.000000000e+00, v61;
	v30 =	vld.idx.msk [tilespmem:v62+s17+$0x0], $0xffff  }
0x341: {  	s25 =	sshll.u32 s23, $0xA;
	v27 =	vor.u32 $0x1, v38;
	v23 =	vor.u32 $0x3, v38;
	v25 =	vor.u32 $0x4, v38;
	[tilespmem:s11+$0x12A00] =	vst v28;
	v39 =	vld.idx.msk [tilespmem:v17+s17+$0x0], $0xffff  }
0x342: {  	s15 =	sor.u32 s20, s25;
	v22 =	vor.u32 $0x6, v38;
	v28 =	vor.u32 $0x5, v38;
	v24 =	vld.idx.msk [tilespmem:v24+s17+$0x0], $0xffff;
	[tilespmem:s6+$0x12880] =	vst v29;
	v40 =	vmul.f32 $8.000000000e+00, v42  }
.LBB2_17:
0x343: {  	s8 =	sadd.s32 $0x2, s8;
	s9 =	sadd.s32 $0x4, s9;
	v35 =	vmul.f32 $8.000000000e+00, v35;
	v37 =	vld.idx.msk [tilespmem:v37+s17+$0x0], $0xffff;
	[tilespmem:s0+$0x12B00] =	vst v41;
	v26 =	vmul.f32 $8.000000000e+00, v26;
	v29 =	vmov v28  }
0x344: {  	v33 =	vmul.f32 $8.000000000e+00, v33;
	s16 =	sand.u32 $0x6, s8;
	s21 =	sand.u32 $0x70, s9;
	p1 =	slt.u32 s8, $0x3E;
	v28 =	vld.idx.msk [tilespmem:v38+s17+$0x0], $0xffff;
	[tilespmem:s3+$0x12980] =	vst v40  }
0x345: {  	v40 =	vor.u32 $0x1, v17;
	v31 =	vmul.f32 $8.000000000e+00, v31;
	v38 =	vmov s21;
	s23 =	sshll.u32 s16, $0x3;
	s25 =	sshll.u32 s16, $0xA;
	s16 =	sor.u32 $0x1, s16;
	[tilespmem:s7+$0x12880] =	vst v35;
	v34 =	vld.idx.msk [tilespmem:v34+s17+$0x0], $0xffff  }
0x346: {  	v30 =	vmul.f32 $8.000000000e+00, v30;
	v35 =	vmov s23;
	v38 =	vmul.u32 $0x48, v38;
	s23 =	sor.u32 s21, s25;
	s25 =	sshll.u32 s16, $0x3;
	v41 =	vld.idx.msk [tilespmem:v21+s17+$0x0], $0xffff;
	[tilespmem:s13+$0x12A80] =	vst v33;
	v21 =	vmovc v32  }
0x347: {  	v33 =	vmul.f32 $8.000000000e+00, v39;
	v39 =	vor.u32 $0x3, v10;
	v32 =	vmov s25;
	s25 =	sshll.u32 s22, $0xA;
	[tilespmem:s14+$0x12980] =	vst v31;
	v31 =	vld.idx.msk [tilespmem:v36+s17+$0x0], $0xffff;
	s22 =	smov.u32 s16  }
0x348: {  	v35 =	vshrl.u32 v35, $0x3;
	v36 =	vbroadcast v38, $0x0;
	v32 =	vshrl.u32 v32, $0x3;
	s16 =	sor.u32 s20, s25;
	v42 =	vld.idx.msk [tilespmem:v16+s17+$0x0], $0xffff;
	[tilespmem:s12+$0x12B80] =	vst v30;
	v16 =	vmovc v18;
	v18 =	vmovc v25;
	s20 =	smov.u32 s21;
	s12 =	smov.u32 s13  }
0x349: {  	v30 =	vmul.f32 $8.000000000e+00, v37;
	s13 =	smov.u32 s3;
	s3 =	smov.u32 s6;
	v25 =	vshll.u32 v32, v1;
	[tilespmem:s16+$0x12800] =	vst v33;
	v32 =	vor.u32 $0x5, v6;
	v43 =	vld.idx.msk [tilespmem:v8+s17+$0x0], $0xffff;
	v8 =	vmovc v7;
	s6 =	smov.u32 s16  }
0x34a: {  	v33 =	vshll.u32 v35, v1;
	v28 =	vmul.f32 $8.000000000e+00, v28;
	v7 =	vmovc v12;
	v25 =	vbroadcast v25, $0x0;
	v40 =	vld.idx.msk [tilespmem:v40+s17+$0x0], $0xffff;
	[tilespmem:s1+$0x12B80] =	vst v26;
	s1 =	smov.u32 s0;
	s0 =	smov.u32 s10;
	s10 =	smov.u32 s11  }
0x34b: {  	v36 =	vadd.s32 v0, v36;
	v34 =	vmul.f32 $8.000000000e+00, v34;
	s11 =	smov.u32 s14;
	s14 =	smov.u32 s7;
	s7 =	smov.u32 s15;
	[tilespmem:s3+$0x12900] =	vst v30;
	v30 =	vor.u32 $0x7, v2;
	v26 =	vld.idx.msk [tilespmem:v3+s17+$0x0], $0xffff;
	v2 =	vmovc v6  }
0x34c: {  	v46 =	vbroadcast v33, $0x0;
	s15 =	smov.u32 s23;
	v6 =	vmovc v10;
	v44 =	vadd.s32 v36, v25;
	[tilespmem:s7+$0x12800] =	vst v28;
	v25 =	vmul.f32 $8.000000000e+00, v41;
	v45 =	vld.idx.msk [tilespmem:v39+s17+$0x0], $0xffff  }
0x34d: {  	v24 =	vmul.f32 $8.000000000e+00, v24;
	v12 =	vmovc v13;
	v10 =	vmovc v17;
	v28 =	vmul.f32 $8.000000000e+00, v31;
	v35 =	vld.idx.msk [tilespmem:v27+s17+$0x0], $0xffff;
	[tilespmem:s13+$0x12A00] =	vst v34;
	v17 =	vmov v44  }
.Ltmp7:
0x34e: {  	v13 =	vmovc v22;
	v38 =	vadd.s32 v46, v36;
	v37 =	vor.u32 $0x2, v10;
	v36 =	vmul.f32 $8.000000000e+00, v42;
	[tilespmem:s14+$0x12900] =	vst v25;
	v33 =	vld.idx.msk [tilespmem:v32+s17+$0x0], $0xffff;
	(pc) =	sbr.rel @p1 .LBB2_17-.Ltmp7, $4  }
0x34f: {  	v3 =	vmovc v4;
	v27 =	vor.u32 $0x1, v38;
	v32 =	vor.u32 $0x2, v38;
	v31 =	vld.idx.msk [tilespmem:v20+s17+$0x0], $0xffff;
	[tilespmem:s12+$0x12B00] =	vst v28;
	v20 =	vmovc v23;
	v23 =	vor.u32 $0x3, v38  }
0x350: {  	v4 =	vmovc v5;
	v5 =	vmovc v9;
	v34 =	vor.u32 $0x4, v6;
	v25 =	vor.u32 $0x4, v38;
	v40 =	vmul.f32 $8.000000000e+00, v40;
	[tilespmem:s11+$0x12A00] =	vst v36;
	v30 =	vld.idx.msk [tilespmem:v30+s17+$0x0], $0xffff  }
0x351: {  	v9 =	vmovc v15;
	v15 =	vmovc v19;
	v22 =	vor.u32 $0x6, v38;
	v41 =	vmul.f32 $8.000000000e+00, v43;
	v28 =	vor.u32 $0x5, v38;
	v39 =	vld.idx.msk [tilespmem:v44+s17+$0x0], $0xffff;
	[tilespmem:s10+$0x12A80] =	vst v24  }
0x352: {  	v19 =	vor.u32 $0x7, v38;
	v36 =	vor.u32 $0x6, v2;
	[tilespmem:s6+$0x12880] =	vst v40;
	v40 =	vmul.f32 $8.000000000e+00, v45;
	v24 =	vld.idx.msk [tilespmem:v11+s17+$0x0], $0xffff;
	v11 =	vmovc v14;
	v14 =	vmovc v29  }
0x353: {  	_ =	sdelay $0x3  }
0x354: {  	v29 =	vld.idx.msk [tilespmem:v38+s17+$0x0], $0xffff;
	v49 =	vor.u32 $0x1, v17;
	_ =	sdelay $0x1  }
0x355: {  	s8 =	sshll.u32 s22, $0xA;
	v39 =	vmul.f32 $8.000000000e+00, v39  }
0x356: {  	s8 =	sor.u32 s20, s8  }
0x357: {  	[tilespmem:s8+$0x12800] =	vst v39  }
0x358: {  	v29 =	vmul.f32 $8.000000000e+00, v29;
	v38 =	vld.idx.msk [tilespmem:v49+s17+$0x0], $0xffff;
	_ =	sdelay $0x1  }
0x359: {  	[tilespmem:s15+$0x12800] =	vst v29  }
0x35a: {  	v50 =	vor.u32 $0x2, v17;
	v27 =	vld.idx.msk [tilespmem:v27+s17+$0x0], $0xffff;
	_ =	sdelay $0x1  }
0x35b: {  	v38 =	vmul.f32 $8.000000000e+00, v38  }
0x35c: {  	v37 =	vld.idx.msk [tilespmem:v37+s17+$0x0], $0xffff  }
0x35d: {  	v35 =	vmul.f32 $8.000000000e+00, v35;
	[tilespmem:s8+$0x12880] =	vst v38  }
0x35e: {  	v27 =	vmul.f32 $8.000000000e+00, v27;
	v29 =	vld.idx.msk [tilespmem:v50+s17+$0x0], $0xffff  }
0x35f: {  	v51 =	vor.u32 $0x3, v10;
	[tilespmem:s7+$0x12880] =	vst v35  }
0x360: {  	v21 =	vld.idx.msk [tilespmem:v21+s17+$0x0], $0xffff;
	[tilespmem:s15+$0x12880] =	vst v27  }
0x361: {  	v53 =	vor.u32 $0x3, v17;
	v52 =	vmul.f32 $8.000000000e+00, v37;
	v32 =	vld.idx.msk [tilespmem:v32+s17+$0x0], $0xffff;
	_ =	sdelay $0x1  }
0x362: {  	[tilespmem:s6+$0x12900] =	vst v52;
	v54 =	vmul.f32 $8.000000000e+00, v29  }
0x363: {  	[tilespmem:s0+$0x12B00] =	vst v41;
	v55 =	vld.idx.msk [tilespmem:v51+s17+$0x0], $0xffff  }
0x364: {  	v21 =	vmul.f32 $8.000000000e+00, v21;
	[tilespmem:s8+$0x12900] =	vst v54  }
0x365: {  	[tilespmem:s3+$0x12980] =	vst v40;
	v56 =	vmul.f32 $8.000000000e+00, v32;
	v57 =	vld.idx.msk [tilespmem:v53+s17+$0x0], $0xffff  }
0x366: {  	v33 =	vmul.f32 $8.000000000e+00, v33;
	v58 =	vor.u32 $0x4, v10;
	[tilespmem:s7+$0x12900] =	vst v21  }
0x367: {  	v26 =	vmul.f32 $8.000000000e+00, v26;
	v20 =	vld.idx.msk [tilespmem:v20+s17+$0x0], $0xffff;
	[tilespmem:s15+$0x12900] =	vst v56  }
0x368: {  	v60 =	vor.u32 $0x4, v17;
	[tilespmem:s13+$0x12A80] =	vst v33;
	v59 =	vmul.f32 $8.000000000e+00, v55;
	v23 =	vld.idx.msk [tilespmem:v23+s17+$0x0], $0xffff  }
0x369: {  	v31 =	vmul.f32 $8.000000000e+00, v31;
	v61 =	vld.idx.msk [tilespmem:v34+s17+$0x0], $0xffff;
	[tilespmem:s1+$0x12B80] =	vst v26  }
0x36a: {  	[tilespmem:s6+$0x12980] =	vst v59;
	v63 =	vmul.f32 $8.000000000e+00, v57  }
0x36b: {  	v30 =	vmul.f32 $8.000000000e+00, v30;
	[tilespmem:s14+$0x12980] =	vst v31;
	v21 =	vld.idx.msk [tilespmem:v58+s17+$0x0], $0xffff  }
0x36c: {  	v34 =	vor.u32 $0x5, v6;
	v62 =	vld.idx.msk [tilespmem:v36+s17+$0x0], $0xffff;
	v20 =	vmul.f32 $8.000000000e+00, v20;
	[tilespmem:s8+$0x12980] =	vst v63  }
0x36d: {  	[tilespmem:s12+$0x12B80] =	vst v30;
	v23 =	vmul.f32 $8.000000000e+00, v23;
	v35 =	vld.idx.msk [tilespmem:v60+s17+$0x0], $0xffff  }
0x36e: {  	v16 =	vld.idx.msk [tilespmem:v16+s17+$0x0], $0xffff;
	v37 =	vor.u32 $0x5, v10;
	v36 =	vmul.f32 $8.000000000e+00, v61;
	[tilespmem:s7+$0x12980] =	vst v20  }
0x36f: {  	v2 =	vor.u32 $0x7, v2;
	v24 =	vmul.f32 $8.000000000e+00, v24;
	v18 =	vld.idx.msk [tilespmem:v18+s17+$0x0], $0xffff;
	[tilespmem:s15+$0x12980] =	vst v23  }
0x370: {  	v39 =	vor.u32 $0x5, v17;
	[tilespmem:s3+$0x12A00] =	vst v36;
	v21 =	vmul.f32 $8.000000000e+00, v21;
	v23 =	vld.idx.msk [tilespmem:v25+s17+$0x0], $0xffff  }
0x371: {  	[tilespmem:s11+$0x12A80] =	vst v24;
	v38 =	vmul.f32 $8.000000000e+00, v62;
	v27 =	vld.idx.msk [tilespmem:v34+s17+$0x0], $0xffff  }
0x372: {  	v8 =	vld.idx.msk [tilespmem:v8+s17+$0x0], $0xffff;
	[tilespmem:s6+$0x12A00] =	vst v21;
	v40 =	vmul.f32 $8.000000000e+00, v35  }
0x373: {  	v16 =	vmul.f32 $8.000000000e+00, v16;
	[tilespmem:s13+$0x12B00] =	vst v38;
	v41 =	vld.idx.msk [tilespmem:v37+s17+$0x0], $0xffff  }
0x374: {  	v42 =	vor.u32 $0x6, v6;
	v2 =	vld.idx.msk [tilespmem:v2+s17+$0x0], $0xffff;
	v18 =	vmul.f32 $8.000000000e+00, v18;
	[tilespmem:s8+$0x12A00] =	vst v40  }
0x375: {  	[tilespmem:s14+$0x12A00] =	vst v16;
	v43 =	vmul.f32 $8.000000000e+00, v23;
	v44 =	vld.idx.msk [tilespmem:v39+s17+$0x0], $0xffff  }
0x376: {  	v46 =	vor.u32 $0x6, v10;
	v11 =	vld.idx.msk [tilespmem:v11+s17+$0x0], $0xffff;
	v45 =	vmul.f32 $8.000000000e+00, v27;
	[tilespmem:s7+$0x12A00] =	vst v18  }
0x377: {  	v8 =	vmul.f32 $8.000000000e+00, v8;
	v14 =	vld.idx.msk [tilespmem:v14+s17+$0x0], $0xffff;
	[tilespmem:s15+$0x12A00] =	vst v43  }
0x378: {  	v47 =	vor.u32 $0x6, v17;
	[tilespmem:s3+$0x12A80] =	vst v45;
	v16 =	vmul.f32 $8.000000000e+00, v41;
	v21 =	vld.idx.msk [tilespmem:v28+s17+$0x0], $0xffff  }
0x379: {  	[tilespmem:s10+$0x12B00] =	vst v8;
	v2 =	vmul.f32 $8.000000000e+00, v2;
	v48 =	vld.idx.msk [tilespmem:v42+s17+$0x0], $0xffff  }
0x37a: {  	v3 =	vld.idx.msk [tilespmem:v3+s17+$0x0], $0xffff;
	[tilespmem:s6+$0x12A80] =	vst v16;
	v49 =	vmul.f32 $8.000000000e+00, v44  }
0x37b: {  	[tilespmem:s13+$0x12B80] =	vst v2;
	v2 =	vmul.f32 $8.000000000e+00, v11;
	v50 =	vld.idx.msk [tilespmem:v46+s17+$0x0], $0xffff  }
0x37c: {  	v7 =	vld.idx.msk [tilespmem:v7+s17+$0x0], $0xffff;
	v51 =	vor.u32 $0x7, v6;
	v14 =	vmul.f32 $8.000000000e+00, v14;
	[tilespmem:s8+$0x12A80] =	vst v49  }
0x37d: {  	[tilespmem:s14+$0x12A80] =	vst v2;
	v52 =	vmul.f32 $8.000000000e+00, v21;
	v2 =	vld.idx.msk [tilespmem:v47+s17+$0x0], $0xffff  }
0x37e: {  	v53 =	vor.u32 $0x7, v10;
	v12 =	vld.idx.msk [tilespmem:v12+s17+$0x0], $0xffff;
	v8 =	vmul.f32 $8.000000000e+00, v48;
	[tilespmem:s7+$0x12A80] =	vst v14  }
0x37f: {  	v3 =	vmul.f32 $8.000000000e+00, v3;
	v13 =	vld.idx.msk [tilespmem:v13+s17+$0x0], $0xffff;
	[tilespmem:s15+$0x12A80] =	vst v52  }
0x380: {  	v55 =	vor.u32 $0x7, v17;
	[tilespmem:s3+$0x12B00] =	vst v8;
	v54 =	vmul.f32 $8.000000000e+00, v50;
	v56 =	vld.idx.msk [tilespmem:v22+s17+$0x0], $0xffff  }
0x381: {  	[tilespmem:s0+$0x12B80] =	vst v3;
	v57 =	vmul.f32 $8.000000000e+00, v7;
	v3 =	vld.idx.msk [tilespmem:v51+s17+$0x0], $0xffff  }
0x382: {  	v4 =	vld.idx.msk [tilespmem:v4+s17+$0x0], $0xffff;
	[tilespmem:s6+$0x12B00] =	vst v54;
	v2 =	vmul.f32 $8.000000000e+00, v2  }
0x383: {  	[tilespmem:s11+$0x12B00] =	vst v57;
	v59 =	vmul.f32 $8.000000000e+00, v12;
	v58 =	vld.idx.msk [tilespmem:v53+s17+$0x0], $0xffff  }
0x384: {  	v5 =	vld.idx.msk [tilespmem:v5+s17+$0x0], $0xffff;
	[tilespmem:s8+$0x12B00] =	vst v2;
	v2 =	vmul.f32 $8.000000000e+00, v13  }
0x385: {  	[tilespmem:s14+$0x12B00] =	vst v59;
	v61 =	vmul.f32 $8.000000000e+00, v56;
	v60 =	vld.idx.msk [tilespmem:v55+s17+$0x0], $0xffff  }
0x386: {  	v9 =	vld.idx.msk [tilespmem:v9+s17+$0x0], $0xffff;
	v3 =	vmul.f32 $8.000000000e+00, v3;
	[tilespmem:s7+$0x12B00] =	vst v2  }
0x387: {  	v2 =	vmul.f32 $8.000000000e+00, v4;
	[tilespmem:s15+$0x12B00] =	vst v61;
	v62 =	vld.idx.msk [tilespmem:v15+s17+$0x0], $0xffff  }
0x388: {  	[tilespmem:s3+$0x12B80] =	vst v3;
	v3 =	vmul.f32 $8.000000000e+00, v58;
	v63 =	vld.idx.msk [tilespmem:v19+s17+$0x0], $0xffff  }
0x389: {  	[tilespmem:s10+$0x12B80] =	vst v2;
	v2 =	vmul.f32 $8.000000000e+00, v5  }
0x38a: {  	[tilespmem:s6+$0x12B80] =	vst v3;
	v3 =	vmul.f32 $8.000000000e+00, v60  }
0x38b: {  	[tilespmem:s11+$0x12B80] =	vst v2;
	v2 =	vmul.f32 $8.000000000e+00, v9  }
0x38c: {  	[tilespmem:s8+$0x12B80] =	vst v3;
	v3 =	vmul.f32 $8.000000000e+00, v62  }
0x38d: {  	[tilespmem:s14+$0x12B80] =	vst v2;
	v2 =	vmul.f32 $8.000000000e+00, v63  }
0x38e: {  	s25 =	sor.u32 $0x3, s30;
	s29 =	sadd.s32 $0x1, s29;
	[tilespmem:s7+$0x12B80] =	vst v3  }
0x38f: {  	s1 =	sadd.s32 @!p0 $0x380, s31;
	s3 =	simm.s32 @!p0 $0x80;
	s6 =	simm.s32 @!p0 $0xC400;
	[tilespmem:s15+$0x12B80] =	vst v2  }
0x390: {  	[tilespmem:s6], [sflag:$0x4] =	stream.indirect.gather @!p0 [hbm4b:s4+s3], $0x40, s1, s3, $0xb8;
	[tilespmem:$0x14800] =	vst v63  }
0x391: {  	s0 =	sadd.s32 s5, s25;
	p0 =	sne.s32 s29, $0x32  }
.Ltmp8:
0x392: {  	s30 =	sshll.u32 s0, $0x7;
	(pc) =	sbr.rel @p0 .LBB2_2-.Ltmp8, $4  }
0x393: {  	s0 =	sshll.u32 s0, $0xA;
	s1 =	sand.u32 $0xF80, s30  }
0x394: {  	s0 =	sand.u32 $0xFFF8000, s0;
	s1 =	sadd.s32 s2, s1  }
0x395: {  	s31 =	simm.s32 $0x12800;
	s0 =	sadd.s32 s0, s1  }
0x396: {  	[hbm4b:s0+s18] =	stream.strided.scatter [tilespmem:s31], [sflag:$0x6], $0x2000, s19, s18, $0x38;
	[tilespmem:$0x14800] =	vst v63  }
0x397: {  	_ =	swait.ge [sflag:s24], $0x2000  }
0x398: {  	[sflag:s24] =	ssyncset.done $0x0  }
0x399: {  	[sflag:s24] =	ssyncadd.s32 $0xFFFFE000  }
0x39a: {  	_ =	swait.ge [sflag:s26], $0x2000  }
0x39b: {  	s1 =	rddreg [dreg:$0x5]  }
0x39c: {  	s0 =	rddreg [dreg:$0x4];
	s1 =	sadd.s32 $0x1, s1  }
0x39d: {  	p0 =	sne.s32 s1, s0  }
.Ltmp9:
0x39e: {  	_ = 	snop;
	(pc) =	sbr.rel @p0 .LBB2_1-.Ltmp9, $3  }
0x39f: {  	_ =	sdelay $0x1  }
0x3a0: {  	[sflag:s26] =	ssyncset.done $0x0  }
0x3a1: {  	[sflag:s26] =	ssyncadd.s32 $0xFFFFE000  }
0x3a2: {  	_ =	sfence.sel $0x180000  }
0x3a3: {  	[bflag:$0x0] =	sbarrier.arrive $0xFFFF  }
0x3a4: {  	_ =	strace $0x90000047  }
0x3a5: {  	s0 =	stileid.u32;
	[bflag:$0x2] =	sbarrier.arrive $0xFFFF  }
0x3a6: {  	p0 =	sne.s32 s0, $0x0;
	s0 =	rddreg [dreg:$0x2]  }
0x3a7: {  	s0 =	sadd.s32 @!p0 $0x100000, s0  }
0x3a8: {  	[sflag:s0] =	ssyncadd.tile.s32 @!p0 $0x1;
	_ =	shalt  }
.Lfunc_end2:
_tile_overlayer_lowered:
.L_overlay_start_2:
0x3a9: {  	(tag) =	ssettag $0x2  }
0x3aa: {  	s0 =	rddreg [dreg:$0x0];
	s2 =	stileid.u32  }
0x3ab: {  	s1 =	rddreg [dreg:$0x1];
	p0 =	sne.s32 s2, $0x0  }
0x3ac: {  	s3 =	rddreg [dreg:$0x2];
	[bflag:$0x3] =	sbarrier.arrive $0xFFFF;
	s2 =	simm.s32 @!p0 $0x1C07  }
0x3ad: {  	[timem:s3], [sflag:s2] =	dma.local @!p0 [hbm:s0], s1  }
0x3ae: {  	s0 =	simm.s32 @!p0 $0x7  }
0x3af: {  	_ =	swait.ge @!p0 [sflag:s0], s1  }
0x3b0: {  	s1 =	ssub.s32 @!p0 $0x0, s1;
	[sflag:s0] =	ssyncset.done @!p0 $0x0  }
0x3b1: {  	[sflag:s0] =	ssyncadd.s32 @!p0 s1  }
0x3b2: {  	[bflag:$0x3] =	sbarrier.arrive $0xFFFF  }
0x3b3: {  	_ =	shalt  }

</sc_bundles>
